<compile_context>
chip_gen: v7x
topology: tpu7x:2x2x1
jax: 0.10.2.dev20260603
libtpu: 0.0.44.dev20260713+nightly
codegen_flags: <defaults>
</compile_context>

<pallas_src>
import jax
import jax.numpy as jnp
from jax import lax
from jax.experimental import pallas as pl
from jax.experimental.pallas import tpu as pltpu
from jax.experimental.pallas import tpu_sc as plsc

DIM = 1024
E = 8
HIDDEN = 2048
N_TOK = 4096
BLK = 512
A = N_TOK * 2
G = A + E * BLK
NB = G // BLK
WL = 128

_NC, _NS = 2, 16
_NW = _NC * _NS



def _router_body(rs_ref, x_ref, gw_ref, i0_ref, i1_ref, w0_ref, w1_ref):
    xf = x_ref[...]
    gw = gw_ref[...]
    logits = lax.dot_general(gw, xf, (((1,), (1,)), ((), ())),
                             preferred_element_type=jnp.float32)
    scaled = logits * rs_ref[0]
    iota = lax.broadcasted_iota(jnp.int32, scaled.shape, 0)
    m0 = jnp.max(scaled, axis=0, keepdims=True)
    i0 = jnp.min(jnp.where(scaled == m0, iota, E), axis=0, keepdims=True)
    masked = jnp.where(iota == i0, -jnp.inf, scaled)
    m1 = jnp.max(masked, axis=0, keepdims=True)
    i1 = jnp.min(jnp.where(masked == m1, iota, E), axis=0, keepdims=True)
    e1 = jnp.exp(m1 - m0)
    w0 = 1.0 / (1.0 + e1)
    w1 = e1 / (1.0 + e1)
    i0_ref[...] = i0
    i1_ref[...] = i1
    w0_ref[...] = w0
    w1_ref[...] = w1


def _router(xf, gate_w, router_scale):
    out = pl.pallas_call(
        _router_body,
        in_specs=[
            pl.BlockSpec(memory_space=pltpu.SMEM),
            pl.BlockSpec(memory_space=pltpu.VMEM),
            pl.BlockSpec(memory_space=pltpu.VMEM),
        ],
        out_specs=[pl.BlockSpec(memory_space=pltpu.VMEM)] * 4,
        out_shape=[
            jax.ShapeDtypeStruct((1, N_TOK), jnp.int32),
            jax.ShapeDtypeStruct((1, N_TOK), jnp.int32),
            jax.ShapeDtypeStruct((1, N_TOK), jnp.float32),
            jax.ShapeDtypeStruct((1, N_TOK), jnp.float32),
        ],
    )(router_scale, xf, gate_w)
    i0, i1, w0, w1 = out
    w0b = jnp.broadcast_to(w0.reshape(N_TOK, 1), (N_TOK, WL))
    w1b = jnp.broadcast_to(w1.reshape(N_TOK, 1), (N_TOK, WL))
    return i0[0], i1[0], w0b, w1b



def _dispatch(i0, i1):
    e_all = jnp.stack([i0, i1], axis=1).reshape(-1)
    masks = (e_all[None, :] == jnp.arange(E, dtype=e_all.dtype)[:, None])
    counts = jnp.sum(masks, axis=1)
    cums = jnp.cumsum(masks.astype(jnp.int32), axis=1)
    rank = jnp.sum(jnp.where(masks, cums, 0), axis=0) - 1
    padded = ((counts + BLK - 1) // BLK) * BLK
    ends = jnp.cumsum(padded)
    starts = ends - padded
    pos = (starts[e_all] + rank).astype(jnp.int32)
    bstart = jnp.arange(NB, dtype=jnp.int32) * BLK
    block_expert = jnp.sum(bstart[:, None] >= ends[None, :], axis=1)
    block_expert = jnp.minimum(block_expert, E - 1).astype(jnp.int32)
    nreal = (ends[-1] // BLK).astype(jnp.int32).reshape((1,))
    return pos[0::2], pos[1::2], block_expert, nreal



_SCH = 32


def _sc_scatter_body(xf_hbm, p0_hbm, p1_hbm, w0_hbm, w1_hbm,
                     out_hbm, ws_hbm,
                     p0v, p1v, wv0, wv1, rows_v, rsem, s0sem, s1sem, wssem):
    wid = lax.axis_index("s") * _NC + lax.axis_index("c")
    per_w = N_TOK // _NW
    n_chunks = per_w // _SCH
    base = wid * per_w
    rowbase = wid * n_chunks

    pltpu.sync_copy(p0_hbm.at[pl.ds(rowbase, n_chunks)], p0v)
    pltpu.sync_copy(p1_hbm.at[pl.ds(rowbase, n_chunks)], p1v)
    pltpu.sync_copy(w0_hbm.at[pl.ds(base, per_w)], wv0)
    pltpu.sync_copy(w1_hbm.at[pl.ds(base, per_w)], wv1)

    def fire(j, buf):
        pltpu.async_copy(xf_hbm.at[pl.ds(base + j * _SCH, _SCH)],
                         rows_v.at[buf], rsem.at[buf])

    fire(0, 0)

    def chunk(j, carry):
        buf = lax.rem(j, 2)
        nbuf = 1 - buf

        @pl.when(j + 1 < n_chunks)
        def _():
            @pl.when(j >= 1)
            def _():
                pltpu.make_async_copy(
                    rows_v.at[nbuf], out_hbm.at[pl.ds(base, _SCH)],
                    s0sem.at[nbuf]).wait()
                pltpu.make_async_copy(
                    rows_v.at[nbuf], out_hbm.at[pl.ds(base, _SCH)],
                    s1sem.at[nbuf]).wait()
            fire(j + 1, nbuf)

        pltpu.make_async_copy(
            xf_hbm.at[pl.ds(base, _SCH)], rows_v.at[buf],
            rsem.at[buf]).wait()
        pltpu.async_copy(rows_v.at[buf], out_hbm.at[p0v.at[j]],
                         s0sem.at[buf])
        pltpu.async_copy(rows_v.at[buf], out_hbm.at[p1v.at[j]],
                         s1sem.at[buf])
        pltpu.async_copy(wv0.at[pl.ds(j * _SCH, _SCH)],
                         ws_hbm.at[p0v.at[j]], wssem)
        pltpu.async_copy(wv1.at[pl.ds(j * _SCH, _SCH)],
                         ws_hbm.at[p1v.at[j]], wssem)
        return carry

    lax.fori_loop(0, n_chunks, chunk, 0)
    for slot in (0, 1):
        pltpu.make_async_copy(
            rows_v.at[slot], out_hbm.at[pl.ds(base, _SCH)],
            s0sem.at[slot]).wait()
        pltpu.make_async_copy(
            rows_v.at[slot], out_hbm.at[pl.ds(base, _SCH)],
            s1sem.at[slot]).wait()
    for _ in range(2 * (N_TOK // _NW // _SCH)):
        pltpu.make_async_copy(
            wv0.at[pl.ds(0, _SCH)], ws_hbm.at[pl.ds(base, _SCH)],
            wssem).wait()


def _sc_scatter(xf, pos0_2d, pos1_2d, w0b, w1b):
    mesh = plsc.VectorSubcoreMesh(core_axis_name="c", subcore_axis_name="s")
    per_w = N_TOK // _NW
    n_chunks = per_w // _SCH
    f = pl.kernel(
        _sc_scatter_body,
        out_type=[
            jax.ShapeDtypeStruct((G, DIM), jnp.float32),
            jax.ShapeDtypeStruct((G, WL), jnp.float32),
        ],
        mesh=mesh,
        scratch_types=[
            pltpu.VMEM((n_chunks, _SCH), jnp.int32),
            pltpu.VMEM((n_chunks, _SCH), jnp.int32),
            pltpu.VMEM((per_w, WL), jnp.float32),
            pltpu.VMEM((per_w, WL), jnp.float32),
            pltpu.VMEM((2, _SCH, DIM), jnp.float32),
            pltpu.SemaphoreType.DMA((2,)),
            pltpu.SemaphoreType.DMA((2,)),
            pltpu.SemaphoreType.DMA((2,)),
            pltpu.SemaphoreType.DMA,
        ],
    )
    return f(xf, pos0_2d, pos1_2d, w0b, w1b)



def _ffn_body(be_ref, nr_ref, x_ref, w1_ref, b1_ref, w2_ref, b2_ref,
              w3_ref, b3_ref, ws_ref, o_ref):
    b = pl.program_id(0)

    @pl.when(b < nr_ref[0])
    def _():
        x = x_ref[...]
        h1 = lax.dot_general(x, w1_ref[0], (((1,), (1,)), ((), ())),
                             preferred_element_type=jnp.float32)
        h1 = h1 + b1_ref[0]
        h2 = lax.dot_general(x, w2_ref[0], (((1,), (1,)), ((), ())),
                             preferred_element_type=jnp.float32)
        h2 = h2 + b2_ref[0]
        h = (h1 * jax.nn.sigmoid(h1)) * h2
        o = lax.dot_general(h, w3_ref[0], (((1,), (1,)), ((), ())),
                            preferred_element_type=jnp.float32)
        o = o + b3_ref[0]
        o_ref[...] = o * ws_ref[:, :1]

def _ffn(x_sorted, ws_sorted, block_expert, nreal, W1, b1, W2, b2, W3, b3):
    spec = pltpu.PrefetchScalarGridSpec(
        num_scalar_prefetch=2,
        grid=(NB,),
        in_specs=[
            pl.BlockSpec((BLK, DIM), lambda b, be, nr: (b, 0)),
            pl.BlockSpec((1, HIDDEN, DIM), lambda b, be, nr: (be[b], 0, 0)),
            pl.BlockSpec((1, 1, HIDDEN), lambda b, be, nr: (be[b], 0, 0)),
            pl.BlockSpec((1, HIDDEN, DIM), lambda b, be, nr: (be[b], 0, 0)),
            pl.BlockSpec((1, 1, HIDDEN), lambda b, be, nr: (be[b], 0, 0)),
            pl.BlockSpec((1, DIM, HIDDEN), lambda b, be, nr: (be[b], 0, 0)),
            pl.BlockSpec((1, 1, DIM), lambda b, be, nr: (be[b], 0, 0)),
            pl.BlockSpec((BLK, WL), lambda b, be, nr: (b, 0)),
        ],
        out_specs=pl.BlockSpec((BLK, DIM), lambda b, be, nr: (b, 0)),
    )
    return pl.pallas_call(
        _ffn_body,
        grid_spec=spec,
        out_shape=jax.ShapeDtypeStruct((G, DIM), jnp.float32),
        compiler_params=pltpu.CompilerParams(
            dimension_semantics=("arbitrary",),
            vmem_limit_bytes=110 * 1024 * 1024),
    )(block_expert, nreal, x_sorted,
      W1, b1.reshape(E, 1, HIDDEN), W2, b2.reshape(E, 1, HIDDEN),
      W3, b3.reshape(E, 1, DIM), ws_sorted)



_CCH = 16


def _sc_combine_body(o_hbm, p0_hbm, p1_hbm, y_hbm,
                     i0v, i1v, r0v, r1v, gsem, wsem):
    wid = lax.axis_index("s") * _NC + lax.axis_index("c")
    per_w = N_TOK // _NW
    n_chunks = per_w // _CCH
    base = wid * per_w
    rowbase = wid * n_chunks

    pltpu.sync_copy(p0_hbm.at[pl.ds(rowbase, n_chunks)], i0v)
    pltpu.sync_copy(p1_hbm.at[pl.ds(rowbase, n_chunks)], i1v)

    def fire(j, buf):
        pltpu.async_copy(o_hbm.at[i0v.at[j]], r0v.at[buf], gsem.at[buf])
        pltpu.async_copy(o_hbm.at[i1v.at[j]], r1v.at[buf], gsem.at[buf])

    fire(0, 0)

    def chunk(j, carry):
        buf = lax.rem(j, 2)
        nbuf = 1 - buf

        @pl.when(j + 1 < n_chunks)
        def _():
            @pl.when(j >= 1)
            def _():
                pltpu.make_async_copy(
                    r0v.at[nbuf], y_hbm.at[pl.ds(base, _CCH)],
                    wsem.at[nbuf]).wait()
            fire(j + 1, nbuf)

        pltpu.make_async_copy(
            o_hbm.at[i0v.at[j]], r0v.at[buf], gsem.at[buf]).wait()
        pltpu.make_async_copy(
            o_hbm.at[i1v.at[j]], r1v.at[buf], gsem.at[buf]).wait()

        def row(t, c2):
            for c in range(DIM // 16):
                s = pl.ds(c * 16, 16)
                plsc.addupdate(r0v.at[buf, t, s], r1v[buf, t, s])
            return c2

        lax.fori_loop(0, _CCH, row, 0)
        pltpu.async_copy(r0v.at[buf], y_hbm.at[pl.ds(base + j * _CCH, _CCH)],
                         wsem.at[buf])
        return carry

    lax.fori_loop(0, n_chunks, chunk, 0)
    for slot in (0, 1):
        pltpu.make_async_copy(
            r0v.at[slot], y_hbm.at[pl.ds(base, _CCH)],
            wsem.at[slot]).wait()


def _sc_combine(out_sorted, pos0_2d, pos1_2d):
    mesh = plsc.VectorSubcoreMesh(core_axis_name="c", subcore_axis_name="s")
    n_chunks = (N_TOK // _NW) // _CCH
    f = pl.kernel(
        _sc_combine_body,
        out_type=jax.ShapeDtypeStruct((N_TOK, DIM), jnp.float32),
        mesh=mesh,
        scratch_types=[
            pltpu.VMEM((n_chunks, _CCH), jnp.int32),
            pltpu.VMEM((n_chunks, _CCH), jnp.int32),
            pltpu.VMEM((2, _CCH, DIM), jnp.float32),
            pltpu.VMEM((2, _CCH, DIM), jnp.float32),
            pltpu.SemaphoreType.DMA((2,)),
            pltpu.SemaphoreType.DMA((2,)),
        ],
    )
    return f(out_sorted, pos0_2d, pos1_2d)



def kernel(x, gate_w, router_scale, W1, b1, W2, b2, W3, b3):
    Bs, Ts, C = x.shape
    xf = x.reshape(Bs * Ts, C)
    i0, i1, w0b, w1b = _router(xf, gate_w, router_scale)
    pos0, pos1, block_expert, nreal = _dispatch(i0, i1)
    x_sorted, ws_sorted = _sc_scatter(
        xf, pos0.reshape(-1, _SCH), pos1.reshape(-1, _SCH), w0b, w1b)
    out_sorted = _ffn(x_sorted, ws_sorted, block_expert, nreal,
                      W1, b1, W2, b2, W3, b3)
    y = _sc_combine(out_sorted, pos0.reshape(-1, _CCH), pos1.reshape(-1, _CCH))
    return y.reshape(Bs, Ts, C)

# --- scband reference (transcript-rebuilt; emitter-appended) ---
"""Pipeline reference for scband-mo-elayer-49091476193630 (READ-ONLY COPY).

The authoritative reference and input builder live on the scoring server;
editing this copy changes nothing except your own understanding.
"""

import jax, jax.numpy as jnp
import numpy as np

DIM = 1024
E = 8
TOP_K = 2
HIDDEN = 2048
B, T = 2, 2048


def setup_inputs(seed: int = 0) -> dict:
    key = jax.random.key(seed)
    ks = jax.random.split(key, 8)
    x = jax.random.normal(ks[0], (B, T, DIM), dtype=jnp.float32)
    gate_w = jax.random.normal(ks[1], (E, DIM), dtype=jnp.float32) * 0.02
    router_scale = jnp.ones((1,), dtype=jnp.float32)
    W1 = jax.random.normal(ks[2], (E, HIDDEN, DIM), dtype=jnp.float32) * 0.02
    b1 = jnp.zeros((E, HIDDEN), dtype=jnp.float32)
    W2 = jax.random.normal(ks[3], (E, HIDDEN, DIM), dtype=jnp.float32) * 0.02
    b2 = jnp.zeros((E, HIDDEN), dtype=jnp.float32)
    W3 = jax.random.normal(ks[4], (E, DIM, HIDDEN), dtype=jnp.float32) * 0.02
    b3 = jnp.zeros((E, DIM), dtype=jnp.float32)
    return {"x": x, "gate_w": gate_w, "router_scale": router_scale,
            "W1": W1, "b1": b1, "W2": W2, "b2": b2, "W3": W3, "b3": b3}


def reference(x, gate_w, router_scale, W1, b1, W2, b2, W3, b3):
    Bs, Ts, C = x.shape
    xf = x.reshape(Bs * Ts, C)
    # MoERouter: logits = gate(x) * router_scale; topk; softmax over topk weights
    logits = (xf @ gate_w.T) * router_scale
    weights, indices = jax.lax.top_k(logits, TOP_K)  # (N, k)
    weights = jax.nn.softmax(weights, axis=-1)
    # Dense equivalent of the per-expert masked loop: compute every expert on all
    # tokens, then weight each token's expert output by its routed weight (zero
    # for experts not in that token's top-k) and accumulate.
    h1 = jnp.einsum('nc,ehc->enh', xf, W1) + b1[:, None, :]
    h2 = jnp.einsum('nc,ehc->enh', xf, W2) + b2[:, None, :]
    h = jax.nn.silu(h1) * h2
    eo = jnp.einsum('enh,edh->end', h, W3) + b3[:, None, :]  # (E, N, dim)
    onehot = jax.nn.one_hot(indices, E, dtype=xf.dtype)      # (N, k, E)
    w_e = jnp.einsum('nk,nke->en', weights, onehot)          # (E, N) routed weight
    y = jnp.einsum('en,end->nd', w_e, eo)
    return y.reshape(Bs, Ts, C)

if __name__ == "__main__":
    import jax
    _d = setup_inputs()
    print(jax.jit(kernel)(*tuple(_d.values())))

</pallas_src>

<mosaic_0001>
#map = affine_map<(d0, d1) -> (0, 0)>
module attributes {stable_mosaic.version = 14 : i64} {
  func.func @_sc_combine_body(%arg0: i32, %arg1: i32, %arg2: memref<12288x1024xf32, #tpu.memory_space<hbm>>, %arg3: memref<256x16xi32, #tpu.memory_space<hbm>>, %arg4: memref<256x16xi32, #tpu.memory_space<hbm>>, %arg5: memref<4096x1024xf32, #tpu.memory_space<hbm>>, %arg6: memref<8x16xi32, #tpu.memory_space<vmem>>, %arg7: memref<8x16xi32, #tpu.memory_space<vmem>>, %arg8: memref<2x16x1024xf32, #tpu.memory_space<vmem>>, %arg9: memref<2x16x1024xf32, #tpu.memory_space<vmem>>, %arg10: memref<2x!tpu.dma_semaphore, #tpu.memory_space<semaphore_mem>>, %arg11: memref<2x!tpu.dma_semaphore, #tpu.memory_space<semaphore_mem>>) attributes {dimension_semantics = [#tpu.dimension_semantics<core_parallel>, #tpu.dimension_semantics<subcore_parallel>], iteration_bounds = array<i64: 2, 16>, scalar_prefetch = 0 : i64, scratch_operands = 6 : i64, tpu.core_type = #tpu.core_type<sc_vector_subcore>, window_params = [{transform_indices = #map}, {transform_indices = #map}, {transform_indices = #map}, {transform_indices = #map}]} {
    %mul3A = arith.constant 2 : i32
    %mul3A_0 = arith.muli %arg1, %mul3A : i32
    %add3A = arith.addi %mul3A_0, %arg0 : i32
    %mul3A_1 = arith.constant 128 : i32
    %mul3A_2 = arith.muli %add3A, %mul3A_1 : i32
    %mul3A_3 = arith.constant 8 : i32
    %mul3A_4 = arith.muli %add3A, %mul3A_3 : i32
    "tpu.region"() ({
      %run_scoped3A = tpu.sem_alloc : memref<!tpu.dma_semaphore, #tpu.memory_space<semaphore_mem>>
      %dma_start3A_70 = arith.constant 0 : i32
      %dma_start3A_71 = tpu.memref_slice %arg3[%mul3A_4, %dma_start3A_70] : memref<256x16xi32, #tpu.memory_space<hbm>> -> memref<8x16xi32, #tpu.memory_space<hbm>>
      %dma_start3A_72 = arith.constant 0 : i32
      %dma_start3A_73 = tpu.memref_slice %arg3[%mul3A_4, %dma_start3A_72] : memref<256x16xi32, #tpu.memory_space<hbm>> -> memref<8x16xi32, #tpu.memory_space<hbm>>
      tpu.enqueue_dma source(%dma_start3A_73 : memref<8x16xi32, #tpu.memory_space<hbm>>) target(%arg6 : memref<8x16xi32, #tpu.memory_space<vmem>>) target_semaphore(%run_scoped3A : memref<!tpu.dma_semaphore, #tpu.memory_space<semaphore_mem>>)
      %dma_wait3A_74 = arith.constant 0 : i32
      %dma_wait3A_75 = tpu.memref_slice %arg3[%mul3A_4, %dma_wait3A_74] : memref<256x16xi32, #tpu.memory_space<hbm>> -> memref<8x16xi32, #tpu.memory_space<hbm>>
      %dma_wait3A_76 = arith.constant 0 : i32
      %dma_wait3A_77 = tpu.memref_slice %arg3[%mul3A_4, %dma_wait3A_76] : memref<256x16xi32, #tpu.memory_space<hbm>> -> memref<8x16xi32, #tpu.memory_space<hbm>>
      tpu.wait_dma2 semaphore(%run_scoped3A : memref<!tpu.dma_semaphore, #tpu.memory_space<semaphore_mem>>) src(%dma_wait3A_77 : memref<8x16xi32, #tpu.memory_space<hbm>>) dst(%arg6 : memref<8x16xi32, #tpu.memory_space<vmem>>)
      tpu.yield
    }) : () -> ()
    "tpu.region"() ({
      %run_scoped3A = tpu.sem_alloc : memref<!tpu.dma_semaphore, #tpu.memory_space<semaphore_mem>>
      %dma_start3A_70 = arith.constant 0 : i32
      %dma_start3A_71 = tpu.memref_slice %arg4[%mul3A_4, %dma_start3A_70] : memref<256x16xi32, #tpu.memory_space<hbm>> -> memref<8x16xi32, #tpu.memory_space<hbm>>
      %dma_start3A_72 = arith.constant 0 : i32
      %dma_start3A_73 = tpu.memref_slice %arg4[%mul3A_4, %dma_start3A_72] : memref<256x16xi32, #tpu.memory_space<hbm>> -> memref<8x16xi32, #tpu.memory_space<hbm>>
      tpu.enqueue_dma source(%dma_start3A_73 : memref<8x16xi32, #tpu.memory_space<hbm>>) target(%arg7 : memref<8x16xi32, #tpu.memory_space<vmem>>) target_semaphore(%run_scoped3A : memref<!tpu.dma_semaphore, #tpu.memory_space<semaphore_mem>>)
      %dma_wait3A_74 = arith.constant 0 : i32
      %dma_wait3A_75 = tpu.memref_slice %arg4[%mul3A_4, %dma_wait3A_74] : memref<256x16xi32, #tpu.memory_space<hbm>> -> memref<8x16xi32, #tpu.memory_space<hbm>>
      %dma_wait3A_76 = arith.constant 0 : i32
      %dma_wait3A_77 = tpu.memref_slice %arg4[%mul3A_4, %dma_wait3A_76] : memref<256x16xi32, #tpu.memory_space<hbm>> -> memref<8x16xi32, #tpu.memory_space<hbm>>
      tpu.wait_dma2 semaphore(%run_scoped3A : memref<!tpu.dma_semaphore, #tpu.memory_space<semaphore_mem>>) src(%dma_wait3A_77 : memref<8x16xi32, #tpu.memory_space<hbm>>) dst(%arg7 : memref<8x16xi32, #tpu.memory_space<vmem>>)
      tpu.yield
    }) : () -> ()
    %dma_start3A = arith.constant 0 : i32
    %dma_start3A_5 = arith.constant 0 : i32
    %dma_start3A_6 = arith.constant 0 : i32
    %dma_start3A_7 = arith.constant 0 : i32
    %dma_start3A_8 = arith.constant 0 : i32
    %dma_start3A_9 = tpu.memref_slice %arg8[%dma_start3A_5, %dma_start3A_7, %dma_start3A_8] : memref<2x16x1024xf32, #tpu.memory_space<vmem>> -> memref<1x16x1024xf32, #tpu.memory_space<vmem>>
    %dma_start3A_10 = tpu.memref_squeeze %dma_start3A_9 : memref<1x16x1024xf32, #tpu.memory_space<vmem>> -> memref<16x1024xf32, #tpu.memory_space<vmem>>
    %dma_start3A_11 = arith.constant 0 : i32
    %dma_start3A_12 = tpu.memref_slice %arg6[%dma_start3A, %dma_start3A_11] : memref<8x16xi32, #tpu.memory_space<vmem>> -> memref<1x16xi32, #tpu.memory_space<vmem>>
    %dma_start3A_13 = tpu.memref_squeeze %dma_start3A_12 : memref<1x16xi32, #tpu.memory_space<vmem>> -> memref<16xi32, #tpu.memory_space<vmem>>
    %dma_start3A_14 = arith.constant 0 : i32
    %dma_start3A_15 = arith.constant 0 : i32
    %dma_start3A_16 = tpu.memref_slice %arg2[%dma_start3A_14, %dma_start3A_15] : memref<12288x1024xf32, #tpu.memory_space<hbm>> -> memref<12288x1024xf32, #tpu.memory_space<hbm>>
    %dma_start3A_17 = tpu.memref_slice %arg10[%dma_start3A_6] : memref<2x!tpu.dma_semaphore, #tpu.memory_space<semaphore_mem>> -> memref<1x!tpu.dma_semaphore, #tpu.memory_space<semaphore_mem>>
    %dma_start3A_18 = tpu.memref_squeeze %dma_start3A_17 : memref<1x!tpu.dma_semaphore, #tpu.memory_space<semaphore_mem>> -> memref<!tpu.dma_semaphore, #tpu.memory_space<semaphore_mem>>
    tpu.enqueue_indirect_dma source(%dma_start3A_16 : memref<12288x1024xf32, #tpu.memory_space<hbm>>) target(%dma_start3A_10 : memref<16x1024xf32, #tpu.memory_space<vmem>>) offsets(%dma_start3A_13 : memref<16xi32, #tpu.memory_space<vmem>>) semaphore(%dma_start3A_18 : memref<!tpu.dma_semaphore, #tpu.memory_space<semaphore_mem>>)
    %dma_start3A_19 = arith.constant 0 : i32
    %dma_start3A_20 = arith.constant 0 : i32
    %dma_start3A_21 = arith.constant 0 : i32
    %dma_start3A_22 = arith.constant 0 : i32
    %dma_start3A_23 = arith.constant 0 : i32
    %dma_start3A_24 = tpu.memref_slice %arg9[%dma_start3A_20, %dma_start3A_22, %dma_start3A_23] : memref<2x16x1024xf32, #tpu.memory_space<vmem>> -> memref<1x16x1024xf32, #tpu.memory_space<vmem>>
    %dma_start3A_25 = tpu.memref_squeeze %dma_start3A_24 : memref<1x16x1024xf32, #tpu.memory_space<vmem>> -> memref<16x1024xf32, #tpu.memory_space<vmem>>
    %dma_start3A_26 = arith.constant 0 : i32
    %dma_start3A_27 = tpu.memref_slice %arg7[%dma_start3A_19, %dma_start3A_26] : memref<8x16xi32, #tpu.memory_space<vmem>> -> memref<1x16xi32, #tpu.memory_space<vmem>>
    %dma_start3A_28 = tpu.memref_squeeze %dma_start3A_27 : memref<1x16xi32, #tpu.memory_space<vmem>> -> memref<16xi32, #tpu.memory_space<vmem>>
    %dma_start3A_29 = arith.constant 0 : i32
    %dma_start3A_30 = arith.constant 0 : i32
    %dma_start3A_31 = tpu.memref_slice %arg2[%dma_start3A_29, %dma_start3A_30] : memref<12288x1024xf32, #tpu.memory_space<hbm>> -> memref<12288x1024xf32, #tpu.memory_space<hbm>>
    %dma_start3A_32 = tpu.memref_slice %arg10[%dma_start3A_21] : memref<2x!tpu.dma_semaphore, #tpu.memory_space<semaphore_mem>> -> memref<1x!tpu.dma_semaphore, #tpu.memory_space<semaphore_mem>>
    %dma_start3A_33 = tpu.memref_squeeze %dma_start3A_32 : memref<1x!tpu.dma_semaphore, #tpu.memory_space<semaphore_mem>> -> memref<!tpu.dma_semaphore, #tpu.memory_space<semaphore_mem>>
    tpu.enqueue_indirect_dma source(%dma_start3A_31 : memref<12288x1024xf32, #tpu.memory_space<hbm>>) target(%dma_start3A_25 : memref<16x1024xf32, #tpu.memory_space<vmem>>) offsets(%dma_start3A_28 : memref<16xi32, #tpu.memory_space<vmem>>) semaphore(%dma_start3A_33 : memref<!tpu.dma_semaphore, #tpu.memory_space<semaphore_mem>>)
    %scan3A = arith.constant 0 : i32
    %scan3A_34 = arith.constant 0 : i32
    %scan3A_35 = arith.constant 8 : i32
    %scan3A_36 = arith.addi %scan3A_34, %scan3A_35 : i32
    %scan3A_37 = arith.constant 1 : i32
    scf.for %scan3A_70 = %scan3A_34 to %scan3A_36 step %scan3A_37  : i32 {
      %rem3A = arith.constant 2 : i32
      %rem3A_71 = arith.remsi %scan3A_70, %rem3A : i32
      %sub3A = arith.constant 1 : i32
      %sub3A_72 = arith.subi %sub3A, %rem3A_71 : i32
      %add3A_73 = arith.constant 1 : i32
      %add3A_74 = arith.addi %scan3A_70, %add3A_73 : i32
      %lt3A = arith.constant 8 : i32
      %lt3A_75 = arith.cmpi slt, %add3A_74, %lt3A : i32
      %convert_element_type3A = arith.extui %lt3A_75 : i1 to i32
      %cond3A = arith.constant 0 : i32
      %cond3A_76 = arith.cmpi ne, %convert_element_type3A, %cond3A : i32
      scf.if %cond3A_76 {
        %ge3A = arith.constant 1 : i32
        %ge3A_124 = arith.cmpi sge, %scan3A_70, %ge3A : i32
        %convert_element_type3A_125 = arith.extui %ge3A_124 : i1 to i32
        %cond3A_126 = arith.constant 0 : i32
        %cond3A_127 = arith.cmpi ne, %convert_element_type3A_125, %cond3A_126 : i32
        scf.if %cond3A_127 {
          %dma_wait3A_154 = arith.constant 0 : i32
          %dma_wait3A_155 = arith.constant 0 : i32
          %dma_wait3A_156 = tpu.memref_slice %arg8[%sub3A_72, %dma_wait3A_154, %dma_wait3A_155] : memref<2x16x1024xf32, #tpu.memory_space<vmem>> -> memref<1x16x1024xf32, #tpu.memory_space<vmem>>
          %dma_wait3A_157 = tpu.memref_squeeze %dma_wait3A_156 : memref<1x16x1024xf32, #tpu.memory_space<vmem>> -> memref<16x1024xf32, #tpu.memory_space<vmem>>
          %dma_wait3A_158 = arith.constant 0 : i32
          %dma_wait3A_159 = tpu.memref_slice %arg5[%mul3A_2, %dma_wait3A_158] : memref<4096x1024xf32, #tpu.memory_space<hbm>> -> memref<16x1024xf32, #tpu.memory_space<hbm>>
          %dma_wait3A_160 = tpu.memref_slice %arg11[%sub3A_72] : memref<2x!tpu.dma_semaphore, #tpu.memory_space<semaphore_mem>> -> memref<1x!tpu.dma_semaphore, #tpu.memory_space<semaphore_mem>>
          %dma_wait3A_161 = tpu.memref_squeeze %dma_wait3A_160 : memref<1x!tpu.dma_semaphore, #tpu.memory_space<semaphore_mem>> -> memref<!tpu.dma_semaphore, #tpu.memory_space<semaphore_mem>>
          %dma_wait3A_162 = arith.constant 0 : i32
          %dma_wait3A_163 = tpu.memref_slice %arg5[%mul3A_2, %dma_wait3A_162] : memref<4096x1024xf32, #tpu.memory_space<hbm>> -> memref<16x1024xf32, #tpu.memory_space<hbm>>
          %dma_wait3A_164 = arith.constant 0 : i32
          %dma_wait3A_165 = arith.constant 0 : i32
          %dma_wait3A_166 = tpu.memref_slice %arg8[%sub3A_72, %dma_wait3A_164, %dma_wait3A_165] : memref<2x16x1024xf32, #tpu.memory_space<vmem>> -> memref<1x16x1024xf32, #tpu.memory_space<vmem>>
          %dma_wait3A_167 = tpu.memref_squeeze %dma_wait3A_166 : memref<1x16x1024xf32, #tpu.memory_space<vmem>> -> memref<16x1024xf32, #tpu.memory_space<vmem>>
          tpu.wait_dma2 semaphore(%dma_wait3A_161 : memref<!tpu.dma_semaphore, #tpu.memory_space<semaphore_mem>>) src(%dma_wait3A_167 : memref<16x1024xf32, #tpu.memory_space<vmem>>) dst(%dma_wait3A_163 : memref<16x1024xf32, #tpu.memory_space<hbm>>)
        } else {
        }
        %add3A_128 = arith.constant 1 : i32
        %add3A_129 = arith.addi %scan3A_70, %add3A_128 : i32
        %dma_start3A_130 = arith.constant 0 : i32
        %dma_start3A_131 = arith.constant 0 : i32
        %dma_start3A_132 = tpu.memref_slice %arg8[%sub3A_72, %dma_start3A_130, %dma_start3A_131] : memref<2x16x1024xf32, #tpu.memory_space<vmem>> -> memref<1x16x1024xf32, #tpu.memory_space<vmem>>
        %dma_start3A_133 = tpu.memref_squeeze %dma_start3A_132 : memref<1x16x1024xf32, #tpu.memory_space<vmem>> -> memref<16x1024xf32, #tpu.memory_space<vmem>>
        %dma_start3A_134 = arith.constant 0 : i32
        %dma_start3A_135 = tpu.memref_slice %arg6[%add3A_129, %dma_start3A_134] : memref<8x16xi32, #tpu.memory_space<vmem>> -> memref<1x16xi32, #tpu.memory_space<vmem>>
        %dma_start3A_136 = tpu.memref_squeeze %dma_start3A_135 : memref<1x16xi32, #tpu.memory_space<vmem>> -> memref<16xi32, #tpu.memory_space<vmem>>
        %dma_start3A_137 = arith.constant 0 : i32
        %dma_start3A_138 = arith.constant 0 : i32
        %dma_start3A_139 = tpu.memref_slice %arg2[%dma_start3A_137, %dma_start3A_138] : memref<12288x1024xf32, #tpu.memory_space<hbm>> -> memref<12288x1024xf32, #tpu.memory_space<hbm>>
        %dma_start3A_140 = tpu.memref_slice %arg10[%sub3A_72] : memref<2x!tpu.dma_semaphore, #tpu.memory_space<semaphore_mem>> -> memref<1x!tpu.dma_semaphore, #tpu.memory_space<semaphore_mem>>
        %dma_start3A_141 = tpu.memref_squeeze %dma_start3A_140 : memref<1x!tpu.dma_semaphore, #tpu.memory_space<semaphore_mem>> -> memref<!tpu.dma_semaphore, #tpu.memory_space<semaphore_mem>>
        tpu.enqueue_indirect_dma source(%dma_start3A_139 : memref<12288x1024xf32, #tpu.memory_space<hbm>>) target(%dma_start3A_133 : memref<16x1024xf32, #tpu.memory_space<vmem>>) offsets(%dma_start3A_136 : memref<16xi32, #tpu.memory_space<vmem>>) semaphore(%dma_start3A_141 : memref<!tpu.dma_semaphore, #tpu.memory_space<semaphore_mem>>)
        %dma_start3A_142 = arith.constant 0 : i32
        %dma_start3A_143 = arith.constant 0 : i32
        %dma_start3A_144 = tpu.memref_slice %arg9[%sub3A_72, %dma_start3A_142, %dma_start3A_143] : memref<2x16x1024xf32, #tpu.memory_space<vmem>> -> memref<1x16x1024xf32, #tpu.memory_space<vmem>>
        %dma_start3A_145 = tpu.memref_squeeze %dma_start3A_144 : memref<1x16x1024xf32, #tpu.memory_space<vmem>> -> memref<16x1024xf32, #tpu.memory_space<vmem>>
        %dma_start3A_146 = arith.constant 0 : i32
        %dma_start3A_147 = tpu.memref_slice %arg7[%add3A_129, %dma_start3A_146] : memref<8x16xi32, #tpu.memory_space<vmem>> -> memref<1x16xi32, #tpu.memory_space<vmem>>
        %dma_start3A_148 = tpu.memref_squeeze %dma_start3A_147 : memref<1x16xi32, #tpu.memory_space<vmem>> -> memref<16xi32, #tpu.memory_space<vmem>>
        %dma_start3A_149 = arith.constant 0 : i32
        %dma_start3A_150 = arith.constant 0 : i32
        %dma_start3A_151 = tpu.memref_slice %arg2[%dma_start3A_149, %dma_start3A_150] : memref<12288x1024xf32, #tpu.memory_space<hbm>> -> memref<12288x1024xf32, #tpu.memory_space<hbm>>
        %dma_start3A_152 = tpu.memref_slice %arg10[%sub3A_72] : memref<2x!tpu.dma_semaphore, #tpu.memory_space<semaphore_mem>> -> memref<1x!tpu.dma_semaphore, #tpu.memory_space<semaphore_mem>>
        %dma_start3A_153 = tpu.memref_squeeze %dma_start3A_152 : memref<1x!tpu.dma_semaphore, #tpu.memory_space<semaphore_mem>> -> memref<!tpu.dma_semaphore, #tpu.memory_space<semaphore_mem>>
        tpu.enqueue_indirect_dma source(%dma_start3A_151 : memref<12288x1024xf32, #tpu.memory_space<hbm>>) target(%dma_start3A_145 : memref<16x1024xf32, #tpu.memory_space<vmem>>) offsets(%dma_start3A_148 : memref<16xi32, #tpu.memory_space<vmem>>) semaphore(%dma_start3A_153 : memref<!tpu.dma_semaphore, #tpu.memory_space<semaphore_mem>>)
      } else {
      }
      %dma_wait3A_77 = arith.constant 0 : i32
      %dma_wait3A_78 = arith.constant 0 : i32
      %dma_wait3A_79 = tpu.memref_slice %arg8[%rem3A_71, %dma_wait3A_77, %dma_wait3A_78] : memref<2x16x1024xf32, #tpu.memory_space<vmem>> -> memref<1x16x1024xf32, #tpu.memory_space<vmem>>
      %dma_wait3A_80 = tpu.memref_squeeze %dma_wait3A_79 : memref<1x16x1024xf32, #tpu.memory_space<vmem>> -> memref<16x1024xf32, #tpu.memory_space<vmem>>
      %dma_wait3A_81 = arith.constant 0 : i32
      %dma_wait3A_82 = tpu.memref_slice %arg6[%scan3A_70, %dma_wait3A_81] : memref<8x16xi32, #tpu.memory_space<vmem>> -> memref<1x16xi32, #tpu.memory_space<vmem>>
      %dma_wait3A_83 = tpu.memref_squeeze %dma_wait3A_82 : memref<1x16xi32, #tpu.memory_space<vmem>> -> memref<16xi32, #tpu.memory_space<vmem>>
      %dma_wait3A_84 = arith.constant 0 : i32
      %dma_wait3A_85 = arith.constant 0 : i32
      %dma_wait3A_86 = tpu.memref_slice %arg2[%dma_wait3A_84, %dma_wait3A_85] : memref<12288x1024xf32, #tpu.memory_space<hbm>> -> memref<12288x1024xf32, #tpu.memory_space<hbm>>
      %dma_wait3A_87 = tpu.memref_slice %arg10[%rem3A_71] : memref<2x!tpu.dma_semaphore, #tpu.memory_space<semaphore_mem>> -> memref<1x!tpu.dma_semaphore, #tpu.memory_space<semaphore_mem>>
      %dma_wait3A_88 = tpu.memref_squeeze %dma_wait3A_87 : memref<1x!tpu.dma_semaphore, #tpu.memory_space<semaphore_mem>> -> memref<!tpu.dma_semaphore, #tpu.memory_space<semaphore_mem>>
      tpu.wait_indirect_dma semaphore(%dma_wait3A_88 : memref<!tpu.dma_semaphore, #tpu.memory_space<semaphore_mem>>) src(%dma_wait3A_86 : memref<12288x1024xf32, #tpu.memory_space<hbm>>) dst(%dma_wait3A_80 : memref<16x1024xf32, #tpu.memory_space<vmem>>)
      %dma_wait3A_89 = arith.constant 0 : i32
      %dma_wait3A_90 = arith.constant 0 : i32
      %dma_wait3A_91 = tpu.memref_slice %arg9[%rem3A_71, %dma_wait3A_89, %dma_wait3A_90] : memref<2x16x1024xf32, #tpu.memory_space<vmem>> -> memref<1x16x1024xf32, #tpu.memory_space<vmem>>
      %dma_wait3A_92 = tpu.memref_squeeze %dma_wait3A_91 : memref<1x16x1024xf32, #tpu.memory_space<vmem>> -> memref<16x1024xf32, #tpu.memory_space<vmem>>
      %dma_wait3A_93 = arith.constant 0 : i32
      %dma_wait3A_94 = tpu.memref_slice %arg7[%scan3A_70, %dma_wait3A_93] : memref<8x16xi32, #tpu.memory_space<vmem>> -> memref<1x16xi32, #tpu.memory_space<vmem>>
      %dma_wait3A_95 = tpu.memref_squeeze %dma_wait3A_94 : memref<1x16xi32, #tpu.memory_space<vmem>> -> memref<16xi32, #tpu.memory_space<vmem>>
      %dma_wait3A_96 = arith.constant 0 : i32
      %dma_wait3A_97 = arith.constant 0 : i32
      %dma_wait3A_98 = tpu.memref_slice %arg2[%dma_wait3A_96, %dma_wait3A_97] : memref<12288x1024xf32, #tpu.memory_space<hbm>> -> memref<12288x1024xf32, #tpu.memory_space<hbm>>
      %dma_wait3A_99 = tpu.memref_slice %arg10[%rem3A_71] : memref<2x!tpu.dma_semaphore, #tpu.memory_space<semaphore_mem>> -> memref<1x!tpu.dma_semaphore, #tpu.memory_space<semaphore_mem>>
      %dma_wait3A_100 = tpu.memref_squeeze %dma_wait3A_99 : memref<1x!tpu.dma_semaphore, #tpu.memory_space<semaphore_mem>> -> memref<!tpu.dma_semaphore, #tpu.memory_space<semaphore_mem>>
      tpu.wait_indirect_dma semaphore(%dma_wait3A_100 : memref<!tpu.dma_semaphore, #tpu.memory_space<semaphore_mem>>) src(%dma_wait3A_98 : memref<12288x1024xf32, #tpu.memory_space<hbm>>) dst(%dma_wait3A_92 : memref<16x1024xf32, #tpu.memory_space<vmem>>)
      %scan3A_101 = arith.constant 0 : i32
      %scan3A_102 = arith.constant 0 : i32
      %scan3A_103 = arith.constant 16 : i32
      %scan3A_104 = arith.addi %scan3A_102, %scan3A_103 : i32
      %scan3A_105 = arith.constant 1 : i32
      scf.for %scan3A_124 = %scan3A_102 to %scan3A_104 step %scan3A_105  : i32 {
        %get3A = arith.index_cast %rem3A_71 : i32 to index
        %get3A_125 = arith.index_cast %scan3A_124 : i32 to index
        %get3A_126 = arith.constant 0 : index
        %get3A_127 = tpu.vector_load %arg9[%get3A, %get3A_125, %get3A_126] {strides = array<i32>} : memref<2x16x1024xf32, #tpu.memory_space<vmem>>, vector<1x1x16xf32>,
        %get3A_128 = vector.shape_cast %get3A_127 : vector<1x1x16xf32> to vector<16xf32>
        %swap3A = arith.index_cast %rem3A_71 : i32 to index
        %swap3A_129 = arith.index_cast %scan3A_124 : i32 to index
        %swap3A_130 = arith.constant 0 : index
        %swap3A_131 = tpu.vector_load %arg8[%swap3A, %swap3A_129, %swap3A_130] {strides = array<i32>} : memref<2x16x1024xf32, #tpu.memory_space<vmem>>, vector<1x1x16xf32>,
        %swap3A_132 = vector.shape_cast %swap3A_131 : vector<1x1x16xf32> to vector<16xf32>
        %swap3A_133 = vector.shape_cast %get3A_128 : vector<16xf32> to vector<1x1x16xf32>
        tpu.vector_store %arg8[%swap3A, %swap3A_129, %swap3A_130], %swap3A_133 {add = true, strides = array<i32>} : memref<2x16x1024xf32, #tpu.memory_space<vmem>>, vector<1x1x16xf32>,
        %get3A_134 = arith.index_cast %rem3A_71 : i32 to index
        %get3A_135 = arith.index_cast %scan3A_124 : i32 to index
        %get3A_136 = arith.constant 16 : index
        %get3A_137 = tpu.vector_load %arg9[%get3A_134, %get3A_135, %get3A_136] {strides = array<i32>} : memref<2x16x1024xf32, #tpu.memory_space<vmem>>, vector<1x1x16xf32>,
        %get3A_138 = vector.shape_cast %get3A_137 : vector<1x1x16xf32> to vector<16xf32>
        %swap3A_139 = arith.index_cast %rem3A_71 : i32 to index
        %swap3A_140 = arith.index_cast %scan3A_124 : i32 to index
        %swap3A_141 = arith.constant 16 : index
        %swap3A_142 = tpu.vector_load %arg8[%swap3A_139, %swap3A_140, %swap3A_141] {strides = array<i32>} : memref<2x16x1024xf32, #tpu.memory_space<vmem>>, vector<1x1x16xf32>,
        %swap3A_143 = vector.shape_cast %swap3A_142 : vector<1x1x16xf32> to vector<16xf32>
        %swap3A_144 = vector.shape_cast %get3A_138 : vector<16xf32> to vector<1x1x16xf32>
        tpu.vector_store %arg8[%swap3A_139, %swap3A_140, %swap3A_141], %swap3A_144 {add = true, strides = array<i32>} : memref<2x16x1024xf32, #tpu.memory_space<vmem>>, vector<1x1x16xf32>,
        %get3A_145 = arith.index_cast %rem3A_71 : i32 to index
        %get3A_146 = arith.index_cast %scan3A_124 : i32 to index
        %get3A_147 = arith.constant 32 : index
        %get3A_148 = tpu.vector_load %arg9[%get3A_145, %get3A_146, %get3A_147] {strides = array<i32>} : memref<2x16x1024xf32, #tpu.memory_space<vmem>>, vector<1x1x16xf32>,
        %get3A_149 = vector.shape_cast %get3A_148 : vector<1x1x16xf32> to vector<16xf32>
        %swap3A_150 = arith.index_cast %rem3A_71 : i32 to index
        %swap3A_151 = arith.index_cast %scan3A_124 : i32 to index
        %swap3A_152 = arith.constant 32 : index
        %swap3A_153 = tpu.vector_load %arg8[%swap3A_150, %swap3A_151, %swap3A_152] {strides = array<i32>} : memref<2x16x1024xf32, #tpu.memory_space<vmem>>, vector<1x1x16xf32>,
        %swap3A_154 = vector.shape_cast %swap3A_153 : vector<1x1x16xf32> to vector<16xf32>
        %swap3A_155 = vector.shape_cast %get3A_149 : vector<16xf32> to vector<1x1x16xf32>
        tpu.vector_store %arg8[%swap3A_150, %swap3A_151, %swap3A_152], %swap3A_155 {add = true, strides = array<i32>} : memref<2x16x1024xf32, #tpu.memory_space<vmem>>, vector<1x1x16xf32>,
        %get3A_156 = arith.index_cast %rem3A_71 : i32 to index
        %get3A_157 = arith.index_cast %scan3A_124 : i32 to index
        %get3A_158 = arith.constant 48 : index
        %get3A_159 = tpu.vector_load %arg9[%get3A_156, %get3A_157, %get3A_158] {strides = array<i32>} : memref<2x16x1024xf32, #tpu.memory_space<vmem>>, vector<1x1x16xf32>,
        %get3A_160 = vector.shape_cast %get3A_159 : vector<1x1x16xf32> to vector<16xf32>
        %swap3A_161 = arith.index_cast %rem3A_71 : i32 to index
        %swap3A_162 = arith.index_cast %scan3A_124 : i32 to index
        %swap3A_163 = arith.constant 48 : index
        %swap3A_164 = tpu.vector_load %arg8[%swap3A_161, %swap3A_162, %swap3A_163] {strides = array<i32>} : memref<2x16x1024xf32, #tpu.memory_space<vmem>>, vector<1x1x16xf32>,
        %swap3A_165 = vector.shape_cast %swap3A_164 : vector<1x1x16xf32> to vector<16xf32>
        %swap3A_166 = vector.shape_cast %get3A_160 : vector<16xf32> to vector<1x1x16xf32>
        tpu.vector_store %arg8[%swap3A_161, %swap3A_162, %swap3A_163], %swap3A_166 {add = true, strides = array<i32>} : memref<2x16x1024xf32, #tpu.memory_space<vmem>>, vector<1x1x16xf32>,
        %get3A_167 = arith.index_cast %rem3A_71 : i32 to index
        %get3A_168 = arith.index_cast %scan3A_124 : i32 to index
        %get3A_169 = arith.constant 64 : index
        %get3A_170 = tpu.vector_load %arg9[%get3A_167, %get3A_168, %get3A_169] {strides = array<i32>} : memref<2x16x1024xf32, #tpu.memory_space<vmem>>, vector<1x1x16xf32>,
        %get3A_171 = vector.shape_cast %get3A_170 : vector<1x1x16xf32> to vector<16xf32>
        %swap3A_172 = arith.index_cast %rem3A_71 : i32 to index
        %swap3A_173 = arith.index_cast %scan3A_124 : i32 to index
        %swap3A_174 = arith.constant 64 : index
        %swap3A_175 = tpu.vector_load %arg8[%swap3A_172, %swap3A_173, %swap3A_174] {strides = array<i32>} : memref<2x16x1024xf32, #tpu.memory_space<vmem>>, vector<1x1x16xf32>,
        %swap3A_176 = vector.shape_cast %swap3A_175 : vector<1x1x16xf32> to vector<16xf32>
        %swap3A_177 = vector.shape_cast %get3A_171 : vector<16xf32> to vector<1x1x16xf32>
        tpu.vector_store %arg8[%swap3A_172, %swap3A_173, %swap3A_174], %swap3A_177 {add = true, strides = array<i32>} : memref<2x16x1024xf32, #tpu.memory_space<vmem>>, vector<1x1x16xf32>,
        %get3A_178 = arith.index_cast %rem3A_71 : i32 to index
        %get3A_179 = arith.index_cast %scan3A_124 : i32 to index
        %get3A_180 = arith.constant 80 : index
        %get3A_181 = tpu.vector_load %arg9[%get3A_178, %get3A_179, %get3A_180] {strides = array<i32>} : memref<2x16x1024xf32, #tpu.memory_space<vmem>>, vector<1x1x16xf32>,
        %get3A_182 = vector.shape_cast %get3A_181 : vector<1x1x16xf32> to vector<16xf32>
        %swap3A_183 = arith.index_cast %rem3A_71 : i32 to index
        %swap3A_184 = arith.index_cast %scan3A_124 : i32 to index
        %swap3A_185 = arith.constant 80 : index
        %swap3A_186 = tpu.vector_load %arg8[%swap3A_183, %swap3A_184, %swap3A_185] {strides = array<i32>} : memref<2x16x1024xf32, #tpu.memory_space<vmem>>, vector<1x1x16xf32>,
        %swap3A_187 = vector.shape_cast %swap3A_186 : vector<1x1x16xf32> to vector<16xf32>
        %swap3A_188 = vector.shape_cast %get3A_182 : vector<16xf32> to vector<1x1x16xf32>
        tpu.vector_store %arg8[%swap3A_183, %swap3A_184, %swap3A_185], %swap3A_188 {add = true, strides = array<i32>} : memref<2x16x1024xf32, #tpu.memory_space<vmem>>, vector<1x1x16xf32>,
        %get3A_189 = arith.index_cast %rem3A_71 : i32 to index
        %get3A_190 = arith.index_cast %scan3A_124 : i32 to index
        %get3A_191 = arith.constant 96 : index
        %get3A_192 = tpu.vector_load %arg9[%get3A_189, %get3A_190, %get3A_191] {strides = array<i32>} : memref<2x16x1024xf32, #tpu.memory_space<vmem>>, vector<1x1x16xf32>,
        %get3A_193 = vector.shape_cast %get3A_192 : vector<1x1x16xf32> to vector<16xf32>
        %swap3A_194 = arith.index_cast %rem3A_71 : i32 to index
        %swap3A_195 = arith.index_cast %scan3A_124 : i32 to index
        %swap3A_196 = arith.constant 96 : index
        %swap3A_197 = tpu.vector_load %arg8[%swap3A_194, %swap3A_195, %swap3A_196] {strides = array<i32>} : memref<2x16x1024xf32, #tpu.memory_space<vmem>>, vector<1x1x16xf32>,
        %swap3A_198 = vector.shape_cast %swap3A_197 : vector<1x1x16xf32> to vector<16xf32>
        %swap3A_199 = vector.shape_cast %get3A_193 : vector<16xf32> to vector<1x1x16xf32>
        tpu.vector_store %arg8[%swap3A_194, %swap3A_195, %swap3A_196], %swap3A_199 {add = true, strides = array<i32>} : memref<2x16x1024xf32, #tpu.memory_space<vmem>>, vector<1x1x16xf32>,
        %get3A_200 = arith.index_cast %rem3A_71 : i32 to index
        %get3A_201 = arith.index_cast %scan3A_124 : i32 to index
        %get3A_202 = arith.constant 112 : index
        %get3A_203 = tpu.vector_load %arg9[%get3A_200, %get3A_201, %get3A_202] {strides = array<i32>} : memref<2x16x1024xf32, #tpu.memory_space<vmem>>, vector<1x1x16xf32>,
        %get3A_204 = vector.shape_cast %get3A_203 : vector<1x1x16xf32> to vector<16xf32>
        %swap3A_205 = arith.index_cast %rem3A_71 : i32 to index
        %swap3A_206 = arith.index_cast %scan3A_124 : i32 to index
        %swap3A_207 = arith.constant 112 : index
        %swap3A_208 = tpu.vector_load %arg8[%swap3A_205, %swap3A_206, %swap3A_207] {strides = array<i32>} : memref<2x16x1024xf32, #tpu.memory_space<vmem>>, vector<1x1x16xf32>,
        %swap3A_209 = vector.shape_cast %swap3A_208 : vector<1x1x16xf32> to vector<16xf32>
        %swap3A_210 = vector.shape_cast %get3A_204 : vector<16xf32> to vector<1x1x16xf32>
        tpu.vector_store %arg8[%swap3A_205, %swap3A_206, %swap3A_207], %swap3A_210 {add = true, strides = array<i32>} : memref<2x16x1024xf32, #tpu.memory_space<vmem>>, vector<1x1x16xf32>,
        %get3A_211 = arith.index_cast %rem3A_71 : i32 to index
        %get3A_212 = arith.index_cast %scan3A_124 : i32 to index
        %get3A_213 = arith.constant 128 : index
        %get3A_214 = tpu.vector_load %arg9[%get3A_211, %get3A_212, %get3A_213] {strides = array<i32>} : memref<2x16x1024xf32, #tpu.memory_space<vmem>>, vector<1x1x16xf32>,
        %get3A_215 = vector.shape_cast %get3A_214 : vector<1x1x16xf32> to vector<16xf32>
        %swap3A_216 = arith.index_cast %rem3A_71 : i32 to index
        %swap3A_217 = arith.index_cast %scan3A_124 : i32 to index
        %swap3A_218 = arith.constant 128 : index
        %swap3A_219 = tpu.vector_load %arg8[%swap3A_216, %swap3A_217, %swap3A_218] {strides = array<i32>} : memref<2x16x1024xf32, #tpu.memory_space<vmem>>, vector<1x1x16xf32>,
        %swap3A_220 = vector.shape_cast %swap3A_219 : vector<1x1x16xf32> to vector<16xf32>
        %swap3A_221 = vector.shape_cast %get3A_215 : vector<16xf32> to vector<1x1x16xf32>
        tpu.vector_store %arg8[%swap3A_216, %swap3A_217, %swap3A_218], %swap3A_221 {add = true, strides = array<i32>} : memref<2x16x1024xf32, #tpu.memory_space<vmem>>, vector<1x1x16xf32>,
        %get3A_222 = arith.index_cast %rem3A_71 : i32 to index
        %get3A_223 = arith.index_cast %scan3A_124 : i32 to index
        %get3A_224 = arith.constant 144 : index
        %get3A_225 = tpu.vector_load %arg9[%get3A_222, %get3A_223, %get3A_224] {strides = array<i32>} : memref<2x16x1024xf32, #tpu.memory_space<vmem>>, vector<1x1x16xf32>,
        %get3A_226 = vector.shape_cast %get3A_225 : vector<1x1x16xf32> to vector<16xf32>
        %swap3A_227 = arith.index_cast %rem3A_71 : i32 to index
        %swap3A_228 = arith.index_cast %scan3A_124 : i32 to index
        %swap3A_229 = arith.constant 144 : index
        %swap3A_230 = tpu.vector_load %arg8[%swap3A_227, %swap3A_228, %swap3A_229] {strides = array<i32>} : memref<2x16x1024xf32, #tpu.memory_space<vmem>>, vector<1x1x16xf32>,
        %swap3A_231 = vector.shape_cast %swap3A_230 : vector<1x1x16xf32> to vector<16xf32>
        %swap3A_232 = vector.shape_cast %get3A_226 : vector<16xf32> to vector<1x1x16xf32>
        tpu.vector_store %arg8[%swap3A_227, %swap3A_228, %swap3A_229], %swap3A_232 {add = true, strides = array<i32>} : memref<2x16x1024xf32, #tpu.memory_space<vmem>>, vector<1x1x16xf32>,
        %get3A_233 = arith.index_cast %rem3A_71 : i32 to index
        %get3A_234 = arith.index_cast %scan3A_124 : i32 to index
        %get3A_235 = arith.constant 160 : index
        %get3A_236 = tpu.vector_load %arg9[%get3A_233, %get3A_234, %get3A_235] {strides = array<i32>} : memref<2x16x1024xf32, #tpu.memory_space<vmem>>, vector<1x1x16xf32>,
        %get3A_237 = vector.shape_cast %get3A_236 : vector<1x1x16xf32> to vector<16xf32>
        %swap3A_238 = arith.index_cast %rem3A_71 : i32 to index
        %swap3A_239 = arith.index_cast %scan3A_124 : i32 to index
        %swap3A_240 = arith.constant 160 : index
        %swap3A_241 = tpu.vector_load %arg8[%swap3A_238, %swap3A_239, %swap3A_240] {strides = array<i32>} : memref<2x16x1024xf32, #tpu.memory_space<vmem>>, vector<1x1x16xf32>,
        %swap3A_242 = vector.shape_cast %swap3A_241 : vector<1x1x16xf32> to vector<16xf32>
        %swap3A_243 = vector.shape_cast %get3A_237 : vector<16xf32> to vector<1x1x16xf32>
        tpu.vector_store %arg8[%swap3A_238, %swap3A_239, %swap3A_240], %swap3A_243 {add = true, strides = array<i32>} : memref<2x16x1024xf32, #tpu.memory_space<vmem>>, vector<1x1x16xf32>,
        %get3A_244 = arith.index_cast %rem3A_71 : i32 to index
        %get3A_245 = arith.index_cast %scan3A_124 : i32 to index
        %get3A_246 = arith.constant 176 : index
        %get3A_247 = tpu.vector_load %arg9[%get3A_244, %get3A_245, %get3A_246] {strides = array<i32>} : memref<2x16x1024xf32, #tpu.memory_space<vmem>>, vector<1x1x16xf32>,
        %get3A_248 = vector.shape_cast %get3A_247 : vector<1x1x16xf32> to vector<16xf32>
        %swap3A_249 = arith.index_cast %rem3A_71 : i32 to index
        %swap3A_250 = arith.index_cast %scan3A_124 : i32 to index
        %swap3A_251 = arith.constant 176 : index
        %swap3A_252 = tpu.vector_load %arg8[%swap3A_249, %swap3A_250, %swap3A_251] {strides = array<i32>} : memref<2x16x1024xf32, #tpu.memory_space<vmem>>, vector<1x1x16xf32>,
        %swap3A_253 = vector.shape_cast %swap3A_252 : vector<1x1x16xf32> to vector<16xf32>
        %swap3A_254 = vector.shape_cast %get3A_248 : vector<16xf32> to vector<1x1x16xf32>
        tpu.vector_store %arg8[%swap3A_249, %swap3A_250, %swap3A_251], %swap3A_254 {add = true, strides = array<i32>} : memref<2x16x1024xf32, #tpu.memory_space<vmem>>, vector<1x1x16xf32>,
        %get3A_255 = arith.index_cast %rem3A_71 : i32 to index
        %get3A_256 = arith.index_cast %scan3A_124 : i32 to index
        %get3A_257 = arith.constant 192 : index
        %get3A_258 = tpu.vector_load %arg9[%get3A_255, %get3A_256, %get3A_257] {strides = array<i32>} : memref<2x16x1024xf32, #tpu.memory_space<vmem>>, vector<1x1x16xf32>,
        %get3A_259 = vector.shape_cast %get3A_258 : vector<1x1x16xf32> to vector<16xf32>
        %swap3A_260 = arith.index_cast %rem3A_71 : i32 to index
        %swap3A_261 = arith.index_cast %scan3A_124 : i32 to index
        %swap3A_262 = arith.constant 192 : index
        %swap3A_263 = tpu.vector_load %arg8[%swap3A_260, %swap3A_261, %swap3A_262] {strides = array<i32>} : memref<2x16x1024xf32, #tpu.memory_space<vmem>>, vector<1x1x16xf32>,
        %swap3A_264 = vector.shape_cast %swap3A_263 : vector<1x1x16xf32> to vector<16xf32>
        %swap3A_265 = vector.shape_cast %get3A_259 : vector<16xf32> to vector<1x1x16xf32>
        tpu.vector_store %arg8[%swap3A_260, %swap3A_261, %swap3A_262], %swap3A_265 {add = true, strides = array<i32>} : memref<2x16x1024xf32, #tpu.memory_space<vmem>>, vector<1x1x16xf32>,
        %get3A_266 = arith.index_cast %rem3A_71 : i32 to index
        %get3A_267 = arith.index_cast %scan3A_124 : i32 to index
        %get3A_268 = arith.constant 208 : index
        %get3A_269 = tpu.vector_load %arg9[%get3A_266, %get3A_267, %get3A_268] {strides = array<i32>} : memref<2x16x1024xf32, #tpu.memory_space<vmem>>, vector<1x1x16xf32>,
        %get3A_270 = vector.shape_cast %get3A_269 : vector<1x1x16xf32> to vector<16xf32>
        %swap3A_271 = arith.index_cast %rem3A_71 : i32 to index
        %swap3A_272 = arith.index_cast %scan3A_124 : i32 to index
        %swap3A_273 = arith.constant 208 : index
        %swap3A_274 = tpu.vector_load %arg8[%swap3A_271, %swap3A_272, %swap3A_273] {strides = array<i32>} : memref<2x16x1024xf32, #tpu.memory_space<vmem>>, vector<1x1x16xf32>,
        %swap3A_275 = vector.shape_cast %swap3A_274 : vector<1x1x16xf32> to vector<16xf32>
        %swap3A_276 = vector.shape_cast %get3A_270 : vector<16xf32> to vector<1x1x16xf32>
        tpu.vector_store %arg8[%swap3A_271, %swap3A_272, %swap3A_273], %swap3A_276 {add = true, strides = array<i32>} : memref<2x16x1024xf32, #tpu.memory_space<vmem>>, vector<1x1x16xf32>,
        %get3A_277 = arith.index_cast %rem3A_71 : i32 to index
        %get3A_278 = arith.index_cast %scan3A_124 : i32 to index
        %get3A_279 = arith.constant 224 : index
        %get3A_280 = tpu.vector_load %arg9[%get3A_277, %get3A_278, %get3A_279] {strides = array<i32>} : memref<2x16x1024xf32, #tpu.memory_space<vmem>>, vector<1x1x16xf32>,
        %get3A_281 = vector.shape_cast %get3A_280 : vector<1x1x16xf32> to vector<16xf32>
        %swap3A_282 = arith.index_cast %rem3A_71 : i32 to index
        %swap3A_283 = arith.index_cast %scan3A_124 : i32 to index
        %swap3A_284 = arith.constant 224 : index
        %swap3A_285 = tpu.vector_load %arg8[%swap3A_282, %swap3A_283, %swap3A_284] {strides = array<i32>} : memref<2x16x1024xf32, #tpu.memory_space<vmem>>, vector<1x1x16xf32>,
        %swap3A_286 = vector.shape_cast %swap3A_285 : vector<1x1x16xf32> to vector<16xf32>
        %swap3A_287 = vector.shape_cast %get3A_281 : vector<16xf32> to vector<1x1x16xf32>
        tpu.vector_store %arg8[%swap3A_282, %swap3A_283, %swap3A_284], %swap3A_287 {add = true, strides = array<i32>} : memref<2x16x1024xf32, #tpu.memory_space<vmem>>, vector<1x1x16xf32>,
        %get3A_288 = arith.index_cast %rem3A_71 : i32 to index
        %get3A_289 = arith.index_cast %scan3A_124 : i32 to index
        %get3A_290 = arith.constant 240 : index
        %get3A_291 = tpu.vector_load %arg9[%get3A_288, %get3A_289, %get3A_290] {strides = array<i32>} : memref<2x16x1024xf32, #tpu.memory_space<vmem>>, vector<1x1x16xf32>,
        %get3A_292 = vector.shape_cast %get3A_291 : vector<1x1x16xf32> to vector<16xf32>
        %swap3A_293 = arith.index_cast %rem3A_71 : i32 to index
        %swap3A_294 = arith.index_cast %scan3A_124 : i32 to index
        %swap3A_295 = arith.constant 240 : index
        %swap3A_296 = tpu.vector_load %arg8[%swap3A_293, %swap3A_294, %swap3A_295] {strides = array<i32>} : memref<2x16x1024xf32, #tpu.memory_space<vmem>>, vector<1x1x16xf32>,
        %swap3A_297 = vector.shape_cast %swap3A_296 : vector<1x1x16xf32> to vector<16xf32>
        %swap3A_298 = vector.shape_cast %get3A_292 : vector<16xf32> to vector<1x1x16xf32>
        tpu.vector_store %arg8[%swap3A_293, %swap3A_294, %swap3A_295], %swap3A_298 {add = true, strides = array<i32>} : memref<2x16x1024xf32, #tpu.memory_space<vmem>>, vector<1x1x16xf32>,
        %get3A_299 = arith.index_cast %rem3A_71 : i32 to index
        %get3A_300 = arith.index_cast %scan3A_124 : i32 to index
        %get3A_301 = arith.constant 256 : index
        %get3A_302 = tpu.vector_load %arg9[%get3A_299, %get3A_300, %get3A_301] {strides = array<i32>} : memref<2x16x1024xf32, #tpu.memory_space<vmem>>, vector<1x1x16xf32>,
        %get3A_303 = vector.shape_cast %get3A_302 : vector<1x1x16xf32> to vector<16xf32>
        %swap3A_304 = arith.index_cast %rem3A_71 : i32 to index
        %swap3A_305 = arith.index_cast %scan3A_124 : i32 to index
        %swap3A_306 = arith.constant 256 : index
        %swap3A_307 = tpu.vector_load %arg8[%swap3A_304, %swap3A_305, %swap3A_306] {strides = array<i32>} : memref<2x16x1024xf32, #tpu.memory_space<vmem>>, vector<1x1x16xf32>,
        %swap3A_308 = vector.shape_cast %swap3A_307 : vector<1x1x16xf32> to vector<16xf32>
        %swap3A_309 = vector.shape_cast %get3A_303 : vector<16xf32> to vector<1x1x16xf32>
        tpu.vector_store %arg8[%swap3A_304, %swap3A_305, %swap3A_306], %swap3A_309 {add = true, strides = array<i32>} : memref<2x16x1024xf32, #tpu.memory_space<vmem>>, vector<1x1x16xf32>,
        %get3A_310 = arith.index_cast %rem3A_71 : i32 to index
        %get3A_311 = arith.index_cast %scan3A_124 : i32 to index
        %get3A_312 = arith.constant 272 : index
        %get3A_313 = tpu.vector_load %arg9[%get3A_310, %get3A_311, %get3A_312] {strides = array<i32>} : memref<2x16x1024xf32, #tpu.memory_space<vmem>>, vector<1x1x16xf32>,
        %get3A_314 = vector.shape_cast %get3A_313 : vector<1x1x16xf32> to vector<16xf32>
        %swap3A_315 = arith.index_cast %rem3A_71 : i32 to index
        %swap3A_316 = arith.index_cast %scan3A_124 : i32 to index
        %swap3A_317 = arith.constant 272 : index
        %swap3A_318 = tpu.vector_load %arg8[%swap3A_315, %swap3A_316, %swap3A_317] {strides = array<i32>} : memref<2x16x1024xf32, #tpu.memory_space<vmem>>, vector<1x1x16xf32>,
        %swap3A_319 = vector.shape_cast %swap3A_318 : vector<1x1x16xf32> to vector<16xf32>
        %swap3A_320 = vector.shape_cast %get3A_314 : vector<16xf32> to vector<1x1x16xf32>
        tpu.vector_store %arg8[%swap3A_315, %swap3A_316, %swap3A_317], %swap3A_320 {add = true, strides = array<i32>} : memref<2x16x1024xf32, #tpu.memory_space<vmem>>, vector<1x1x16xf32>,
        %get3A_321 = arith.index_cast %rem3A_71 : i32 to index
        %get3A_322 = arith.index_cast %scan3A_124 : i32 to index
        %get3A_323 = arith.constant 288 : index
        %get3A_324 = tpu.vector_load %arg9[%get3A_321, %get3A_322, %get3A_323] {strides = array<i32>} : memref<2x16x1024xf32, #tpu.memory_space<vmem>>, vector<1x1x16xf32>,
        %get3A_325 = vector.shape_cast %get3A_324 : vector<1x1x16xf32> to vector<16xf32>
        %swap3A_326 = arith.index_cast %rem3A_71 : i32 to index
        %swap3A_327 = arith.index_cast %scan3A_124 : i32 to index
        %swap3A_328 = arith.constant 288 : index
        %swap3A_329 = tpu.vector_load %arg8[%swap3A_326, %swap3A_327, %swap3A_328] {strides = array<i32>} : memref<2x16x1024xf32, #tpu.memory_space<vmem>>, vector<1x1x16xf32>,
        %swap3A_330 = vector.shape_cast %swap3A_329 : vector<1x1x16xf32> to vector<16xf32>
        %swap3A_331 = vector.shape_cast %get3A_325 : vector<16xf32> to vector<1x1x16xf32>
        tpu.vector_store %arg8[%swap3A_326, %swap3A_327, %swap3A_328], %swap3A_331 {add = true, strides = array<i32>} : memref<2x16x1024xf32, #tpu.memory_space<vmem>>, vector<1x1x16xf32>,
        %get3A_332 = arith.index_cast %rem3A_71 : i32 to index
        %get3A_333 = arith.index_cast %scan3A_124 : i32 to index
        %get3A_334 = arith.constant 304 : index
        %get3A_335 = tpu.vector_load %arg9[%get3A_332, %get3A_333, %get3A_334] {strides = array<i32>} : memref<2x16x1024xf32, #tpu.memory_space<vmem>>, vector<1x1x16xf32>,
        %get3A_336 = vector.shape_cast %get3A_335 : vector<1x1x16xf32> to vector<16xf32>
        %swap3A_337 = arith.index_cast %rem3A_71 : i32 to index
        %swap3A_338 = arith.index_cast %scan3A_124 : i32 to index
        %swap3A_339 = arith.constant 304 : index
        %swap3A_340 = tpu.vector_load %arg8[%swap3A_337, %swap3A_338, %swap3A_339] {strides = array<i32>} : memref<2x16x1024xf32, #tpu.memory_space<vmem>>, vector<1x1x16xf32>,
        %swap3A_341 = vector.shape_cast %swap3A_340 : vector<1x1x16xf32> to vector<16xf32>
        %swap3A_342 = vector.shape_cast %get3A_336 : vector<16xf32> to vector<1x1x16xf32>
        tpu.vector_store %arg8[%swap3A_337, %swap3A_338, %swap3A_339], %swap3A_342 {add = true, strides = array<i32>} : memref<2x16x1024xf32, #tpu.memory_space<vmem>>, vector<1x1x16xf32>,
        %get3A_343 = arith.index_cast %rem3A_71 : i32 to index
        %get3A_344 = arith.index_cast %scan3A_124 : i32 to index
        %get3A_345 = arith.constant 320 : index
        %get3A_346 = tpu.vector_load %arg9[%get3A_343, %get3A_344, %get3A_345] {strides = array<i32>} : memref<2x16x1024xf32, #tpu.memory_space<vmem>>, vector<1x1x16xf32>,
        %get3A_347 = vector.shape_cast %get3A_346 : vector<1x1x16xf32> to vector<16xf32>
        %swap3A_348 = arith.index_cast %rem3A_71 : i32 to index
        %swap3A_349 = arith.index_cast %scan3A_124 : i32 to index
        %swap3A_350 = arith.constant 320 : index
        %swap3A_351 = tpu.vector_load %arg8[%swap3A_348, %swap3A_349, %swap3A_350] {strides = array<i32>} : memref<2x16x1024xf32, #tpu.memory_space<vmem>>, vector<1x1x16xf32>,
        %swap3A_352 = vector.shape_cast %swap3A_351 : vector<1x1x16xf32> to vector<16xf32>
        %swap3A_353 = vector.shape_cast %get3A_347 : vector<16xf32> to vector<1x1x16xf32>
        tpu.vector_store %arg8[%swap3A_348, %swap3A_349, %swap3A_350], %swap3A_353 {add = true, strides = array<i32>} : memref<2x16x1024xf32, #tpu.memory_space<vmem>>, vector<1x1x16xf32>,
        %get3A_354 = arith.index_cast %rem3A_71 : i32 to index
        %get3A_355 = arith.index_cast %scan3A_124 : i32 to index
        %get3A_356 = arith.constant 336 : index
        %get3A_357 = tpu.vector_load %arg9[%get3A_354, %get3A_355, %get3A_356] {strides = array<i32>} : memref<2x16x1024xf32, #tpu.memory_space<vmem>>, vector<1x1x16xf32>,
        %get3A_358 = vector.shape_cast %get3A_357 : vector<1x1x16xf32> to vector<16xf32>
        %swap3A_359 = arith.index_cast %rem3A_71 : i32 to index
        %swap3A_360 = arith.index_cast %scan3A_124 : i32 to index
        %swap3A_361 = arith.constant 336 : index
        %swap3A_362 = tpu.vector_load %arg8[%swap3A_359, %swap3A_360, %swap3A_361] {strides = array<i32>} : memref<2x16x1024xf32, #tpu.memory_space<vmem>>, vector<1x1x16xf32>,
        %swap3A_363 = vector.shape_cast %swap3A_362 : vector<1x1x16xf32> to vector<16xf32>
        %swap3A_364 = vector.shape_cast %get3A_358 : vector<16xf32> to vector<1x1x16xf32>
        tpu.vector_store %arg8[%swap3A_359, %swap3A_360, %swap3A_361], %swap3A_364 {add = true, strides = array<i32>} : memref<2x16x1024xf32, #tpu.memory_space<vmem>>, vector<1x1x16xf32>,
        %get3A_365 = arith.index_cast %rem3A_71 : i32 to index
        %get3A_366 = arith.index_cast %scan3A_124 : i32 to index
        %get3A_367 = arith.constant 352 : index
        %get3A_368 = tpu.vector_load %arg9[%get3A_365, %get3A_366, %get3A_367] {strides = array<i32>} : memref<2x16x1024xf32, #tpu.memory_space<vmem>>, vector<1x1x16xf32>,
        %get3A_369 = vector.shape_cast %get3A_368 : vector<1x1x16xf32> to vector<16xf32>
        %swap3A_370 = arith.index_cast %rem3A_71 : i32 to index
        %swap3A_371 = arith.index_cast %scan3A_124 : i32 to index
        %swap3A_372 = arith.constant 352 : index
        %swap3A_373 = tpu.vector_load %arg8[%swap3A_370, %swap3A_371, %swap3A_372] {strides = array<i32>} : memref<2x16x1024xf32, #tpu.memory_space<vmem>>, vector<1x1x16xf32>,
        %swap3A_374 = vector.shape_cast %swap3A_373 : vector<1x1x16xf32> to vector<16xf32>
        %swap3A_375 = vector.shape_cast %get3A_369 : vector<16xf32> to vector<1x1x16xf32>
        tpu.vector_store %arg8[%swap3A_370, %swap3A_371, %swap3A_372], %swap3A_375 {add = true, strides = array<i32>} : memref<2x16x1024xf32, #tpu.memory_space<vmem>>, vector<1x1x16xf32>,
        %get3A_376 = arith.index_cast %rem3A_71 : i32 to index
        %get3A_377 = arith.index_cast %scan3A_124 : i32 to index
        %get3A_378 = arith.constant 368 : index
        %get3A_379 = tpu.vector_load %arg9[%get3A_376, %get3A_377, %get3A_378] {strides = array<i32>} : memref<2x16x1024xf32, #tpu.memory_space<vmem>>, vector<1x1x16xf32>,
        %get3A_380 = vector.shape_cast %get3A_379 : vector<1x1x16xf32> to vector<16xf32>
        %swap3A_381 = arith.index_cast %rem3A_71 : i32 to index
        %swap3A_382 = arith.index_cast %scan3A_124 : i32 to index
        %swap3A_383 = arith.constant 368 : index
        %swap3A_384 = tpu.vector_load %arg8[%swap3A_381, %swap3A_382, %swap3A_383] {strides = array<i32>} : memref<2x16x1024xf32, #tpu.memory_space<vmem>>, vector<1x1x16xf32>,
        %swap3A_385 = vector.shape_cast %swap3A_384 : vector<1x1x16xf32> to vector<16xf32>
        %swap3A_386 = vector.shape_cast %get3A_380 : vector<16xf32> to vector<1x1x16xf32>
        tpu.vector_store %arg8[%swap3A_381, %swap3A_382, %swap3A_383], %swap3A_386 {add = true, strides = array<i32>} : memref<2x16x1024xf32, #tpu.memory_space<vmem>>, vector<1x1x16xf32>,
        %get3A_387 = arith.index_cast %rem3A_71 : i32 to index
        %get3A_388 = arith.index_cast %scan3A_124 : i32 to index
        %get3A_389 = arith.constant 384 : index
        %get3A_390 = tpu.vector_load %arg9[%get3A_387, %get3A_388, %get3A_389] {strides = array<i32>} : memref<2x16x1024xf32, #tpu.memory_space<vmem>>, vector<1x1x16xf32>,
        %get3A_391 = vector.shape_cast %get3A_390 : vector<1x1x16xf32> to vector<16xf32>
        %swap3A_392 = arith.index_cast %rem3A_71 : i32 to index
        %swap3A_393 = arith.index_cast %scan3A_124 : i32 to index
        %swap3A_394 = arith.constant 384 : index
        %swap3A_395 = tpu.vector_load %arg8[%swap3A_392, %swap3A_393, %swap3A_394] {strides = array<i32>} : memref<2x16x1024xf32, #tpu.memory_space<vmem>>, vector<1x1x16xf32>,
        %swap3A_396 = vector.shape_cast %swap3A_395 : vector<1x1x16xf32> to vector<16xf32>
        %swap3A_397 = vector.shape_cast %get3A_391 : vector<16xf32> to vector<1x1x16xf32>
        tpu.vector_store %arg8[%swap3A_392, %swap3A_393, %swap3A_394], %swap3A_397 {add = true, strides = array<i32>} : memref<2x16x1024xf32, #tpu.memory_space<vmem>>, vector<1x1x16xf32>,
        %get3A_398 = arith.index_cast %rem3A_71 : i32 to index
        %get3A_399 = arith.index_cast %scan3A_124 : i32 to index
        %get3A_400 = arith.constant 400 : index
        %get3A_401 = tpu.vector_load %arg9[%get3A_398, %get3A_399, %get3A_400] {strides = array<i32>} : memref<2x16x1024xf32, #tpu.memory_space<vmem>>, vector<1x1x16xf32>,
        %get3A_402 = vector.shape_cast %get3A_401 : vector<1x1x16xf32> to vector<16xf32>
        %swap3A_403 = arith.index_cast %rem3A_71 : i32 to index
        %swap3A_404 = arith.index_cast %scan3A_124 : i32 to index
        %swap3A_405 = arith.constant 400 : index
        %swap3A_406 = tpu.vector_load %arg8[%swap3A_403, %swap3A_404, %swap3A_405] {strides = array<i32>} : memref<2x16x1024xf32, #tpu.memory_space<vmem>>, vector<1x1x16xf32>,
        %swap3A_407 = vector.shape_cast %swap3A_406 : vector<1x1x16xf32> to vector<16xf32>
        %swap3A_408 = vector.shape_cast %get3A_402 : vector<16xf32> to vector<1x1x16xf32>
        tpu.vector_store %arg8[%swap3A_403, %swap3A_404, %swap3A_405], %swap3A_408 {add = true, strides = array<i32>} : memref<2x16x1024xf32, #tpu.memory_space<vmem>>, vector<1x1x16xf32>,
        %get3A_409 = arith.index_cast %rem3A_71 : i32 to index
        %get3A_410 = arith.index_cast %scan3A_124 : i32 to index
        %get3A_411 = arith.constant 416 : index
        %get3A_412 = tpu.vector_load %arg9[%get3A_409, %get3A_410, %get3A_411] {strides = array<i32>} : memref<2x16x1024xf32, #tpu.memory_space<vmem>>, vector<1x1x16xf32>,
        %get3A_413 = vector.shape_cast %get3A_412 : vector<1x1x16xf32> to vector<16xf32>
        %swap3A_414 = arith.index_cast %rem3A_71 : i32 to index
        %swap3A_415 = arith.index_cast %scan3A_124 : i32 to index
        %swap3A_416 = arith.constant 416 : index
        %swap3A_417 = tpu.vector_load %arg8[%swap3A_414, %swap3A_415, %swap3A_416] {strides = array<i32>} : memref<2x16x1024xf32, #tpu.memory_space<vmem>>, vector<1x1x16xf32>,
        %swap3A_418 = vector.shape_cast %swap3A_417 : vector<1x1x16xf32> to vector<16xf32>
        %swap3A_419 = vector.shape_cast %get3A_413 : vector<16xf32> to vector<1x1x16xf32>
        tpu.vector_store %arg8[%swap3A_414, %swap3A_415, %swap3A_416], %swap3A_419 {add = true, strides = array<i32>} : memref<2x16x1024xf32, #tpu.memory_space<vmem>>, vector<1x1x16xf32>,
        %get3A_420 = arith.index_cast %rem3A_71 : i32 to index
        %get3A_421 = arith.index_cast %scan3A_124 : i32 to index
        %get3A_422 = arith.constant 432 : index
        %get3A_423 = tpu.vector_load %arg9[%get3A_420, %get3A_421, %get3A_422] {strides = array<i32>} : memref<2x16x1024xf32, #tpu.memory_space<vmem>>, vector<1x1x16xf32>,
        %get3A_424 = vector.shape_cast %get3A_423 : vector<1x1x16xf32> to vector<16xf32>
        %swap3A_425 = arith.index_cast %rem3A_71 : i32 to index
        %swap3A_426 = arith.index_cast %scan3A_124 : i32 to index
        %swap3A_427 = arith.constant 432 : index
        %swap3A_428 = tpu.vector_load %arg8[%swap3A_425, %swap3A_426, %swap3A_427] {strides = array<i32>} : memref<2x16x1024xf32, #tpu.memory_space<vmem>>, vector<1x1x16xf32>,
        %swap3A_429 = vector.shape_cast %swap3A_428 : vector<1x1x16xf32> to vector<16xf32>
        %swap3A_430 = vector.shape_cast %get3A_424 : vector<16xf32> to vector<1x1x16xf32>
        tpu.vector_store %arg8[%swap3A_425, %swap3A_426, %swap3A_427], %swap3A_430 {add = true, strides = array<i32>} : memref<2x16x1024xf32, #tpu.memory_space<vmem>>, vector<1x1x16xf32>,
        %get3A_431 = arith.index_cast %rem3A_71 : i32 to index
        %get3A_432 = arith.index_cast %scan3A_124 : i32 to index
        %get3A_433 = arith.constant 448 : index
        %get3A_434 = tpu.vector_load %arg9[%get3A_431, %get3A_432, %get3A_433] {strides = array<i32>} : memref<2x16x1024xf32, #tpu.memory_space<vmem>>, vector<1x1x16xf32>,
        %get3A_435 = vector.shape_cast %get3A_434 : vector<1x1x16xf32> to vector<16xf32>
        %swap3A_436 = arith.index_cast %rem3A_71 : i32 to index
        %swap3A_437 = arith.index_cast %scan3A_124 : i32 to index
        %swap3A_438 = arith.constant 448 : index
        %swap3A_439 = tpu.vector_load %arg8[%swap3A_436, %swap3A_437, %swap3A_438] {strides = array<i32>} : memref<2x16x1024xf32, #tpu.memory_space<vmem>>, vector<1x1x16xf32>,
        %swap3A_440 = vector.shape_cast %swap3A_439 : vector<1x1x16xf32> to vector<16xf32>
        %swap3A_441 = vector.shape_cast %get3A_435 : vector<16xf32> to vector<1x1x16xf32>
        tpu.vector_store %arg8[%swap3A_436, %swap3A_437, %swap3A_438], %swap3A_441 {add = true, strides = array<i32>} : memref<2x16x1024xf32, #tpu.memory_space<vmem>>, vector<1x1x16xf32>,
        %get3A_442 = arith.index_cast %rem3A_71 : i32 to index
        %get3A_443 = arith.index_cast %scan3A_124 : i32 to index
        %get3A_444 = arith.constant 464 : index
        %get3A_445 = tpu.vector_load %arg9[%get3A_442, %get3A_443, %get3A_444] {strides = array<i32>} : memref<2x16x1024xf32, #tpu.memory_space<vmem>>, vector<1x1x16xf32>,
        %get3A_446 = vector.shape_cast %get3A_445 : vector<1x1x16xf32> to vector<16xf32>
        %swap3A_447 = arith.index_cast %rem3A_71 : i32 to index
        %swap3A_448 = arith.index_cast %scan3A_124 : i32 to index
        %swap3A_449 = arith.constant 464 : index
        %swap3A_450 = tpu.vector_load %arg8[%swap3A_447, %swap3A_448, %swap3A_449] {strides = array<i32>} : memref<2x16x1024xf32, #tpu.memory_space<vmem>>, vector<1x1x16xf32>,
        %swap3A_451 = vector.shape_cast %swap3A_450 : vector<1x1x16xf32> to vector<16xf32>
        %swap3A_452 = vector.shape_cast %get3A_446 : vector<16xf32> to vector<1x1x16xf32>
        tpu.vector_store %arg8[%swap3A_447, %swap3A_448, %swap3A_449], %swap3A_452 {add = true, strides = array<i32>} : memref<2x16x1024xf32, #tpu.memory_space<vmem>>, vector<1x1x16xf32>,
        %get3A_453 = arith.index_cast %rem3A_71 : i32 to index
        %get3A_454 = arith.index_cast %scan3A_124 : i32 to index
        %get3A_455 = arith.constant 480 : index
        %get3A_456 = tpu.vector_load %arg9[%get3A_453, %get3A_454, %get3A_455] {strides = array<i32>} : memref<2x16x1024xf32, #tpu.memory_space<vmem>>, vector<1x1x16xf32>,
        %get3A_457 = vector.shape_cast %get3A_456 : vector<1x1x16xf32> to vector<16xf32>
        %swap3A_458 = arith.index_cast %rem3A_71 : i32 to index
        %swap3A_459 = arith.index_cast %scan3A_124 : i32 to index
        %swap3A_460 = arith.constant 480 : index
        %swap3A_461 = tpu.vector_load %arg8[%swap3A_458, %swap3A_459, %swap3A_460] {strides = array<i32>} : memref<2x16x1024xf32, #tpu.memory_space<vmem>>, vector<1x1x16xf32>,
        %swap3A_462 = vector.shape_cast %swap3A_461 : vector<1x1x16xf32> to vector<16xf32>
        %swap3A_463 = vector.shape_cast %get3A_457 : vector<16xf32> to vector<1x1x16xf32>
        tpu.vector_store %arg8[%swap3A_458, %swap3A_459, %swap3A_460], %swap3A_463 {add = true, strides = array<i32>} : memref<2x16x1024xf32, #tpu.memory_space<vmem>>, vector<1x1x16xf32>,
        %get3A_464 = arith.index_cast %rem3A_71 : i32 to index
        %get3A_465 = arith.index_cast %scan3A_124 : i32 to index
        %get3A_466 = arith.constant 496 : index
        %get3A_467 = tpu.vector_load %arg9[%get3A_464, %get3A_465, %get3A_466] {strides = array<i32>} : memref<2x16x1024xf32, #tpu.memory_space<vmem>>, vector<1x1x16xf32>,
        %get3A_468 = vector.shape_cast %get3A_467 : vector<1x1x16xf32> to vector<16xf32>
        %swap3A_469 = arith.index_cast %rem3A_71 : i32 to index
        %swap3A_470 = arith.index_cast %scan3A_124 : i32 to index
        %swap3A_471 = arith.constant 496 : index
        %swap3A_472 = tpu.vector_load %arg8[%swap3A_469, %swap3A_470, %swap3A_471] {strides = array<i32>} : memref<2x16x1024xf32, #tpu.memory_space<vmem>>, vector<1x1x16xf32>,
        %swap3A_473 = vector.shape_cast %swap3A_472 : vector<1x1x16xf32> to vector<16xf32>
        %swap3A_474 = vector.shape_cast %get3A_468 : vector<16xf32> to vector<1x1x16xf32>
        tpu.vector_store %arg8[%swap3A_469, %swap3A_470, %swap3A_471], %swap3A_474 {add = true, strides = array<i32>} : memref<2x16x1024xf32, #tpu.memory_space<vmem>>, vector<1x1x16xf32>,
        %get3A_475 = arith.index_cast %rem3A_71 : i32 to index
        %get3A_476 = arith.index_cast %scan3A_124 : i32 to index
        %get3A_477 = arith.constant 512 : index
        %get3A_478 = tpu.vector_load %arg9[%get3A_475, %get3A_476, %get3A_477] {strides = array<i32>} : memref<2x16x1024xf32, #tpu.memory_space<vmem>>, vector<1x1x16xf32>,
        %get3A_479 = vector.shape_cast %get3A_478 : vector<1x1x16xf32> to vector<16xf32>
        %swap3A_480 = arith.index_cast %rem3A_71 : i32 to index
        %swap3A_481 = arith.index_cast %scan3A_124 : i32 to index
        %swap3A_482 = arith.constant 512 : index
        %swap3A_483 = tpu.vector_load %arg8[%swap3A_480, %swap3A_481, %swap3A_482] {strides = array<i32>} : memref<2x16x1024xf32, #tpu.memory_space<vmem>>, vector<1x1x16xf32>,
        %swap3A_484 = vector.shape_cast %swap3A_483 : vector<1x1x16xf32> to vector<16xf32>
        %swap3A_485 = vector.shape_cast %get3A_479 : vector<16xf32> to vector<1x1x16xf32>
        tpu.vector_store %arg8[%swap3A_480, %swap3A_481, %swap3A_482], %swap3A_485 {add = true, strides = array<i32>} : memref<2x16x1024xf32, #tpu.memory_space<vmem>>, vector<1x1x16xf32>,
        %get3A_486 = arith.index_cast %rem3A_71 : i32 to index
        %get3A_487 = arith.index_cast %scan3A_124 : i32 to index
        %get3A_488 = arith.constant 528 : index
        %get3A_489 = tpu.vector_load %arg9[%get3A_486, %get3A_487, %get3A_488] {strides = array<i32>} : memref<2x16x1024xf32, #tpu.memory_space<vmem>>, vector<1x1x16xf32>,
        %get3A_490 = vector.shape_cast %get3A_489 : vector<1x1x16xf32> to vector<16xf32>
        %swap3A_491 = arith.index_cast %rem3A_71 : i32 to index
        %swap3A_492 = arith.index_cast %scan3A_124 : i32 to index
        %swap3A_493 = arith.constant 528 : index
        %swap3A_494 = tpu.vector_load %arg8[%swap3A_491, %swap3A_492, %swap3A_493] {strides = array<i32>} : memref<2x16x1024xf32, #tpu.memory_space<vmem>>, vector<1x1x16xf32>,
        %swap3A_495 = vector.shape_cast %swap3A_494 : vector<1x1x16xf32> to vector<16xf32>
        %swap3A_496 = vector.shape_cast %get3A_490 : vector<16xf32> to vector<1x1x16xf32>
        tpu.vector_store %arg8[%swap3A_491, %swap3A_492, %swap3A_493], %swap3A_496 {add = true, strides = array<i32>} : memref<2x16x1024xf32, #tpu.memory_space<vmem>>, vector<1x1x16xf32>,
        %get3A_497 = arith.index_cast %rem3A_71 : i32 to index
        %get3A_498 = arith.index_cast %scan3A_124 : i32 to index
        %get3A_499 = arith.constant 544 : index
        %get3A_500 = tpu.vector_load %arg9[%get3A_497, %get3A_498, %get3A_499] {strides = array<i32>} : memref<2x16x1024xf32, #tpu.memory_space<vmem>>, vector<1x1x16xf32>,
        %get3A_501 = vector.shape_cast %get3A_500 : vector<1x1x16xf32> to vector<16xf32>
        %swap3A_502 = arith.index_cast %rem3A_71 : i32 to index
        %swap3A_503 = arith.index_cast %scan3A_124 : i32 to index
        %swap3A_504 = arith.constant 544 : index
        %swap3A_505 = tpu.vector_load %arg8[%swap3A_502, %swap3A_503, %swap3A_504] {strides = array<i32>} : memref<2x16x1024xf32, #tpu.memory_space<vmem>>, vector<1x1x16xf32>,
        %swap3A_506 = vector.shape_cast %swap3A_505 : vector<1x1x16xf32> to vector<16xf32>
        %swap3A_507 = vector.shape_cast %get3A_501 : vector<16xf32> to vector<1x1x16xf32>
        tpu.vector_store %arg8[%swap3A_502, %swap3A_503, %swap3A_504], %swap3A_507 {add = true, strides = array<i32>} : memref<2x16x1024xf32, #tpu.memory_space<vmem>>, vector<1x1x16xf32>,
        %get3A_508 = arith.index_cast %rem3A_71 : i32 to index
        %get3A_509 = arith.index_cast %scan3A_124 : i32 to index
        %get3A_510 = arith.constant 560 : index
        %get3A_511 = tpu.vector_load %arg9[%get3A_508, %get3A_509, %get3A_510] {strides = array<i32>} : memref<2x16x1024xf32, #tpu.memory_space<vmem>>, vector<1x1x16xf32>,
        %get3A_512 = vector.shape_cast %get3A_511 : vector<1x1x16xf32> to vector<16xf32>
        %swap3A_513 = arith.index_cast %rem3A_71 : i32 to index
        %swap3A_514 = arith.index_cast %scan3A_124 : i32 to index
        %swap3A_515 = arith.constant 560 : index
        %swap3A_516 = tpu.vector_load %arg8[%swap3A_513, %swap3A_514, %swap3A_515] {strides = array<i32>} : memref<2x16x1024xf32, #tpu.memory_space<vmem>>, vector<1x1x16xf32>,
        %swap3A_517 = vector.shape_cast %swap3A_516 : vector<1x1x16xf32> to vector<16xf32>
        %swap3A_518 = vector.shape_cast %get3A_512 : vector<16xf32> to vector<1x1x16xf32>
        tpu.vector_store %arg8[%swap3A_513, %swap3A_514, %swap3A_515], %swap3A_518 {add = true, strides = array<i32>} : memref<2x16x1024xf32, #tpu.memory_space<vmem>>, vector<1x1x16xf32>,
        %get3A_519 = arith.index_cast %rem3A_71 : i32 to index
        %get3A_520 = arith.index_cast %scan3A_124 : i32 to index
        %get3A_521 = arith.constant 576 : index
        %get3A_522 = tpu.vector_load %arg9[%get3A_519, %get3A_520, %get3A_521] {strides = array<i32>} : memref<2x16x1024xf32, #tpu.memory_space<vmem>>, vector<1x1x16xf32>,
        %get3A_523 = vector.shape_cast %get3A_522 : vector<1x1x16xf32> to vector<16xf32>
        %swap3A_524 = arith.index_cast %rem3A_71 : i32 to index
        %swap3A_525 = arith.index_cast %scan3A_124 : i32 to index
        %swap3A_526 = arith.constant 576 : index
        %swap3A_527 = tpu.vector_load %arg8[%swap3A_524, %swap3A_525, %swap3A_526] {strides = array<i32>} : memref<2x16x1024xf32, #tpu.memory_space<vmem>>, vector<1x1x16xf32>,
        %swap3A_528 = vector.shape_cast %swap3A_527 : vector<1x1x16xf32> to vector<16xf32>
        %swap3A_529 = vector.shape_cast %get3A_523 : vector<16xf32> to vector<1x1x16xf32>
        tpu.vector_store %arg8[%swap3A_524, %swap3A_525, %swap3A_526], %swap3A_529 {add = true, strides = array<i32>} : memref<2x16x1024xf32, #tpu.memory_space<vmem>>, vector<1x1x16xf32>,
        %get3A_530 = arith.index_cast %rem3A_71 : i32 to index
        %get3A_531 = arith.index_cast %scan3A_124 : i32 to index
        %get3A_532 = arith.constant 592 : index
        %get3A_533 = tpu.vector_load %arg9[%get3A_530, %get3A_531, %get3A_532] {strides = array<i32>} : memref<2x16x1024xf32, #tpu.memory_space<vmem>>, vector<1x1x16xf32>,
        %get3A_534 = vector.shape_cast %get3A_533 : vector<1x1x16xf32> to vector<16xf32>
        %swap3A_535 = arith.index_cast %rem3A_71 : i32 to index
        %swap3A_536 = arith.index_cast %scan3A_124 : i32 to index
        %swap3A_537 = arith.constant 592 : index
        %swap3A_538 = tpu.vector_load %arg8[%swap3A_535, %swap3A_536, %swap3A_537] {strides = array<i32>} : memref<2x16x1024xf32, #tpu.memory_space<vmem>>, vector<1x1x16xf32>,
        %swap3A_539 = vector.shape_cast %swap3A_538 : vector<1x1x16xf32> to vector<16xf32>
        %swap3A_540 = vector.shape_cast %get3A_534 : vector<16xf32> to vector<1x1x16xf32>
        tpu.vector_store %arg8[%swap3A_535, %swap3A_536, %swap3A_537], %swap3A_540 {add = true, strides = array<i32>} : memref<2x16x1024xf32, #tpu.memory_space<vmem>>, vector<1x1x16xf32>,
        %get3A_541 = arith.index_cast %rem3A_71 : i32 to index
        %get3A_542 = arith.index_cast %scan3A_124 : i32 to index
        %get3A_543 = arith.constant 608 : index
        %get3A_544 = tpu.vector_load %arg9[%get3A_541, %get3A_542, %get3A_543] {strides = array<i32>} : memref<2x16x1024xf32, #tpu.memory_space<vmem>>, vector<1x1x16xf32>,
        %get3A_545 = vector.shape_cast %get3A_544 : vector<1x1x16xf32> to vector<16xf32>
        %swap3A_546 = arith.index_cast %rem3A_71 : i32 to index
        %swap3A_547 = arith.index_cast %scan3A_124 : i32 to index
        %swap3A_548 = arith.constant 608 : index
        %swap3A_549 = tpu.vector_load %arg8[%swap3A_546, %swap3A_547, %swap3A_548] {strides = array<i32>} : memref<2x16x1024xf32, #tpu.memory_space<vmem>>, vector<1x1x16xf32>,
        %swap3A_550 = vector.shape_cast %swap3A_549 : vector<1x1x16xf32> to vector<16xf32>
        %swap3A_551 = vector.shape_cast %get3A_545 : vector<16xf32> to vector<1x1x16xf32>
        tpu.vector_store %arg8[%swap3A_546, %swap3A_547, %swap3A_548], %swap3A_551 {add = true, strides = array<i32>} : memref<2x16x1024xf32, #tpu.memory_space<vmem>>, vector<1x1x16xf32>,
        %get3A_552 = arith.index_cast %rem3A_71 : i32 to index
        %get3A_553 = arith.index_cast %scan3A_124 : i32 to index
        %get3A_554 = arith.constant 624 : index
        %get3A_555 = tpu.vector_load %arg9[%get3A_552, %get3A_553, %get3A_554] {strides = array<i32>} : memref<2x16x1024xf32, #tpu.memory_space<vmem>>, vector<1x1x16xf32>,
        %get3A_556 = vector.shape_cast %get3A_555 : vector<1x1x16xf32> to vector<16xf32>
        %swap3A_557 = arith.index_cast %rem3A_71 : i32 to index
        %swap3A_558 = arith.index_cast %scan3A_124 : i32 to index
        %swap3A_559 = arith.constant 624 : index
        %swap3A_560 = tpu.vector_load %arg8[%swap3A_557, %swap3A_558, %swap3A_559] {strides = array<i32>} : memref<2x16x1024xf32, #tpu.memory_space<vmem>>, vector<1x1x16xf32>,
        %swap3A_561 = vector.shape_cast %swap3A_560 : vector<1x1x16xf32> to vector<16xf32>
        %swap3A_562 = vector.shape_cast %get3A_556 : vector<16xf32> to vector<1x1x16xf32>
        tpu.vector_store %arg8[%swap3A_557, %swap3A_558, %swap3A_559], %swap3A_562 {add = true, strides = array<i32>} : memref<2x16x1024xf32, #tpu.memory_space<vmem>>, vector<1x1x16xf32>,
        %get3A_563 = arith.index_cast %rem3A_71 : i32 to index
        %get3A_564 = arith.index_cast %scan3A_124 : i32 to index
        %get3A_565 = arith.constant 640 : index
        %get3A_566 = tpu.vector_load %arg9[%get3A_563, %get3A_564, %get3A_565] {strides = array<i32>} : memref<2x16x1024xf32, #tpu.memory_space<vmem>>, vector<1x1x16xf32>,
        %get3A_567 = vector.shape_cast %get3A_566 : vector<1x1x16xf32> to vector<16xf32>
        %swap3A_568 = arith.index_cast %rem3A_71 : i32 to index
        %swap3A_569 = arith.index_cast %scan3A_124 : i32 to index
        %swap3A_570 = arith.constant 640 : index
        %swap3A_571 = tpu.vector_load %arg8[%swap3A_568, %swap3A_569, %swap3A_570] {strides = array<i32>} : memref<2x16x1024xf32, #tpu.memory_space<vmem>>, vector<1x1x16xf32>,
        %swap3A_572 = vector.shape_cast %swap3A_571 : vector<1x1x16xf32> to vector<16xf32>
        %swap3A_573 = vector.shape_cast %get3A_567 : vector<16xf32> to vector<1x1x16xf32>
        tpu.vector_store %arg8[%swap3A_568, %swap3A_569, %swap3A_570], %swap3A_573 {add = true, strides = array<i32>} : memref<2x16x1024xf32, #tpu.memory_space<vmem>>, vector<1x1x16xf32>,
        %get3A_574 = arith.index_cast %rem3A_71 : i32 to index
        %get3A_575 = arith.index_cast %scan3A_124 : i32 to index
        %get3A_576 = arith.constant 656 : index
        %get3A_577 = tpu.vector_load %arg9[%get3A_574, %get3A_575, %get3A_576] {strides = array<i32>} : memref<2x16x1024xf32, #tpu.memory_space<vmem>>, vector<1x1x16xf32>,
        %get3A_578 = vector.shape_cast %get3A_577 : vector<1x1x16xf32> to vector<16xf32>
        %swap3A_579 = arith.index_cast %rem3A_71 : i32 to index
        %swap3A_580 = arith.index_cast %scan3A_124 : i32 to index
        %swap3A_581 = arith.constant 656 : index
        %swap3A_582 = tpu.vector_load %arg8[%swap3A_579, %swap3A_580, %swap3A_581] {strides = array<i32>} : memref<2x16x1024xf32, #tpu.memory_space<vmem>>, vector<1x1x16xf32>,
        %swap3A_583 = vector.shape_cast %swap3A_582 : vector<1x1x16xf32> to vector<16xf32>
        %swap3A_584 = vector.shape_cast %get3A_578 : vector<16xf32> to vector<1x1x16xf32>
        tpu.vector_store %arg8[%swap3A_579, %swap3A_580, %swap3A_581], %swap3A_584 {add = true, strides = array<i32>} : memref<2x16x1024xf32, #tpu.memory_space<vmem>>, vector<1x1x16xf32>,
        %get3A_585 = arith.index_cast %rem3A_71 : i32 to index
        %get3A_586 = arith.index_cast %scan3A_124 : i32 to index
        %get3A_587 = arith.constant 672 : index
        %get3A_588 = tpu.vector_load %arg9[%get3A_585, %get3A_586, %get3A_587] {strides = array<i32>} : memref<2x16x1024xf32, #tpu.memory_space<vmem>>, vector<1x1x16xf32>,
        %get3A_589 = vector.shape_cast %get3A_588 : vector<1x1x16xf32> to vector<16xf32>
        %swap3A_590 = arith.index_cast %rem3A_71 : i32 to index
        %swap3A_591 = arith.index_cast %scan3A_124 : i32 to index
        %swap3A_592 = arith.constant 672 : index
        %swap3A_593 = tpu.vector_load %arg8[%swap3A_590, %swap3A_591, %swap3A_592] {strides = array<i32>} : memref<2x16x1024xf32, #tpu.memory_space<vmem>>, vector<1x1x16xf32>,
        %swap3A_594 = vector.shape_cast %swap3A_593 : vector<1x1x16xf32> to vector<16xf32>
        %swap3A_595 = vector.shape_cast %get3A_589 : vector<16xf32> to vector<1x1x16xf32>
        tpu.vector_store %arg8[%swap3A_590, %swap3A_591, %swap3A_592], %swap3A_595 {add = true, strides = array<i32>} : memref<2x16x1024xf32, #tpu.memory_space<vmem>>, vector<1x1x16xf32>,
        %get3A_596 = arith.index_cast %rem3A_71 : i32 to index
        %get3A_597 = arith.index_cast %scan3A_124 : i32 to index
        %get3A_598 = arith.constant 688 : index
        %get3A_599 = tpu.vector_load %arg9[%get3A_596, %get3A_597, %get3A_598] {strides = array<i32>} : memref<2x16x1024xf32, #tpu.memory_space<vmem>>, vector<1x1x16xf32>,
        %get3A_600 = vector.shape_cast %get3A_599 : vector<1x1x16xf32> to vector<16xf32>
        %swap3A_601 = arith.index_cast %rem3A_71 : i32 to index
        %swap3A_602 = arith.index_cast %scan3A_124 : i32 to index
        %swap3A_603 = arith.constant 688 : index
        %swap3A_604 = tpu.vector_load %arg8[%swap3A_601, %swap3A_602, %swap3A_603] {strides = array<i32>} : memref<2x16x1024xf32, #tpu.memory_space<vmem>>, vector<1x1x16xf32>,
        %swap3A_605 = vector.shape_cast %swap3A_604 : vector<1x1x16xf32> to vector<16xf32>
        %swap3A_606 = vector.shape_cast %get3A_600 : vector<16xf32> to vector<1x1x16xf32>
        tpu.vector_store %arg8[%swap3A_601, %swap3A_602, %swap3A_603], %swap3A_606 {add = true, strides = array<i32>} : memref<2x16x1024xf32, #tpu.memory_space<vmem>>, vector<1x1x16xf32>,
        %get3A_607 = arith.index_cast %rem3A_71 : i32 to index
        %get3A_608 = arith.index_cast %scan3A_124 : i32 to index
        %get3A_609 = arith.constant 704 : index
        %get3A_610 = tpu.vector_load %arg9[%get3A_607, %get3A_608, %get3A_609] {strides = array<i32>} : memref<2x16x1024xf32, #tpu.memory_space<vmem>>, vector<1x1x16xf32>,
        %get3A_611 = vector.shape_cast %get3A_610 : vector<1x1x16xf32> to vector<16xf32>
        %swap3A_612 = arith.index_cast %rem3A_71 : i32 to index
        %swap3A_613 = arith.index_cast %scan3A_124 : i32 to index
        %swap3A_614 = arith.constant 704 : index
        %swap3A_615 = tpu.vector_load %arg8[%swap3A_612, %swap3A_613, %swap3A_614] {strides = array<i32>} : memref<2x16x1024xf32, #tpu.memory_space<vmem>>, vector<1x1x16xf32>,
        %swap3A_616 = vector.shape_cast %swap3A_615 : vector<1x1x16xf32> to vector<16xf32>
        %swap3A_617 = vector.shape_cast %get3A_611 : vector<16xf32> to vector<1x1x16xf32>
        tpu.vector_store %arg8[%swap3A_612, %swap3A_613, %swap3A_614], %swap3A_617 {add = true, strides = array<i32>} : memref<2x16x1024xf32, #tpu.memory_space<vmem>>, vector<1x1x16xf32>,
        %get3A_618 = arith.index_cast %rem3A_71 : i32 to index
        %get3A_619 = arith.index_cast %scan3A_124 : i32 to index
        %get3A_620 = arith.constant 720 : index
        %get3A_621 = tpu.vector_load %arg9[%get3A_618, %get3A_619, %get3A_620] {strides = array<i32>} : memref<2x16x1024xf32, #tpu.memory_space<vmem>>, vector<1x1x16xf32>,
        %get3A_622 = vector.shape_cast %get3A_621 : vector<1x1x16xf32> to vector<16xf32>
        %swap3A_623 = arith.index_cast %rem3A_71 : i32 to index
        %swap3A_624 = arith.index_cast %scan3A_124 : i32 to index
        %swap3A_625 = arith.constant 720 : index
        %swap3A_626 = tpu.vector_load %arg8[%swap3A_623, %swap3A_624, %swap3A_625] {strides = array<i32>} : memref<2x16x1024xf32, #tpu.memory_space<vmem>>, vector<1x1x16xf32>,
        %swap3A_627 = vector.shape_cast %swap3A_626 : vector<1x1x16xf32> to vector<16xf32>
        %swap3A_628 = vector.shape_cast %get3A_622 : vector<16xf32> to vector<1x1x16xf32>
        tpu.vector_store %arg8[%swap3A_623, %swap3A_624, %swap3A_625], %swap3A_628 {add = true, strides = array<i32>} : memref<2x16x1024xf32, #tpu.memory_space<vmem>>, vector<1x1x16xf32>,
        %get3A_629 = arith.index_cast %rem3A_71 : i32 to index
        %get3A_630 = arith.index_cast %scan3A_124 : i32 to index
        %get3A_631 = arith.constant 736 : index
        %get3A_632 = tpu.vector_load %arg9[%get3A_629, %get3A_630, %get3A_631] {strides = array<i32>} : memref<2x16x1024xf32, #tpu.memory_space<vmem>>, vector<1x1x16xf32>,
        %get3A_633 = vector.shape_cast %get3A_632 : vector<1x1x16xf32> to vector<16xf32>
        %swap3A_634 = arith.index_cast %rem3A_71 : i32 to index
        %swap3A_635 = arith.index_cast %scan3A_124 : i32 to index
        %swap3A_636 = arith.constant 736 : index
        %swap3A_637 = tpu.vector_load %arg8[%swap3A_634, %swap3A_635, %swap3A_636] {strides = array<i32>} : memref<2x16x1024xf32, #tpu.memory_space<vmem>>, vector<1x1x16xf32>,
        %swap3A_638 = vector.shape_cast %swap3A_637 : vector<1x1x16xf32> to vector<16xf32>
        %swap3A_639 = vector.shape_cast %get3A_633 : vector<16xf32> to vector<1x1x16xf32>
        tpu.vector_store %arg8[%swap3A_634, %swap3A_635, %swap3A_636], %swap3A_639 {add = true, strides = array<i32>} : memref<2x16x1024xf32, #tpu.memory_space<vmem>>, vector<1x1x16xf32>,
        %get3A_640 = arith.index_cast %rem3A_71 : i32 to index
        %get3A_641 = arith.index_cast %scan3A_124 : i32 to index
        %get3A_642 = arith.constant 752 : index
        %get3A_643 = tpu.vector_load %arg9[%get3A_640, %get3A_641, %get3A_642] {strides = array<i32>} : memref<2x16x1024xf32, #tpu.memory_space<vmem>>, vector<1x1x16xf32>,
        %get3A_644 = vector.shape_cast %get3A_643 : vector<1x1x16xf32> to vector<16xf32>
        %swap3A_645 = arith.index_cast %rem3A_71 : i32 to index
        %swap3A_646 = arith.index_cast %scan3A_124 : i32 to index
        %swap3A_647 = arith.constant 752 : index
        %swap3A_648 = tpu.vector_load %arg8[%swap3A_645, %swap3A_646, %swap3A_647] {strides = array<i32>} : memref<2x16x1024xf32, #tpu.memory_space<vmem>>, vector<1x1x16xf32>,
        %swap3A_649 = vector.shape_cast %swap3A_648 : vector<1x1x16xf32> to vector<16xf32>
        %swap3A_650 = vector.shape_cast %get3A_644 : vector<16xf32> to vector<1x1x16xf32>
        tpu.vector_store %arg8[%swap3A_645, %swap3A_646, %swap3A_647], %swap3A_650 {add = true, strides = array<i32>} : memref<2x16x1024xf32, #tpu.memory_space<vmem>>, vector<1x1x16xf32>,
        %get3A_651 = arith.index_cast %rem3A_71 : i32 to index
        %get3A_652 = arith.index_cast %scan3A_124 : i32 to index
        %get3A_653 = arith.constant 768 : index
        %get3A_654 = tpu.vector_load %arg9[%get3A_651, %get3A_652, %get3A_653] {strides = array<i32>} : memref<2x16x1024xf32, #tpu.memory_space<vmem>>, vector<1x1x16xf32>,
        %get3A_655 = vector.shape_cast %get3A_654 : vector<1x1x16xf32> to vector<16xf32>
        %swap3A_656 = arith.index_cast %rem3A_71 : i32 to index
        %swap3A_657 = arith.index_cast %scan3A_124 : i32 to index
        %swap3A_658 = arith.constant 768 : index
        %swap3A_659 = tpu.vector_load %arg8[%swap3A_656, %swap3A_657, %swap3A_658] {strides = array<i32>} : memref<2x16x1024xf32, #tpu.memory_space<vmem>>, vector<1x1x16xf32>,
        %swap3A_660 = vector.shape_cast %swap3A_659 : vector<1x1x16xf32> to vector<16xf32>
        %swap3A_661 = vector.shape_cast %get3A_655 : vector<16xf32> to vector<1x1x16xf32>
        tpu.vector_store %arg8[%swap3A_656, %swap3A_657, %swap3A_658], %swap3A_661 {add = true, strides = array<i32>} : memref<2x16x1024xf32, #tpu.memory_space<vmem>>, vector<1x1x16xf32>,
        %get3A_662 = arith.index_cast %rem3A_71 : i32 to index
        %get3A_663 = arith.index_cast %scan3A_124 : i32 to index
        %get3A_664 = arith.constant 784 : index
        %get3A_665 = tpu.vector_load %arg9[%get3A_662, %get3A_663, %get3A_664] {strides = array<i32>} : memref<2x16x1024xf32, #tpu.memory_space<vmem>>, vector<1x1x16xf32>,
        %get3A_666 = vector.shape_cast %get3A_665 : vector<1x1x16xf32> to vector<16xf32>
        %swap3A_667 = arith.index_cast %rem3A_71 : i32 to index
        %swap3A_668 = arith.index_cast %scan3A_124 : i32 to index
        %swap3A_669 = arith.constant 784 : index
        %swap3A_670 = tpu.vector_load %arg8[%swap3A_667, %swap3A_668, %swap3A_669] {strides = array<i32>} : memref<2x16x1024xf32, #tpu.memory_space<vmem>>, vector<1x1x16xf32>,
        %swap3A_671 = vector.shape_cast %swap3A_670 : vector<1x1x16xf32> to vector<16xf32>
        %swap3A_672 = vector.shape_cast %get3A_666 : vector<16xf32> to vector<1x1x16xf32>
        tpu.vector_store %arg8[%swap3A_667, %swap3A_668, %swap3A_669], %swap3A_672 {add = true, strides = array<i32>} : memref<2x16x1024xf32, #tpu.memory_space<vmem>>, vector<1x1x16xf32>,
        %get3A_673 = arith.index_cast %rem3A_71 : i32 to index
        %get3A_674 = arith.index_cast %scan3A_124 : i32 to index
        %get3A_675 = arith.constant 800 : index
        %get3A_676 = tpu.vector_load %arg9[%get3A_673, %get3A_674, %get3A_675] {strides = array<i32>} : memref<2x16x1024xf32, #tpu.memory_space<vmem>>, vector<1x1x16xf32>,
        %get3A_677 = vector.shape_cast %get3A_676 : vector<1x1x16xf32> to vector<16xf32>
        %swap3A_678 = arith.index_cast %rem3A_71 : i32 to index
        %swap3A_679 = arith.index_cast %scan3A_124 : i32 to index
        %swap3A_680 = arith.constant 800 : index
        %swap3A_681 = tpu.vector_load %arg8[%swap3A_678, %swap3A_679, %swap3A_680] {strides = array<i32>} : memref<2x16x1024xf32, #tpu.memory_space<vmem>>, vector<1x1x16xf32>,
        %swap3A_682 = vector.shape_cast %swap3A_681 : vector<1x1x16xf32> to vector<16xf32>
        %swap3A_683 = vector.shape_cast %get3A_677 : vector<16xf32> to vector<1x1x16xf32>
        tpu.vector_store %arg8[%swap3A_678, %swap3A_679, %swap3A_680], %swap3A_683 {add = true, strides = array<i32>} : memref<2x16x1024xf32, #tpu.memory_space<vmem>>, vector<1x1x16xf32>,
        %get3A_684 = arith.index_cast %rem3A_71 : i32 to index
        %get3A_685 = arith.index_cast %scan3A_124 : i32 to index
        %get3A_686 = arith.constant 816 : index
        %get3A_687 = tpu.vector_load %arg9[%get3A_684, %get3A_685, %get3A_686] {strides = array<i32>} : memref<2x16x1024xf32, #tpu.memory_space<vmem>>, vector<1x1x16xf32>,
        %get3A_688 = vector.shape_cast %get3A_687 : vector<1x1x16xf32> to vector<16xf32>
        %swap3A_689 = arith.index_cast %rem3A_71 : i32 to index
        %swap3A_690 = arith.index_cast %scan3A_124 : i32 to index
        %swap3A_691 = arith.constant 816 : index
        %swap3A_692 = tpu.vector_load %arg8[%swap3A_689, %swap3A_690, %swap3A_691] {strides = array<i32>} : memref<2x16x1024xf32, #tpu.memory_space<vmem>>, vector<1x1x16xf32>,
        %swap3A_693 = vector.shape_cast %swap3A_692 : vector<1x1x16xf32> to vector<16xf32>
        %swap3A_694 = vector.shape_cast %get3A_688 : vector<16xf32> to vector<1x1x16xf32>
        tpu.vector_store %arg8[%swap3A_689, %swap3A_690, %swap3A_691], %swap3A_694 {add = true, strides = array<i32>} : memref<2x16x1024xf32, #tpu.memory_space<vmem>>, vector<1x1x16xf32>,
        %get3A_695 = arith.index_cast %rem3A_71 : i32 to index
        %get3A_696 = arith.index_cast %scan3A_124 : i32 to index
        %get3A_697 = arith.constant 832 : index
        %get3A_698 = tpu.vector_load %arg9[%get3A_695, %get3A_696, %get3A_697] {strides = array<i32>} : memref<2x16x1024xf32, #tpu.memory_space<vmem>>, vector<1x1x16xf32>,
        %get3A_699 = vector.shape_cast %get3A_698 : vector<1x1x16xf32> to vector<16xf32>
        %swap3A_700 = arith.index_cast %rem3A_71 : i32 to index
        %swap3A_701 = arith.index_cast %scan3A_124 : i32 to index
        %swap3A_702 = arith.constant 832 : index
        %swap3A_703 = tpu.vector_load %arg8[%swap3A_700, %swap3A_701, %swap3A_702] {strides = array<i32>} : memref<2x16x1024xf32, #tpu.memory_space<vmem>>, vector<1x1x16xf32>,
        %swap3A_704 = vector.shape_cast %swap3A_703 : vector<1x1x16xf32> to vector<16xf32>
        %swap3A_705 = vector.shape_cast %get3A_699 : vector<16xf32> to vector<1x1x16xf32>
        tpu.vector_store %arg8[%swap3A_700, %swap3A_701, %swap3A_702], %swap3A_705 {add = true, strides = array<i32>} : memref<2x16x1024xf32, #tpu.memory_space<vmem>>, vector<1x1x16xf32>,
        %get3A_706 = arith.index_cast %rem3A_71 : i32 to index
        %get3A_707 = arith.index_cast %scan3A_124 : i32 to index
        %get3A_708 = arith.constant 848 : index
        %get3A_709 = tpu.vector_load %arg9[%get3A_706, %get3A_707, %get3A_708] {strides = array<i32>} : memref<2x16x1024xf32, #tpu.memory_space<vmem>>, vector<1x1x16xf32>,
        %get3A_710 = vector.shape_cast %get3A_709 : vector<1x1x16xf32> to vector<16xf32>
        %swap3A_711 = arith.index_cast %rem3A_71 : i32 to index
        %swap3A_712 = arith.index_cast %scan3A_124 : i32 to index
        %swap3A_713 = arith.constant 848 : index
        %swap3A_714 = tpu.vector_load %arg8[%swap3A_711, %swap3A_712, %swap3A_713] {strides = array<i32>} : memref<2x16x1024xf32, #tpu.memory_space<vmem>>, vector<1x1x16xf32>,
        %swap3A_715 = vector.shape_cast %swap3A_714 : vector<1x1x16xf32> to vector<16xf32>
        %swap3A_716 = vector.shape_cast %get3A_710 : vector<16xf32> to vector<1x1x16xf32>
        tpu.vector_store %arg8[%swap3A_711, %swap3A_712, %swap3A_713], %swap3A_716 {add = true, strides = array<i32>} : memref<2x16x1024xf32, #tpu.memory_space<vmem>>, vector<1x1x16xf32>,
        %get3A_717 = arith.index_cast %rem3A_71 : i32 to index
        %get3A_718 = arith.index_cast %scan3A_124 : i32 to index
        %get3A_719 = arith.constant 864 : index
        %get3A_720 = tpu.vector_load %arg9[%get3A_717, %get3A_718, %get3A_719] {strides = array<i32>} : memref<2x16x1024xf32, #tpu.memory_space<vmem>>, vector<1x1x16xf32>,
        %get3A_721 = vector.shape_cast %get3A_720 : vector<1x1x16xf32> to vector<16xf32>
        %swap3A_722 = arith.index_cast %rem3A_71 : i32 to index
        %swap3A_723 = arith.index_cast %scan3A_124 : i32 to index
        %swap3A_724 = arith.constant 864 : index
        %swap3A_725 = tpu.vector_load %arg8[%swap3A_722, %swap3A_723, %swap3A_724] {strides = array<i32>} : memref<2x16x1024xf32, #tpu.memory_space<vmem>>, vector<1x1x16xf32>,
        %swap3A_726 = vector.shape_cast %swap3A_725 : vector<1x1x16xf32> to vector<16xf32>
        %swap3A_727 = vector.shape_cast %get3A_721 : vector<16xf32> to vector<1x1x16xf32>
        tpu.vector_store %arg8[%swap3A_722, %swap3A_723, %swap3A_724], %swap3A_727 {add = true, strides = array<i32>} : memref<2x16x1024xf32, #tpu.memory_space<vmem>>, vector<1x1x16xf32>,
        %get3A_728 = arith.index_cast %rem3A_71 : i32 to index
        %get3A_729 = arith.index_cast %scan3A_124 : i32 to index
        %get3A_730 = arith.constant 880 : index
        %get3A_731 = tpu.vector_load %arg9[%get3A_728, %get3A_729, %get3A_730] {strides = array<i32>} : memref<2x16x1024xf32, #tpu.memory_space<vmem>>, vector<1x1x16xf32>,
        %get3A_732 = vector.shape_cast %get3A_731 : vector<1x1x16xf32> to vector<16xf32>
        %swap3A_733 = arith.index_cast %rem3A_71 : i32 to index
        %swap3A_734 = arith.index_cast %scan3A_124 : i32 to index
        %swap3A_735 = arith.constant 880 : index
        %swap3A_736 = tpu.vector_load %arg8[%swap3A_733, %swap3A_734, %swap3A_735] {strides = array<i32>} : memref<2x16x1024xf32, #tpu.memory_space<vmem>>, vector<1x1x16xf32>,
        %swap3A_737 = vector.shape_cast %swap3A_736 : vector<1x1x16xf32> to vector<16xf32>
        %swap3A_738 = vector.shape_cast %get3A_732 : vector<16xf32> to vector<1x1x16xf32>
        tpu.vector_store %arg8[%swap3A_733, %swap3A_734, %swap3A_735], %swap3A_738 {add = true, strides = array<i32>} : memref<2x16x1024xf32, #tpu.memory_space<vmem>>, vector<1x1x16xf32>,
        %get3A_739 = arith.index_cast %rem3A_71 : i32 to index
        %get3A_740 = arith.index_cast %scan3A_124 : i32 to index
        %get3A_741 = arith.constant 896 : index
        %get3A_742 = tpu.vector_load %arg9[%get3A_739, %get3A_740, %get3A_741] {strides = array<i32>} : memref<2x16x1024xf32, #tpu.memory_space<vmem>>, vector<1x1x16xf32>,
        %get3A_743 = vector.shape_cast %get3A_742 : vector<1x1x16xf32> to vector<16xf32>
        %swap3A_744 = arith.index_cast %rem3A_71 : i32 to index
        %swap3A_745 = arith.index_cast %scan3A_124 : i32 to index
        %swap3A_746 = arith.constant 896 : index
        %swap3A_747 = tpu.vector_load %arg8[%swap3A_744, %swap3A_745, %swap3A_746] {strides = array<i32>} : memref<2x16x1024xf32, #tpu.memory_space<vmem>>, vector<1x1x16xf32>,
        %swap3A_748 = vector.shape_cast %swap3A_747 : vector<1x1x16xf32> to vector<16xf32>
        %swap3A_749 = vector.shape_cast %get3A_743 : vector<16xf32> to vector<1x1x16xf32>
        tpu.vector_store %arg8[%swap3A_744, %swap3A_745, %swap3A_746], %swap3A_749 {add = true, strides = array<i32>} : memref<2x16x1024xf32, #tpu.memory_space<vmem>>, vector<1x1x16xf32>,
        %get3A_750 = arith.index_cast %rem3A_71 : i32 to index
        %get3A_751 = arith.index_cast %scan3A_124 : i32 to index
        %get3A_752 = arith.constant 912 : index
        %get3A_753 = tpu.vector_load %arg9[%get3A_750, %get3A_751, %get3A_752] {strides = array<i32>} : memref<2x16x1024xf32, #tpu.memory_space<vmem>>, vector<1x1x16xf32>,
        %get3A_754 = vector.shape_cast %get3A_753 : vector<1x1x16xf32> to vector<16xf32>
        %swap3A_755 = arith.index_cast %rem3A_71 : i32 to index
        %swap3A_756 = arith.index_cast %scan3A_124 : i32 to index
        %swap3A_757 = arith.constant 912 : index
        %swap3A_758 = tpu.vector_load %arg8[%swap3A_755, %swap3A_756, %swap3A_757] {strides = array<i32>} : memref<2x16x1024xf32, #tpu.memory_space<vmem>>, vector<1x1x16xf32>,
        %swap3A_759 = vector.shape_cast %swap3A_758 : vector<1x1x16xf32> to vector<16xf32>
        %swap3A_760 = vector.shape_cast %get3A_754 : vector<16xf32> to vector<1x1x16xf32>
        tpu.vector_store %arg8[%swap3A_755, %swap3A_756, %swap3A_757], %swap3A_760 {add = true, strides = array<i32>} : memref<2x16x1024xf32, #tpu.memory_space<vmem>>, vector<1x1x16xf32>,
        %get3A_761 = arith.index_cast %rem3A_71 : i32 to index
        %get3A_762 = arith.index_cast %scan3A_124 : i32 to index
        %get3A_763 = arith.constant 928 : index
        %get3A_764 = tpu.vector_load %arg9[%get3A_761, %get3A_762, %get3A_763] {strides = array<i32>} : memref<2x16x1024xf32, #tpu.memory_space<vmem>>, vector<1x1x16xf32>,
        %get3A_765 = vector.shape_cast %get3A_764 : vector<1x1x16xf32> to vector<16xf32>
        %swap3A_766 = arith.index_cast %rem3A_71 : i32 to index
        %swap3A_767 = arith.index_cast %scan3A_124 : i32 to index
        %swap3A_768 = arith.constant 928 : index
        %swap3A_769 = tpu.vector_load %arg8[%swap3A_766, %swap3A_767, %swap3A_768] {strides = array<i32>} : memref<2x16x1024xf32, #tpu.memory_space<vmem>>, vector<1x1x16xf32>,
        %swap3A_770 = vector.shape_cast %swap3A_769 : vector<1x1x16xf32> to vector<16xf32>
        %swap3A_771 = vector.shape_cast %get3A_765 : vector<16xf32> to vector<1x1x16xf32>
        tpu.vector_store %arg8[%swap3A_766, %swap3A_767, %swap3A_768], %swap3A_771 {add = true, strides = array<i32>} : memref<2x16x1024xf32, #tpu.memory_space<vmem>>, vector<1x1x16xf32>,
        %get3A_772 = arith.index_cast %rem3A_71 : i32 to index
        %get3A_773 = arith.index_cast %scan3A_124 : i32 to index
        %get3A_774 = arith.constant 944 : index
        %get3A_775 = tpu.vector_load %arg9[%get3A_772, %get3A_773, %get3A_774] {strides = array<i32>} : memref<2x16x1024xf32, #tpu.memory_space<vmem>>, vector<1x1x16xf32>,
        %get3A_776 = vector.shape_cast %get3A_775 : vector<1x1x16xf32> to vector<16xf32>
        %swap3A_777 = arith.index_cast %rem3A_71 : i32 to index
        %swap3A_778 = arith.index_cast %scan3A_124 : i32 to index
        %swap3A_779 = arith.constant 944 : index
        %swap3A_780 = tpu.vector_load %arg8[%swap3A_777, %swap3A_778, %swap3A_779] {strides = array<i32>} : memref<2x16x1024xf32, #tpu.memory_space<vmem>>, vector<1x1x16xf32>,
        %swap3A_781 = vector.shape_cast %swap3A_780 : vector<1x1x16xf32> to vector<16xf32>
        %swap3A_782 = vector.shape_cast %get3A_776 : vector<16xf32> to vector<1x1x16xf32>
        tpu.vector_store %arg8[%swap3A_777, %swap3A_778, %swap3A_779], %swap3A_782 {add = true, strides = array<i32>} : memref<2x16x1024xf32, #tpu.memory_space<vmem>>, vector<1x1x16xf32>,
        %get3A_783 = arith.index_cast %rem3A_71 : i32 to index
        %get3A_784 = arith.index_cast %scan3A_124 : i32 to index
        %get3A_785 = arith.constant 960 : index
        %get3A_786 = tpu.vector_load %arg9[%get3A_783, %get3A_784, %get3A_785] {strides = array<i32>} : memref<2x16x1024xf32, #tpu.memory_space<vmem>>, vector<1x1x16xf32>,
        %get3A_787 = vector.shape_cast %get3A_786 : vector<1x1x16xf32> to vector<16xf32>
        %swap3A_788 = arith.index_cast %rem3A_71 : i32 to index
        %swap3A_789 = arith.index_cast %scan3A_124 : i32 to index
        %swap3A_790 = arith.constant 960 : index
        %swap3A_791 = tpu.vector_load %arg8[%swap3A_788, %swap3A_789, %swap3A_790] {strides = array<i32>} : memref<2x16x1024xf32, #tpu.memory_space<vmem>>, vector<1x1x16xf32>,
        %swap3A_792 = vector.shape_cast %swap3A_791 : vector<1x1x16xf32> to vector<16xf32>
        %swap3A_793 = vector.shape_cast %get3A_787 : vector<16xf32> to vector<1x1x16xf32>
        tpu.vector_store %arg8[%swap3A_788, %swap3A_789, %swap3A_790], %swap3A_793 {add = true, strides = array<i32>} : memref<2x16x1024xf32, #tpu.memory_space<vmem>>, vector<1x1x16xf32>,
        %get3A_794 = arith.index_cast %rem3A_71 : i32 to index
        %get3A_795 = arith.index_cast %scan3A_124 : i32 to index
        %get3A_796 = arith.constant 976 : index
        %get3A_797 = tpu.vector_load %arg9[%get3A_794, %get3A_795, %get3A_796] {strides = array<i32>} : memref<2x16x1024xf32, #tpu.memory_space<vmem>>, vector<1x1x16xf32>,
        %get3A_798 = vector.shape_cast %get3A_797 : vector<1x1x16xf32> to vector<16xf32>
        %swap3A_799 = arith.index_cast %rem3A_71 : i32 to index
        %swap3A_800 = arith.index_cast %scan3A_124 : i32 to index
        %swap3A_801 = arith.constant 976 : index
        %swap3A_802 = tpu.vector_load %arg8[%swap3A_799, %swap3A_800, %swap3A_801] {strides = array<i32>} : memref<2x16x1024xf32, #tpu.memory_space<vmem>>, vector<1x1x16xf32>,
        %swap3A_803 = vector.shape_cast %swap3A_802 : vector<1x1x16xf32> to vector<16xf32>
        %swap3A_804 = vector.shape_cast %get3A_798 : vector<16xf32> to vector<1x1x16xf32>
        tpu.vector_store %arg8[%swap3A_799, %swap3A_800, %swap3A_801], %swap3A_804 {add = true, strides = array<i32>} : memref<2x16x1024xf32, #tpu.memory_space<vmem>>, vector<1x1x16xf32>,
        %get3A_805 = arith.index_cast %rem3A_71 : i32 to index
        %get3A_806 = arith.index_cast %scan3A_124 : i32 to index
        %get3A_807 = arith.constant 992 : index
        %get3A_808 = tpu.vector_load %arg9[%get3A_805, %get3A_806, %get3A_807] {strides = array<i32>} : memref<2x16x1024xf32, #tpu.memory_space<vmem>>, vector<1x1x16xf32>,
        %get3A_809 = vector.shape_cast %get3A_808 : vector<1x1x16xf32> to vector<16xf32>
        %swap3A_810 = arith.index_cast %rem3A_71 : i32 to index
        %swap3A_811 = arith.index_cast %scan3A_124 : i32 to index
        %swap3A_812 = arith.constant 992 : index
        %swap3A_813 = tpu.vector_load %arg8[%swap3A_810, %swap3A_811, %swap3A_812] {strides = array<i32>} : memref<2x16x1024xf32, #tpu.memory_space<vmem>>, vector<1x1x16xf32>,
        %swap3A_814 = vector.shape_cast %swap3A_813 : vector<1x1x16xf32> to vector<16xf32>
        %swap3A_815 = vector.shape_cast %get3A_809 : vector<16xf32> to vector<1x1x16xf32>
        tpu.vector_store %arg8[%swap3A_810, %swap3A_811, %swap3A_812], %swap3A_815 {add = true, strides = array<i32>} : memref<2x16x1024xf32, #tpu.memory_space<vmem>>, vector<1x1x16xf32>,
        %get3A_816 = arith.index_cast %rem3A_71 : i32 to index
        %get3A_817 = arith.index_cast %scan3A_124 : i32 to index
        %get3A_818 = arith.constant 1008 : index
        %get3A_819 = tpu.vector_load %arg9[%get3A_816, %get3A_817, %get3A_818] {strides = array<i32>} : memref<2x16x1024xf32, #tpu.memory_space<vmem>>, vector<1x1x16xf32>,
        %get3A_820 = vector.shape_cast %get3A_819 : vector<1x1x16xf32> to vector<16xf32>
        %swap3A_821 = arith.index_cast %rem3A_71 : i32 to index
        %swap3A_822 = arith.index_cast %scan3A_124 : i32 to index
        %swap3A_823 = arith.constant 1008 : index
        %swap3A_824 = tpu.vector_load %arg8[%swap3A_821, %swap3A_822, %swap3A_823] {strides = array<i32>} : memref<2x16x1024xf32, #tpu.memory_space<vmem>>, vector<1x1x16xf32>,
        %swap3A_825 = vector.shape_cast %swap3A_824 : vector<1x1x16xf32> to vector<16xf32>
        %swap3A_826 = vector.shape_cast %get3A_820 : vector<16xf32> to vector<1x1x16xf32>
        tpu.vector_store %arg8[%swap3A_821, %swap3A_822, %swap3A_823], %swap3A_826 {add = true, strides = array<i32>} : memref<2x16x1024xf32, #tpu.memory_space<vmem>>, vector<1x1x16xf32>,
      }
      %scan3A_106 = arith.constant 16 : i32
      %mul3A_107 = arith.constant 16 : i32
      %mul3A_108 = arith.muli %scan3A_70, %mul3A_107 : i32
      %add3A_109 = arith.addi %mul3A_2, %mul3A_108 : i32
      %dma_start3A_110 = arith.constant 0 : i32
      %dma_start3A_111 = arith.constant 0 : i32
      %dma_start3A_112 = tpu.memref_slice %arg8[%rem3A_71, %dma_start3A_110, %dma_start3A_111] : memref<2x16x1024xf32, #tpu.memory_space<vmem>> -> memref<1x16x1024xf32, #tpu.memory_space<vmem>>
      %dma_start3A_113 = tpu.memref_squeeze %dma_start3A_112 : memref<1x16x1024xf32, #tpu.memory_space<vmem>> -> memref<16x1024xf32, #tpu.memory_space<vmem>>
      %dma_start3A_114 = arith.constant 0 : i32
      %dma_start3A_115 = tpu.memref_slice %arg5[%add3A_109, %dma_start3A_114] : memref<4096x1024xf32, #tpu.memory_space<hbm>> -> memref<16x1024xf32, #tpu.memory_space<hbm>>
      %dma_start3A_116 = tpu.memref_slice %arg11[%rem3A_71] : memref<2x!tpu.dma_semaphore, #tpu.memory_space<semaphore_mem>> -> memref<1x!tpu.dma_semaphore, #tpu.memory_space<semaphore_mem>>
      %dma_start3A_117 = tpu.memref_squeeze %dma_start3A_116 : memref<1x!tpu.dma_semaphore, #tpu.memory_space<semaphore_mem>> -> memref<!tpu.dma_semaphore, #tpu.memory_space<semaphore_mem>>
      %dma_start3A_118 = arith.constant 0 : i32
      %dma_start3A_119 = tpu.memref_slice %arg5[%add3A_109, %dma_start3A_118] : memref<4096x1024xf32, #tpu.memory_space<hbm>> -> memref<16x1024xf32, #tpu.memory_space<hbm>>
      %dma_start3A_120 = arith.constant 0 : i32
      %dma_start3A_121 = arith.constant 0 : i32
      %dma_start3A_122 = tpu.memref_slice %arg8[%rem3A_71, %dma_start3A_120, %dma_start3A_121] : memref<2x16x1024xf32, #tpu.memory_space<vmem>> -> memref<1x16x1024xf32, #tpu.memory_space<vmem>>
      %dma_start3A_123 = tpu.memref_squeeze %dma_start3A_122 : memref<1x16x1024xf32, #tpu.memory_space<vmem>> -> memref<16x1024xf32, #tpu.memory_space<vmem>>
      tpu.enqueue_dma source(%dma_start3A_123 : memref<16x1024xf32, #tpu.memory_space<vmem>>) target(%dma_start3A_119 : memref<16x1024xf32, #tpu.memory_space<hbm>>) target_semaphore(%dma_start3A_117 : memref<!tpu.dma_semaphore, #tpu.memory_space<semaphore_mem>>)
    }
    %scan3A_38 = arith.constant 8 : i32
    %dma_wait3A = arith.constant 0 : i32
    %dma_wait3A_39 = arith.constant 0 : i32
    %dma_wait3A_40 = arith.constant 0 : i32
    %dma_wait3A_41 = arith.constant 0 : i32
    %dma_wait3A_42 = tpu.memref_slice %arg8[%dma_wait3A, %dma_wait3A_40, %dma_wait3A_41] : memref<2x16x1024xf32, #tpu.memory_space<vmem>> -> memref<1x16x1024xf32, #tpu.memory_space<vmem>>
    %dma_wait3A_43 = tpu.memref_squeeze %dma_wait3A_42 : memref<1x16x1024xf32, #tpu.memory_space<vmem>> -> memref<16x1024xf32, #tpu.memory_space<vmem>>
    %dma_wait3A_44 = arith.constant 0 : i32
    %dma_wait3A_45 = tpu.memref_slice %arg5[%mul3A_2, %dma_wait3A_44] : memref<4096x1024xf32, #tpu.memory_space<hbm>> -> memref<16x1024xf32, #tpu.memory_space<hbm>>
    %dma_wait3A_46 = tpu.memref_slice %arg11[%dma_wait3A_39] : memref<2x!tpu.dma_semaphore, #tpu.memory_space<semaphore_mem>> -> memref<1x!tpu.dma_semaphore, #tpu.memory_space<semaphore_mem>>
    %dma_wait3A_47 = tpu.memref_squeeze %dma_wait3A_46 : memref<1x!tpu.dma_semaphore, #tpu.memory_space<semaphore_mem>> -> memref<!tpu.dma_semaphore, #tpu.memory_space<semaphore_mem>>
    %dma_wait3A_48 = arith.constant 0 : i32
    %dma_wait3A_49 = tpu.memref_slice %arg5[%mul3A_2, %dma_wait3A_48] : memref<4096x1024xf32, #tpu.memory_space<hbm>> -> memref<16x1024xf32, #tpu.memory_space<hbm>>
    %dma_wait3A_50 = arith.constant 0 : i32
    %dma_wait3A_51 = arith.constant 0 : i32
    %dma_wait3A_52 = tpu.memref_slice %arg8[%dma_wait3A, %dma_wait3A_50, %dma_wait3A_51] : memref<2x16x1024xf32, #tpu.memory_space<vmem>> -> memref<1x16x1024xf32, #tpu.memory_space<vmem>>
    %dma_wait3A_53 = tpu.memref_squeeze %dma_wait3A_52 : memref<1x16x1024xf32, #tpu.memory_space<vmem>> -> memref<16x1024xf32, #tpu.memory_space<vmem>>
    tpu.wait_dma2 semaphore(%dma_wait3A_47 : memref<!tpu.dma_semaphore, #tpu.memory_space<semaphore_mem>>) src(%dma_wait3A_53 : memref<16x1024xf32, #tpu.memory_space<vmem>>) dst(%dma_wait3A_49 : memref<16x1024xf32, #tpu.memory_space<hbm>>)
    %dma_wait3A_54 = arith.constant 1 : i32
    %dma_wait3A_55 = arith.constant 1 : i32
    %dma_wait3A_56 = arith.constant 0 : i32
    %dma_wait3A_57 = arith.constant 0 : i32
    %dma_wait3A_58 = tpu.memref_slice %arg8[%dma_wait3A_54, %dma_wait3A_56, %dma_wait3A_57] : memref<2x16x1024xf32, #tpu.memory_space<vmem>> -> memref<1x16x1024xf32, #tpu.memory_space<vmem>>
    %dma_wait3A_59 = tpu.memref_squeeze %dma_wait3A_58 : memref<1x16x1024xf32, #tpu.memory_space<vmem>> -> memref<16x1024xf32, #tpu.memory_space<vmem>>
    %dma_wait3A_60 = arith.constant 0 : i32
    %dma_wait3A_61 = tpu.memref_slice %arg5[%mul3A_2, %dma_wait3A_60] : memref<4096x1024xf32, #tpu.memory_space<hbm>> -> memref<16x1024xf32, #tpu.memory_space<hbm>>
    %dma_wait3A_62 = tpu.memref_slice %arg11[%dma_wait3A_55] : memref<2x!tpu.dma_semaphore, #tpu.memory_space<semaphore_mem>> -> memref<1x!tpu.dma_semaphore, #tpu.memory_space<semaphore_mem>>
    %dma_wait3A_63 = tpu.memref_squeeze %dma_wait3A_62 : memref<1x!tpu.dma_semaphore, #tpu.memory_space<semaphore_mem>> -> memref<!tpu.dma_semaphore, #tpu.memory_space<semaphore_mem>>
    %dma_wait3A_64 = arith.constant 0 : i32
    %dma_wait3A_65 = tpu.memref_slice %arg5[%mul3A_2, %dma_wait3A_64] : memref<4096x1024xf32, #tpu.memory_space<hbm>> -> memref<16x1024xf32, #tpu.memory_space<hbm>>
    %dma_wait3A_66 = arith.constant 0 : i32
    %dma_wait3A_67 = arith.constant 0 : i32
    %dma_wait3A_68 = tpu.memref_slice %arg8[%dma_wait3A_54, %dma_wait3A_66, %dma_wait3A_67] : memref<2x16x1024xf32, #tpu.memory_space<vmem>> -> memref<1x16x1024xf32, #tpu.memory_space<vmem>>
    %dma_wait3A_69 = tpu.memref_squeeze %dma_wait3A_68 : memref<1x16x1024xf32, #tpu.memory_space<vmem>> -> memref<16x1024xf32, #tpu.memory_space<vmem>>
    tpu.wait_dma2 semaphore(%dma_wait3A_63 : memref<!tpu.dma_semaphore, #tpu.memory_space<semaphore_mem>>) src(%dma_wait3A_69 : memref<16x1024xf32, #tpu.memory_space<vmem>>) dst(%dma_wait3A_65 : memref<16x1024xf32, #tpu.memory_space<hbm>>)
    return
  }
}

#map = affine_map<(d0, d1) -> (0, 0)>
module attributes {stable_mosaic.version = 14 : i64} {
  func.func @_sc_scatter_body(%arg0: i32, %arg1: i32, %arg2: memref<4096x1024xf32, #tpu.memory_space<hbm>>, %arg3: memref<128x32xi32, #tpu.memory_space<hbm>>, %arg4: memref<128x32xi32, #tpu.memory_space<hbm>>, %arg5: memref<4096x128xf32, #tpu.memory_space<hbm>>, %arg6: memref<4096x128xf32, #tpu.memory_space<hbm>>, %arg7: memref<12288x1024xf32, #tpu.memory_space<hbm>>, %arg8: memref<12288x128xf32, #tpu.memory_space<hbm>>, %arg9: memref<4x32xi32, #tpu.memory_space<vmem>>, %arg10: memref<4x32xi32, #tpu.memory_space<vmem>>, %arg11: memref<128x128xf32, #tpu.memory_space<vmem>>, %arg12: memref<128x128xf32, #tpu.memory_space<vmem>>, %arg13: memref<2x32x1024xf32, #tpu.memory_space<vmem>>, %arg14: memref<2x!tpu.dma_semaphore, #tpu.memory_space<semaphore_mem>>, %arg15: memref<2x!tpu.dma_semaphore, #tpu.memory_space<semaphore_mem>>, %arg16: memref<2x!tpu.dma_semaphore, #tpu.memory_space<semaphore_mem>>, %arg17: memref<!tpu.dma_semaphore, #tpu.memory_space<semaphore_mem>>) attributes {dimension_semantics = [#tpu.dimension_semantics<core_parallel>, #tpu.dimension_semantics<subcore_parallel>], iteration_bounds = array<i64: 2, 16>, scalar_prefetch = 0 : i64, scratch_operands = 9 : i64, tpu.core_type = #tpu.core_type<sc_vector_subcore>, window_params = [{transform_indices = #map}, {transform_indices = #map}, {transform_indices = #map}, {transform_indices = #map}, {transform_indices = #map}, {transform_indices = #map}, {transform_indices = #map}]} {
    %mul3A = arith.constant 2 : i32
    %mul3A_0 = arith.muli %arg1, %mul3A : i32
    %add3A = arith.addi %mul3A_0, %arg0 : i32
    %mul3A_1 = arith.constant 128 : i32
    %mul3A_2 = arith.muli %add3A, %mul3A_1 : i32
    %mul3A_3 = arith.constant 4 : i32
    %mul3A_4 = arith.muli %add3A, %mul3A_3 : i32
    "tpu.region"() ({
      %run_scoped3A = tpu.sem_alloc : memref<!tpu.dma_semaphore, #tpu.memory_space<semaphore_mem>>
      %dma_start3A_170 = arith.constant 0 : i32
      %dma_start3A_171 = tpu.memref_slice %arg3[%mul3A_4, %dma_start3A_170] : memref<128x32xi32, #tpu.memory_space<hbm>> -> memref<4x32xi32, #tpu.memory_space<hbm>>
      %dma_start3A_172 = arith.constant 0 : i32
      %dma_start3A_173 = tpu.memref_slice %arg3[%mul3A_4, %dma_start3A_172] : memref<128x32xi32, #tpu.memory_space<hbm>> -> memref<4x32xi32, #tpu.memory_space<hbm>>
      tpu.enqueue_dma source(%dma_start3A_173 : memref<4x32xi32, #tpu.memory_space<hbm>>) target(%arg9 : memref<4x32xi32, #tpu.memory_space<vmem>>) target_semaphore(%run_scoped3A : memref<!tpu.dma_semaphore, #tpu.memory_space<semaphore_mem>>)
      %dma_wait3A_174 = arith.constant 0 : i32
      %dma_wait3A_175 = tpu.memref_slice %arg3[%mul3A_4, %dma_wait3A_174] : memref<128x32xi32, #tpu.memory_space<hbm>> -> memref<4x32xi32, #tpu.memory_space<hbm>>
      %dma_wait3A_176 = arith.constant 0 : i32
      %dma_wait3A_177 = tpu.memref_slice %arg3[%mul3A_4, %dma_wait3A_176] : memref<128x32xi32, #tpu.memory_space<hbm>> -> memref<4x32xi32, #tpu.memory_space<hbm>>
      tpu.wait_dma2 semaphore(%run_scoped3A : memref<!tpu.dma_semaphore, #tpu.memory_space<semaphore_mem>>) src(%dma_wait3A_177 : memref<4x32xi32, #tpu.memory_space<hbm>>) dst(%arg9 : memref<4x32xi32, #tpu.memory_space<vmem>>)
      tpu.yield
    }) : () -> ()
    "tpu.region"() ({
      %run_scoped3A = tpu.sem_alloc : memref<!tpu.dma_semaphore, #tpu.memory_space<semaphore_mem>>
      %dma_start3A_170 = arith.constant 0 : i32
      %dma_start3A_171 = tpu.memref_slice %arg4[%mul3A_4, %dma_start3A_170] : memref<128x32xi32, #tpu.memory_space<hbm>> -> memref<4x32xi32, #tpu.memory_space<hbm>>
      %dma_start3A_172 = arith.constant 0 : i32
      %dma_start3A_173 = tpu.memref_slice %arg4[%mul3A_4, %dma_start3A_172] : memref<128x32xi32, #tpu.memory_space<hbm>> -> memref<4x32xi32, #tpu.memory_space<hbm>>
      tpu.enqueue_dma source(%dma_start3A_173 : memref<4x32xi32, #tpu.memory_space<hbm>>) target(%arg10 : memref<4x32xi32, #tpu.memory_space<vmem>>) target_semaphore(%run_scoped3A : memref<!tpu.dma_semaphore, #tpu.memory_space<semaphore_mem>>)
      %dma_wait3A_174 = arith.constant 0 : i32
      %dma_wait3A_175 = tpu.memref_slice %arg4[%mul3A_4, %dma_wait3A_174] : memref<128x32xi32, #tpu.memory_space<hbm>> -> memref<4x32xi32, #tpu.memory_space<hbm>>
      %dma_wait3A_176 = arith.constant 0 : i32
      %dma_wait3A_177 = tpu.memref_slice %arg4[%mul3A_4, %dma_wait3A_176] : memref<128x32xi32, #tpu.memory_space<hbm>> -> memref<4x32xi32, #tpu.memory_space<hbm>>
      tpu.wait_dma2 semaphore(%run_scoped3A : memref<!tpu.dma_semaphore, #tpu.memory_space<semaphore_mem>>) src(%dma_wait3A_177 : memref<4x32xi32, #tpu.memory_space<hbm>>) dst(%arg10 : memref<4x32xi32, #tpu.memory_space<vmem>>)
      tpu.yield
    }) : () -> ()
    "tpu.region"() ({
      %run_scoped3A = tpu.sem_alloc : memref<!tpu.dma_semaphore, #tpu.memory_space<semaphore_mem>>
      %dma_start3A_170 = arith.constant 0 : i32
      %dma_start3A_171 = tpu.memref_slice %arg5[%mul3A_2, %dma_start3A_170] : memref<4096x128xf32, #tpu.memory_space<hbm>> -> memref<128x128xf32, #tpu.memory_space<hbm>>
      %dma_start3A_172 = arith.constant 0 : i32
      %dma_start3A_173 = tpu.memref_slice %arg5[%mul3A_2, %dma_start3A_172] : memref<4096x128xf32, #tpu.memory_space<hbm>> -> memref<128x128xf32, #tpu.memory_space<hbm>>
      tpu.enqueue_dma source(%dma_start3A_173 : memref<128x128xf32, #tpu.memory_space<hbm>>) target(%arg11 : memref<128x128xf32, #tpu.memory_space<vmem>>) target_semaphore(%run_scoped3A : memref<!tpu.dma_semaphore, #tpu.memory_space<semaphore_mem>>)
      %dma_wait3A_174 = arith.constant 0 : i32
      %dma_wait3A_175 = tpu.memref_slice %arg5[%mul3A_2, %dma_wait3A_174] : memref<4096x128xf32, #tpu.memory_space<hbm>> -> memref<128x128xf32, #tpu.memory_space<hbm>>
      %dma_wait3A_176 = arith.constant 0 : i32
      %dma_wait3A_177 = tpu.memref_slice %arg5[%mul3A_2, %dma_wait3A_176] : memref<4096x128xf32, #tpu.memory_space<hbm>> -> memref<128x128xf32, #tpu.memory_space<hbm>>
      tpu.wait_dma2 semaphore(%run_scoped3A : memref<!tpu.dma_semaphore, #tpu.memory_space<semaphore_mem>>) src(%dma_wait3A_177 : memref<128x128xf32, #tpu.memory_space<hbm>>) dst(%arg11 : memref<128x128xf32, #tpu.memory_space<vmem>>)
      tpu.yield
    }) : () -> ()
    "tpu.region"() ({
      %run_scoped3A = tpu.sem_alloc : memref<!tpu.dma_semaphore, #tpu.memory_space<semaphore_mem>>
      %dma_start3A_170 = arith.constant 0 : i32
      %dma_start3A_171 = tpu.memref_slice %arg6[%mul3A_2, %dma_start3A_170] : memref<4096x128xf32, #tpu.memory_space<hbm>> -> memref<128x128xf32, #tpu.memory_space<hbm>>
      %dma_start3A_172 = arith.constant 0 : i32
      %dma_start3A_173 = tpu.memref_slice %arg6[%mul3A_2, %dma_start3A_172] : memref<4096x128xf32, #tpu.memory_space<hbm>> -> memref<128x128xf32, #tpu.memory_space<hbm>>
      tpu.enqueue_dma source(%dma_start3A_173 : memref<128x128xf32, #tpu.memory_space<hbm>>) target(%arg12 : memref<128x128xf32, #tpu.memory_space<vmem>>) target_semaphore(%run_scoped3A : memref<!tpu.dma_semaphore, #tpu.memory_space<semaphore_mem>>)
      %dma_wait3A_174 = arith.constant 0 : i32
      %dma_wait3A_175 = tpu.memref_slice %arg6[%mul3A_2, %dma_wait3A_174] : memref<4096x128xf32, #tpu.memory_space<hbm>> -> memref<128x128xf32, #tpu.memory_space<hbm>>
      %dma_wait3A_176 = arith.constant 0 : i32
      %dma_wait3A_177 = tpu.memref_slice %arg6[%mul3A_2, %dma_wait3A_176] : memref<4096x128xf32, #tpu.memory_space<hbm>> -> memref<128x128xf32, #tpu.memory_space<hbm>>
      tpu.wait_dma2 semaphore(%run_scoped3A : memref<!tpu.dma_semaphore, #tpu.memory_space<semaphore_mem>>) src(%dma_wait3A_177 : memref<128x128xf32, #tpu.memory_space<hbm>>) dst(%arg12 : memref<128x128xf32, #tpu.memory_space<vmem>>)
      tpu.yield
    }) : () -> ()
    %add3A_5 = arith.constant 0 : i32
    %add3A_6 = arith.addi %mul3A_2, %add3A_5 : i32
    %dma_start3A = arith.constant 0 : i32
    %dma_start3A_7 = arith.constant 0 : i32
    %dma_start3A_8 = arith.constant 0 : i32
    %dma_start3A_9 = arith.constant 0 : i32
    %dma_start3A_10 = tpu.memref_slice %arg13[%dma_start3A, %dma_start3A_8, %dma_start3A_9] : memref<2x32x1024xf32, #tpu.memory_space<vmem>> -> memref<1x32x1024xf32, #tpu.memory_space<vmem>>
    %dma_start3A_11 = tpu.memref_squeeze %dma_start3A_10 : memref<1x32x1024xf32, #tpu.memory_space<vmem>> -> memref<32x1024xf32, #tpu.memory_space<vmem>>
    %dma_start3A_12 = arith.constant 0 : i32
    %dma_start3A_13 = tpu.memref_slice %arg2[%add3A_6, %dma_start3A_12] : memref<4096x1024xf32, #tpu.memory_space<hbm>> -> memref<32x1024xf32, #tpu.memory_space<hbm>>
    %dma_start3A_14 = tpu.memref_slice %arg14[%dma_start3A_7] : memref<2x!tpu.dma_semaphore, #tpu.memory_space<semaphore_mem>> -> memref<1x!tpu.dma_semaphore, #tpu.memory_space<semaphore_mem>>
    %dma_start3A_15 = tpu.memref_squeeze %dma_start3A_14 : memref<1x!tpu.dma_semaphore, #tpu.memory_space<semaphore_mem>> -> memref<!tpu.dma_semaphore, #tpu.memory_space<semaphore_mem>>
    %dma_start3A_16 = arith.constant 0 : i32
    %dma_start3A_17 = arith.constant 0 : i32
    %dma_start3A_18 = tpu.memref_slice %arg13[%dma_start3A, %dma_start3A_16, %dma_start3A_17] : memref<2x32x1024xf32, #tpu.memory_space<vmem>> -> memref<1x32x1024xf32, #tpu.memory_space<vmem>>
    %dma_start3A_19 = tpu.memref_squeeze %dma_start3A_18 : memref<1x32x1024xf32, #tpu.memory_space<vmem>> -> memref<32x1024xf32, #tpu.memory_space<vmem>>
    %dma_start3A_20 = arith.constant 0 : i32
    %dma_start3A_21 = tpu.memref_slice %arg2[%add3A_6, %dma_start3A_20] : memref<4096x1024xf32, #tpu.memory_space<hbm>> -> memref<32x1024xf32, #tpu.memory_space<hbm>>
    tpu.enqueue_dma source(%dma_start3A_21 : memref<32x1024xf32, #tpu.memory_space<hbm>>) target(%dma_start3A_19 : memref<32x1024xf32, #tpu.memory_space<vmem>>) target_semaphore(%dma_start3A_15 : memref<!tpu.dma_semaphore, #tpu.memory_space<semaphore_mem>>)
    %scan3A = arith.constant 0 : i32
    %scan3A_22 = arith.constant 0 : i32
    %scan3A_23 = arith.constant 4 : i32
    %scan3A_24 = arith.addi %scan3A_22, %scan3A_23 : i32
    %scan3A_25 = arith.constant 1 : i32
    scf.for %scan3A_170 = %scan3A_22 to %scan3A_24 step %scan3A_25  : i32 {
      %rem3A = arith.constant 2 : i32
      %rem3A_171 = arith.remsi %scan3A_170, %rem3A : i32
      %sub3A = arith.constant 1 : i32
      %sub3A_172 = arith.subi %sub3A, %rem3A_171 : i32
      %add3A_173 = arith.constant 1 : i32
      %add3A_174 = arith.addi %scan3A_170, %add3A_173 : i32
      %lt3A = arith.constant 4 : i32
      %lt3A_175 = arith.cmpi slt, %add3A_174, %lt3A : i32
      %convert_element_type3A = arith.extui %lt3A_175 : i1 to i32
      %cond3A = arith.constant 0 : i32
      %cond3A_176 = arith.cmpi ne, %convert_element_type3A, %cond3A : i32
      scf.if %cond3A_176 {
        %ge3A = arith.constant 1 : i32
        %ge3A_235 = arith.cmpi sge, %scan3A_170, %ge3A : i32
        %convert_element_type3A_236 = arith.extui %ge3A_235 : i1 to i32
        %cond3A_237 = arith.constant 0 : i32
        %cond3A_238 = arith.cmpi ne, %convert_element_type3A_236, %cond3A_237 : i32
        scf.if %cond3A_238 {
          %dma_wait3A_258 = arith.constant 0 : i32
          %dma_wait3A_259 = arith.constant 0 : i32
          %dma_wait3A_260 = tpu.memref_slice %arg13[%sub3A_172, %dma_wait3A_258, %dma_wait3A_259] : memref<2x32x1024xf32, #tpu.memory_space<vmem>> -> memref<1x32x1024xf32, #tpu.memory_space<vmem>>
          %dma_wait3A_261 = tpu.memref_squeeze %dma_wait3A_260 : memref<1x32x1024xf32, #tpu.memory_space<vmem>> -> memref<32x1024xf32, #tpu.memory_space<vmem>>
          %dma_wait3A_262 = arith.constant 0 : i32
          %dma_wait3A_263 = tpu.memref_slice %arg7[%mul3A_2, %dma_wait3A_262] : memref<12288x1024xf32, #tpu.memory_space<hbm>> -> memref<32x1024xf32, #tpu.memory_space<hbm>>
          %dma_wait3A_264 = tpu.memref_slice %arg15[%sub3A_172] : memref<2x!tpu.dma_semaphore, #tpu.memory_space<semaphore_mem>> -> memref<1x!tpu.dma_semaphore, #tpu.memory_space<semaphore_mem>>
          %dma_wait3A_265 = tpu.memref_squeeze %dma_wait3A_264 : memref<1x!tpu.dma_semaphore, #tpu.memory_space<semaphore_mem>> -> memref<!tpu.dma_semaphore, #tpu.memory_space<semaphore_mem>>
          %dma_wait3A_266 = arith.constant 0 : i32
          %dma_wait3A_267 = tpu.memref_slice %arg7[%mul3A_2, %dma_wait3A_266] : memref<12288x1024xf32, #tpu.memory_space<hbm>> -> memref<32x1024xf32, #tpu.memory_space<hbm>>
          %dma_wait3A_268 = arith.constant 0 : i32
          %dma_wait3A_269 = arith.constant 0 : i32
          %dma_wait3A_270 = tpu.memref_slice %arg13[%sub3A_172, %dma_wait3A_268, %dma_wait3A_269] : memref<2x32x1024xf32, #tpu.memory_space<vmem>> -> memref<1x32x1024xf32, #tpu.memory_space<vmem>>
          %dma_wait3A_271 = tpu.memref_squeeze %dma_wait3A_270 : memref<1x32x1024xf32, #tpu.memory_space<vmem>> -> memref<32x1024xf32, #tpu.memory_space<vmem>>
          tpu.wait_dma2 semaphore(%dma_wait3A_265 : memref<!tpu.dma_semaphore, #tpu.memory_space<semaphore_mem>>) src(%dma_wait3A_271 : memref<32x1024xf32, #tpu.memory_space<vmem>>) dst(%dma_wait3A_267 : memref<32x1024xf32, #tpu.memory_space<hbm>>)
          %dma_wait3A_272 = arith.constant 0 : i32
          %dma_wait3A_273 = arith.constant 0 : i32
          %dma_wait3A_274 = tpu.memref_slice %arg13[%sub3A_172, %dma_wait3A_272, %dma_wait3A_273] : memref<2x32x1024xf32, #tpu.memory_space<vmem>> -> memref<1x32x1024xf32, #tpu.memory_space<vmem>>
          %dma_wait3A_275 = tpu.memref_squeeze %dma_wait3A_274 : memref<1x32x1024xf32, #tpu.memory_space<vmem>> -> memref<32x1024xf32, #tpu.memory_space<vmem>>
          %dma_wait3A_276 = arith.constant 0 : i32
          %dma_wait3A_277 = tpu.memref_slice %arg7[%mul3A_2, %dma_wait3A_276] : memref<12288x1024xf32, #tpu.memory_space<hbm>> -> memref<32x1024xf32, #tpu.memory_space<hbm>>
          %dma_wait3A_278 = tpu.memref_slice %arg16[%sub3A_172] : memref<2x!tpu.dma_semaphore, #tpu.memory_space<semaphore_mem>> -> memref<1x!tpu.dma_semaphore, #tpu.memory_space<semaphore_mem>>
          %dma_wait3A_279 = tpu.memref_squeeze %dma_wait3A_278 : memref<1x!tpu.dma_semaphore, #tpu.memory_space<semaphore_mem>> -> memref<!tpu.dma_semaphore, #tpu.memory_space<semaphore_mem>>
          %dma_wait3A_280 = arith.constant 0 : i32
          %dma_wait3A_281 = tpu.memref_slice %arg7[%mul3A_2, %dma_wait3A_280] : memref<12288x1024xf32, #tpu.memory_space<hbm>> -> memref<32x1024xf32, #tpu.memory_space<hbm>>
          %dma_wait3A_282 = arith.constant 0 : i32
          %dma_wait3A_283 = arith.constant 0 : i32
          %dma_wait3A_284 = tpu.memref_slice %arg13[%sub3A_172, %dma_wait3A_282, %dma_wait3A_283] : memref<2x32x1024xf32, #tpu.memory_space<vmem>> -> memref<1x32x1024xf32, #tpu.memory_space<vmem>>
          %dma_wait3A_285 = tpu.memref_squeeze %dma_wait3A_284 : memref<1x32x1024xf32, #tpu.memory_space<vmem>> -> memref<32x1024xf32, #tpu.memory_space<vmem>>
          tpu.wait_dma2 semaphore(%dma_wait3A_279 : memref<!tpu.dma_semaphore, #tpu.memory_space<semaphore_mem>>) src(%dma_wait3A_285 : memref<32x1024xf32, #tpu.memory_space<vmem>>) dst(%dma_wait3A_281 : memref<32x1024xf32, #tpu.memory_space<hbm>>)
        } else {
        }
        %add3A_239 = arith.constant 1 : i32
        %add3A_240 = arith.addi %scan3A_170, %add3A_239 : i32
        %mul3A_241 = arith.constant 32 : i32
        %mul3A_242 = arith.muli %add3A_240, %mul3A_241 : i32
        %add3A_243 = arith.addi %mul3A_2, %mul3A_242 : i32
        %dma_start3A_244 = arith.constant 0 : i32
        %dma_start3A_245 = arith.constant 0 : i32
        %dma_start3A_246 = tpu.memref_slice %arg13[%sub3A_172, %dma_start3A_244, %dma_start3A_245] : memref<2x32x1024xf32, #tpu.memory_space<vmem>> -> memref<1x32x1024xf32, #tpu.memory_space<vmem>>
        %dma_start3A_247 = tpu.memref_squeeze %dma_start3A_246 : memref<1x32x1024xf32, #tpu.memory_space<vmem>> -> memref<32x1024xf32, #tpu.memory_space<vmem>>
        %dma_start3A_248 = arith.constant 0 : i32
        %dma_start3A_249 = tpu.memref_slice %arg2[%add3A_243, %dma_start3A_248] : memref<4096x1024xf32, #tpu.memory_space<hbm>> -> memref<32x1024xf32, #tpu.memory_space<hbm>>
        %dma_start3A_250 = tpu.memref_slice %arg14[%sub3A_172] : memref<2x!tpu.dma_semaphore, #tpu.memory_space<semaphore_mem>> -> memref<1x!tpu.dma_semaphore, #tpu.memory_space<semaphore_mem>>
        %dma_start3A_251 = tpu.memref_squeeze %dma_start3A_250 : memref<1x!tpu.dma_semaphore, #tpu.memory_space<semaphore_mem>> -> memref<!tpu.dma_semaphore, #tpu.memory_space<semaphore_mem>>
        %dma_start3A_252 = arith.constant 0 : i32
        %dma_start3A_253 = arith.constant 0 : i32
        %dma_start3A_254 = tpu.memref_slice %arg13[%sub3A_172, %dma_start3A_252, %dma_start3A_253] : memref<2x32x1024xf32, #tpu.memory_space<vmem>> -> memref<1x32x1024xf32, #tpu.memory_space<vmem>>
        %dma_start3A_255 = tpu.memref_squeeze %dma_start3A_254 : memref<1x32x1024xf32, #tpu.memory_space<vmem>> -> memref<32x1024xf32, #tpu.memory_space<vmem>>
        %dma_start3A_256 = arith.constant 0 : i32
        %dma_start3A_257 = tpu.memref_slice %arg2[%add3A_243, %dma_start3A_256] : memref<4096x1024xf32, #tpu.memory_space<hbm>> -> memref<32x1024xf32, #tpu.memory_space<hbm>>
        tpu.enqueue_dma source(%dma_start3A_257 : memref<32x1024xf32, #tpu.memory_space<hbm>>) target(%dma_start3A_255 : memref<32x1024xf32, #tpu.memory_space<vmem>>) target_semaphore(%dma_start3A_251 : memref<!tpu.dma_semaphore, #tpu.memory_space<semaphore_mem>>)
      } else {
      }
      %dma_wait3A_177 = arith.constant 0 : i32
      %dma_wait3A_178 = arith.constant 0 : i32
      %dma_wait3A_179 = tpu.memref_slice %arg13[%rem3A_171, %dma_wait3A_177, %dma_wait3A_178] : memref<2x32x1024xf32, #tpu.memory_space<vmem>> -> memref<1x32x1024xf32, #tpu.memory_space<vmem>>
      %dma_wait3A_180 = tpu.memref_squeeze %dma_wait3A_179 : memref<1x32x1024xf32, #tpu.memory_space<vmem>> -> memref<32x1024xf32, #tpu.memory_space<vmem>>
      %dma_wait3A_181 = arith.constant 0 : i32
      %dma_wait3A_182 = tpu.memref_slice %arg2[%mul3A_2, %dma_wait3A_181] : memref<4096x1024xf32, #tpu.memory_space<hbm>> -> memref<32x1024xf32, #tpu.memory_space<hbm>>
      %dma_wait3A_183 = tpu.memref_slice %arg14[%rem3A_171] : memref<2x!tpu.dma_semaphore, #tpu.memory_space<semaphore_mem>> -> memref<1x!tpu.dma_semaphore, #tpu.memory_space<semaphore_mem>>
      %dma_wait3A_184 = tpu.memref_squeeze %dma_wait3A_183 : memref<1x!tpu.dma_semaphore, #tpu.memory_space<semaphore_mem>> -> memref<!tpu.dma_semaphore, #tpu.memory_space<semaphore_mem>>
      %dma_wait3A_185 = arith.constant 0 : i32
      %dma_wait3A_186 = arith.constant 0 : i32
      %dma_wait3A_187 = tpu.memref_slice %arg13[%rem3A_171, %dma_wait3A_185, %dma_wait3A_186] : memref<2x32x1024xf32, #tpu.memory_space<vmem>> -> memref<1x32x1024xf32, #tpu.memory_space<vmem>>
      %dma_wait3A_188 = tpu.memref_squeeze %dma_wait3A_187 : memref<1x32x1024xf32, #tpu.memory_space<vmem>> -> memref<32x1024xf32, #tpu.memory_space<vmem>>
      %dma_wait3A_189 = arith.constant 0 : i32
      %dma_wait3A_190 = tpu.memref_slice %arg2[%mul3A_2, %dma_wait3A_189] : memref<4096x1024xf32, #tpu.memory_space<hbm>> -> memref<32x1024xf32, #tpu.memory_space<hbm>>
      tpu.wait_dma2 semaphore(%dma_wait3A_184 : memref<!tpu.dma_semaphore, #tpu.memory_space<semaphore_mem>>) src(%dma_wait3A_190 : memref<32x1024xf32, #tpu.memory_space<hbm>>) dst(%dma_wait3A_188 : memref<32x1024xf32, #tpu.memory_space<vmem>>)
      %dma_start3A_191 = arith.constant 0 : i32
      %dma_start3A_192 = arith.constant 0 : i32
      %dma_start3A_193 = tpu.memref_slice %arg13[%rem3A_171, %dma_start3A_191, %dma_start3A_192] : memref<2x32x1024xf32, #tpu.memory_space<vmem>> -> memref<1x32x1024xf32, #tpu.memory_space<vmem>>
      %dma_start3A_194 = tpu.memref_squeeze %dma_start3A_193 : memref<1x32x1024xf32, #tpu.memory_space<vmem>> -> memref<32x1024xf32, #tpu.memory_space<vmem>>
      %dma_start3A_195 = arith.constant 0 : i32
      %dma_start3A_196 = tpu.memref_slice %arg9[%scan3A_170, %dma_start3A_195] : memref<4x32xi32, #tpu.memory_space<vmem>> -> memref<1x32xi32, #tpu.memory_space<vmem>>
      %dma_start3A_197 = tpu.memref_squeeze %dma_start3A_196 : memref<1x32xi32, #tpu.memory_space<vmem>> -> memref<32xi32, #tpu.memory_space<vmem>>
      %dma_start3A_198 = arith.constant 0 : i32
      %dma_start3A_199 = arith.constant 0 : i32
      %dma_start3A_200 = tpu.memref_slice %arg7[%dma_start3A_198, %dma_start3A_199] : memref<12288x1024xf32, #tpu.memory_space<hbm>> -> memref<12288x1024xf32, #tpu.memory_space<hbm>>
      %dma_start3A_201 = tpu.memref_slice %arg15[%rem3A_171] : memref<2x!tpu.dma_semaphore, #tpu.memory_space<semaphore_mem>> -> memref<1x!tpu.dma_semaphore, #tpu.memory_space<semaphore_mem>>
      %dma_start3A_202 = tpu.memref_squeeze %dma_start3A_201 : memref<1x!tpu.dma_semaphore, #tpu.memory_space<semaphore_mem>> -> memref<!tpu.dma_semaphore, #tpu.memory_space<semaphore_mem>>
      tpu.enqueue_indirect_dma source(%dma_start3A_194 : memref<32x1024xf32, #tpu.memory_space<vmem>>) target(%dma_start3A_200 : memref<12288x1024xf32, #tpu.memory_space<hbm>>) offsets(%dma_start3A_197 : memref<32xi32, #tpu.memory_space<vmem>>) semaphore(%dma_start3A_202 : memref<!tpu.dma_semaphore, #tpu.memory_space<semaphore_mem>>)
      %dma_start3A_203 = arith.constant 0 : i32
      %dma_start3A_204 = arith.constant 0 : i32
      %dma_start3A_205 = tpu.memref_slice %arg13[%rem3A_171, %dma_start3A_203, %dma_start3A_204] : memref<2x32x1024xf32, #tpu.memory_space<vmem>> -> memref<1x32x1024xf32, #tpu.memory_space<vmem>>
      %dma_start3A_206 = tpu.memref_squeeze %dma_start3A_205 : memref<1x32x1024xf32, #tpu.memory_space<vmem>> -> memref<32x1024xf32, #tpu.memory_space<vmem>>
      %dma_start3A_207 = arith.constant 0 : i32
      %dma_start3A_208 = tpu.memref_slice %arg10[%scan3A_170, %dma_start3A_207] : memref<4x32xi32, #tpu.memory_space<vmem>> -> memref<1x32xi32, #tpu.memory_space<vmem>>
      %dma_start3A_209 = tpu.memref_squeeze %dma_start3A_208 : memref<1x32xi32, #tpu.memory_space<vmem>> -> memref<32xi32, #tpu.memory_space<vmem>>
      %dma_start3A_210 = arith.constant 0 : i32
      %dma_start3A_211 = arith.constant 0 : i32
      %dma_start3A_212 = tpu.memref_slice %arg7[%dma_start3A_210, %dma_start3A_211] : memref<12288x1024xf32, #tpu.memory_space<hbm>> -> memref<12288x1024xf32, #tpu.memory_space<hbm>>
      %dma_start3A_213 = tpu.memref_slice %arg16[%rem3A_171] : memref<2x!tpu.dma_semaphore, #tpu.memory_space<semaphore_mem>> -> memref<1x!tpu.dma_semaphore, #tpu.memory_space<semaphore_mem>>
      %dma_start3A_214 = tpu.memref_squeeze %dma_start3A_213 : memref<1x!tpu.dma_semaphore, #tpu.memory_space<semaphore_mem>> -> memref<!tpu.dma_semaphore, #tpu.memory_space<semaphore_mem>>
      tpu.enqueue_indirect_dma source(%dma_start3A_206 : memref<32x1024xf32, #tpu.memory_space<vmem>>) target(%dma_start3A_212 : memref<12288x1024xf32, #tpu.memory_space<hbm>>) offsets(%dma_start3A_209 : memref<32xi32, #tpu.memory_space<vmem>>) semaphore(%dma_start3A_214 : memref<!tpu.dma_semaphore, #tpu.memory_space<semaphore_mem>>)
      %mul3A_215 = arith.constant 32 : i32
      %mul3A_216 = arith.muli %scan3A_170, %mul3A_215 : i32
      %dma_start3A_217 = arith.constant 0 : i32
      %dma_start3A_218 = tpu.memref_slice %arg11[%mul3A_216, %dma_start3A_217] : memref<128x128xf32, #tpu.memory_space<vmem>> -> memref<32x128xf32, #tpu.memory_space<vmem>>
      %dma_start3A_219 = arith.constant 0 : i32
      %dma_start3A_220 = tpu.memref_slice %arg9[%scan3A_170, %dma_start3A_219] : memref<4x32xi32, #tpu.memory_space<vmem>> -> memref<1x32xi32, #tpu.memory_space<vmem>>
      %dma_start3A_221 = tpu.memref_squeeze %dma_start3A_220 : memref<1x32xi32, #tpu.memory_space<vmem>> -> memref<32xi32, #tpu.memory_space<vmem>>
      %dma_start3A_222 = arith.constant 0 : i32
      %dma_start3A_223 = arith.constant 0 : i32
      %dma_start3A_224 = tpu.memref_slice %arg8[%dma_start3A_222, %dma_start3A_223] : memref<12288x128xf32, #tpu.memory_space<hbm>> -> memref<12288x128xf32, #tpu.memory_space<hbm>>
      tpu.enqueue_indirect_dma source(%dma_start3A_218 : memref<32x128xf32, #tpu.memory_space<vmem>>) target(%dma_start3A_224 : memref<12288x128xf32, #tpu.memory_space<hbm>>) offsets(%dma_start3A_221 : memref<32xi32, #tpu.memory_space<vmem>>) semaphore(%arg17 : memref<!tpu.dma_semaphore, #tpu.memory_space<semaphore_mem>>)
      %mul3A_225 = arith.constant 32 : i32
      %mul3A_226 = arith.muli %scan3A_170, %mul3A_225 : i32
      %dma_start3A_227 = arith.constant 0 : i32
      %dma_start3A_228 = tpu.memref_slice %arg12[%mul3A_226, %dma_start3A_227] : memref<128x128xf32, #tpu.memory_space<vmem>> -> memref<32x128xf32, #tpu.memory_space<vmem>>
      %dma_start3A_229 = arith.constant 0 : i32
      %dma_start3A_230 = tpu.memref_slice %arg10[%scan3A_170, %dma_start3A_229] : memref<4x32xi32, #tpu.memory_space<vmem>> -> memref<1x32xi32, #tpu.memory_space<vmem>>
      %dma_start3A_231 = tpu.memref_squeeze %dma_start3A_230 : memref<1x32xi32, #tpu.memory_space<vmem>> -> memref<32xi32, #tpu.memory_space<vmem>>
      %dma_start3A_232 = arith.constant 0 : i32
      %dma_start3A_233 = arith.constant 0 : i32
      %dma_start3A_234 = tpu.memref_slice %arg8[%dma_start3A_232, %dma_start3A_233] : memref<12288x128xf32, #tpu.memory_space<hbm>> -> memref<12288x128xf32, #tpu.memory_space<hbm>>
      tpu.enqueue_indirect_dma source(%dma_start3A_228 : memref<32x128xf32, #tpu.memory_space<vmem>>) target(%dma_start3A_234 : memref<12288x128xf32, #tpu.memory_space<hbm>>) offsets(%dma_start3A_231 : memref<32xi32, #tpu.memory_space<vmem>>) semaphore(%arg17 : memref<!tpu.dma_semaphore, #tpu.memory_space<semaphore_mem>>)
    }
    %scan3A_26 = arith.constant 4 : i32
    %dma_wait3A = arith.constant 0 : i32
    %dma_wait3A_27 = arith.constant 0 : i32
    %dma_wait3A_28 = arith.constant 0 : i32
    %dma_wait3A_29 = arith.constant 0 : i32
    %dma_wait3A_30 = tpu.memref_slice %arg13[%dma_wait3A, %dma_wait3A_28, %dma_wait3A_29] : memref<2x32x1024xf32, #tpu.memory_space<vmem>> -> memref<1x32x1024xf32, #tpu.memory_space<vmem>>
    %dma_wait3A_31 = tpu.memref_squeeze %dma_wait3A_30 : memref<1x32x1024xf32, #tpu.memory_space<vmem>> -> memref<32x1024xf32, #tpu.memory_space<vmem>>
    %dma_wait3A_32 = arith.constant 0 : i32
    %dma_wait3A_33 = tpu.memref_slice %arg7[%mul3A_2, %dma_wait3A_32] : memref<12288x1024xf32, #tpu.memory_space<hbm>> -> memref<32x1024xf32, #tpu.memory_space<hbm>>
    %dma_wait3A_34 = tpu.memref_slice %arg15[%dma_wait3A_27] : memref<2x!tpu.dma_semaphore, #tpu.memory_space<semaphore_mem>> -> memref<1x!tpu.dma_semaphore, #tpu.memory_space<semaphore_mem>>
    %dma_wait3A_35 = tpu.memref_squeeze %dma_wait3A_34 : memref<1x!tpu.dma_semaphore, #tpu.memory_space<semaphore_mem>> -> memref<!tpu.dma_semaphore, #tpu.memory_space<semaphore_mem>>
    %dma_wait3A_36 = arith.constant 0 : i32
    %dma_wait3A_37 = tpu.memref_slice %arg7[%mul3A_2, %dma_wait3A_36] : memref<12288x1024xf32, #tpu.memory_space<hbm>> -> memref<32x1024xf32, #tpu.memory_space<hbm>>
    %dma_wait3A_38 = arith.constant 0 : i32
    %dma_wait3A_39 = arith.constant 0 : i32
    %dma_wait3A_40 = tpu.memref_slice %arg13[%dma_wait3A, %dma_wait3A_38, %dma_wait3A_39] : memref<2x32x1024xf32, #tpu.memory_space<vmem>> -> memref<1x32x1024xf32, #tpu.memory_space<vmem>>
    %dma_wait3A_41 = tpu.memref_squeeze %dma_wait3A_40 : memref<1x32x1024xf32, #tpu.memory_space<vmem>> -> memref<32x1024xf32, #tpu.memory_space<vmem>>
    tpu.wait_dma2 semaphore(%dma_wait3A_35 : memref<!tpu.dma_semaphore, #tpu.memory_space<semaphore_mem>>) src(%dma_wait3A_41 : memref<32x1024xf32, #tpu.memory_space<vmem>>) dst(%dma_wait3A_37 : memref<32x1024xf32, #tpu.memory_space<hbm>>)
    %dma_wait3A_42 = arith.constant 0 : i32
    %dma_wait3A_43 = arith.constant 0 : i32
    %dma_wait3A_44 = arith.constant 0 : i32
    %dma_wait3A_45 = arith.constant 0 : i32
    %dma_wait3A_46 = tpu.memref_slice %arg13[%dma_wait3A_42, %dma_wait3A_44, %dma_wait3A_45] : memref<2x32x1024xf32, #tpu.memory_space<vmem>> -> memref<1x32x1024xf32, #tpu.memory_space<vmem>>
    %dma_wait3A_47 = tpu.memref_squeeze %dma_wait3A_46 : memref<1x32x1024xf32, #tpu.memory_space<vmem>> -> memref<32x1024xf32, #tpu.memory_space<vmem>>
    %dma_wait3A_48 = arith.constant 0 : i32
    %dma_wait3A_49 = tpu.memref_slice %arg7[%mul3A_2, %dma_wait3A_48] : memref<12288x1024xf32, #tpu.memory_space<hbm>> -> memref<32x1024xf32, #tpu.memory_space<hbm>>
    %dma_wait3A_50 = tpu.memref_slice %arg16[%dma_wait3A_43] : memref<2x!tpu.dma_semaphore, #tpu.memory_space<semaphore_mem>> -> memref<1x!tpu.dma_semaphore, #tpu.memory_space<semaphore_mem>>
    %dma_wait3A_51 = tpu.memref_squeeze %dma_wait3A_50 : memref<1x!tpu.dma_semaphore, #tpu.memory_space<semaphore_mem>> -> memref<!tpu.dma_semaphore, #tpu.memory_space<semaphore_mem>>
    %dma_wait3A_52 = arith.constant 0 : i32
    %dma_wait3A_53 = tpu.memref_slice %arg7[%mul3A_2, %dma_wait3A_52] : memref<12288x1024xf32, #tpu.memory_space<hbm>> -> memref<32x1024xf32, #tpu.memory_space<hbm>>
    %dma_wait3A_54 = arith.constant 0 : i32
    %dma_wait3A_55 = arith.constant 0 : i32
    %dma_wait3A_56 = tpu.memref_slice %arg13[%dma_wait3A_42, %dma_wait3A_54, %dma_wait3A_55] : memref<2x32x1024xf32, #tpu.memory_space<vmem>> -> memref<1x32x1024xf32, #tpu.memory_space<vmem>>
    %dma_wait3A_57 = tpu.memref_squeeze %dma_wait3A_56 : memref<1x32x1024xf32, #tpu.memory_space<vmem>> -> memref<32x1024xf32, #tpu.memory_space<vmem>>
    tpu.wait_dma2 semaphore(%dma_wait3A_51 : memref<!tpu.dma_semaphore, #tpu.memory_space<semaphore_mem>>) src(%dma_wait3A_57 : memref<32x1024xf32, #tpu.memory_space<vmem>>) dst(%dma_wait3A_53 : memref<32x1024xf32, #tpu.memory_space<hbm>>)
    %dma_wait3A_58 = arith.constant 1 : i32
    %dma_wait3A_59 = arith.constant 1 : i32
    %dma_wait3A_60 = arith.constant 0 : i32
    %dma_wait3A_61 = arith.constant 0 : i32
    %dma_wait3A_62 = tpu.memref_slice %arg13[%dma_wait3A_58, %dma_wait3A_60, %dma_wait3A_61] : memref<2x32x1024xf32, #tpu.memory_space<vmem>> -> memref<1x32x1024xf32, #tpu.memory_space<vmem>>
    %dma_wait3A_63 = tpu.memref_squeeze %dma_wait3A_62 : memref<1x32x1024xf32, #tpu.memory_space<vmem>> -> memref<32x1024xf32, #tpu.memory_space<vmem>>
    %dma_wait3A_64 = arith.constant 0 : i32
    %dma_wait3A_65 = tpu.memref_slice %arg7[%mul3A_2, %dma_wait3A_64] : memref<12288x1024xf32, #tpu.memory_space<hbm>> -> memref<32x1024xf32, #tpu.memory_space<hbm>>
    %dma_wait3A_66 = tpu.memref_slice %arg15[%dma_wait3A_59] : memref<2x!tpu.dma_semaphore, #tpu.memory_space<semaphore_mem>> -> memref<1x!tpu.dma_semaphore, #tpu.memory_space<semaphore_mem>>
    %dma_wait3A_67 = tpu.memref_squeeze %dma_wait3A_66 : memref<1x!tpu.dma_semaphore, #tpu.memory_space<semaphore_mem>> -> memref<!tpu.dma_semaphore, #tpu.memory_space<semaphore_mem>>
    %dma_wait3A_68 = arith.constant 0 : i32
    %dma_wait3A_69 = tpu.memref_slice %arg7[%mul3A_2, %dma_wait3A_68] : memref<12288x1024xf32, #tpu.memory_space<hbm>> -> memref<32x1024xf32, #tpu.memory_space<hbm>>
    %dma_wait3A_70 = arith.constant 0 : i32
    %dma_wait3A_71 = arith.constant 0 : i32
    %dma_wait3A_72 = tpu.memref_slice %arg13[%dma_wait3A_58, %dma_wait3A_70, %dma_wait3A_71] : memref<2x32x1024xf32, #tpu.memory_space<vmem>> -> memref<1x32x1024xf32, #tpu.memory_space<vmem>>
    %dma_wait3A_73 = tpu.memref_squeeze %dma_wait3A_72 : memref<1x32x1024xf32, #tpu.memory_space<vmem>> -> memref<32x1024xf32, #tpu.memory_space<vmem>>
    tpu.wait_dma2 semaphore(%dma_wait3A_67 : memref<!tpu.dma_semaphore, #tpu.memory_space<semaphore_mem>>) src(%dma_wait3A_73 : memref<32x1024xf32, #tpu.memory_space<vmem>>) dst(%dma_wait3A_69 : memref<32x1024xf32, #tpu.memory_space<hbm>>)
    %dma_wait3A_74 = arith.constant 1 : i32
    %dma_wait3A_75 = arith.constant 1 : i32
    %dma_wait3A_76 = arith.constant 0 : i32
    %dma_wait3A_77 = arith.constant 0 : i32
    %dma_wait3A_78 = tpu.memref_slice %arg13[%dma_wait3A_74, %dma_wait3A_76, %dma_wait3A_77] : memref<2x32x1024xf32, #tpu.memory_space<vmem>> -> memref<1x32x1024xf32, #tpu.memory_space<vmem>>
    %dma_wait3A_79 = tpu.memref_squeeze %dma_wait3A_78 : memref<1x32x1024xf32, #tpu.memory_space<vmem>> -> memref<32x1024xf32, #tpu.memory_space<vmem>>
    %dma_wait3A_80 = arith.constant 0 : i32
    %dma_wait3A_81 = tpu.memref_slice %arg7[%mul3A_2, %dma_wait3A_80] : memref<12288x1024xf32, #tpu.memory_space<hbm>> -> memref<32x1024xf32, #tpu.memory_space<hbm>>
    %dma_wait3A_82 = tpu.memref_slice %arg16[%dma_wait3A_75] : memref<2x!tpu.dma_semaphore, #tpu.memory_space<semaphore_mem>> -> memref<1x!tpu.dma_semaphore, #tpu.memory_space<semaphore_mem>>
    %dma_wait3A_83 = tpu.memref_squeeze %dma_wait3A_82 : memref<1x!tpu.dma_semaphore, #tpu.memory_space<semaphore_mem>> -> memref<!tpu.dma_semaphore, #tpu.memory_space<semaphore_mem>>
    %dma_wait3A_84 = arith.constant 0 : i32
    %dma_wait3A_85 = tpu.memref_slice %arg7[%mul3A_2, %dma_wait3A_84] : memref<12288x1024xf32, #tpu.memory_space<hbm>> -> memref<32x1024xf32, #tpu.memory_space<hbm>>
    %dma_wait3A_86 = arith.constant 0 : i32
    %dma_wait3A_87 = arith.constant 0 : i32
    %dma_wait3A_88 = tpu.memref_slice %arg13[%dma_wait3A_74, %dma_wait3A_86, %dma_wait3A_87] : memref<2x32x1024xf32, #tpu.memory_space<vmem>> -> memref<1x32x1024xf32, #tpu.memory_space<vmem>>
    %dma_wait3A_89 = tpu.memref_squeeze %dma_wait3A_88 : memref<1x32x1024xf32, #tpu.memory_space<vmem>> -> memref<32x1024xf32, #tpu.memory_space<vmem>>
    tpu.wait_dma2 semaphore(%dma_wait3A_83 : memref<!tpu.dma_semaphore, #tpu.memory_space<semaphore_mem>>) src(%dma_wait3A_89 : memref<32x1024xf32, #tpu.memory_space<vmem>>) dst(%dma_wait3A_85 : memref<32x1024xf32, #tpu.memory_space<hbm>>)
    %dma_wait3A_90 = arith.constant 0 : i32
    %dma_wait3A_91 = arith.constant 0 : i32
    %dma_wait3A_92 = tpu.memref_slice %arg11[%dma_wait3A_90, %dma_wait3A_91] : memref<128x128xf32, #tpu.memory_space<vmem>> -> memref<32x128xf32, #tpu.memory_space<vmem>>
    %dma_wait3A_93 = arith.constant 0 : i32
    %dma_wait3A_94 = tpu.memref_slice %arg8[%mul3A_2, %dma_wait3A_93] : memref<12288x128xf32, #tpu.memory_space<hbm>> -> memref<32x128xf32, #tpu.memory_space<hbm>>
    %dma_wait3A_95 = arith.constant 0 : i32
    %dma_wait3A_96 = tpu.memref_slice %arg8[%mul3A_2, %dma_wait3A_95] : memref<12288x128xf32, #tpu.memory_space<hbm>> -> memref<32x128xf32, #tpu.memory_space<hbm>>
    %dma_wait3A_97 = arith.constant 0 : i32
    %dma_wait3A_98 = arith.constant 0 : i32
    %dma_wait3A_99 = tpu.memref_slice %arg11[%dma_wait3A_97, %dma_wait3A_98] : memref<128x128xf32, #tpu.memory_space<vmem>> -> memref<32x128xf32, #tpu.memory_space<vmem>>
    tpu.wait_dma2 semaphore(%arg17 : memref<!tpu.dma_semaphore, #tpu.memory_space<semaphore_mem>>) src(%dma_wait3A_99 : memref<32x128xf32, #tpu.memory_space<vmem>>) dst(%dma_wait3A_96 : memref<32x128xf32, #tpu.memory_space<hbm>>)
    %dma_wait3A_100 = arith.constant 0 : i32
    %dma_wait3A_101 = arith.constant 0 : i32
    %dma_wait3A_102 = tpu.memref_slice %arg11[%dma_wait3A_100, %dma_wait3A_101] : memref<128x128xf32, #tpu.memory_space<vmem>> -> memref<32x128xf32, #tpu.memory_space<vmem>>
    %dma_wait3A_103 = arith.constant 0 : i32
    %dma_wait3A_104 = tpu.memref_slice %arg8[%mul3A_2, %dma_wait3A_103] : memref<12288x128xf32, #tpu.memory_space<hbm>> -> memref<32x128xf32, #tpu.memory_space<hbm>>
    %dma_wait3A_105 = arith.constant 0 : i32
    %dma_wait3A_106 = tpu.memref_slice %arg8[%mul3A_2, %dma_wait3A_105] : memref<12288x128xf32, #tpu.memory_space<hbm>> -> memref<32x128xf32, #tpu.memory_space<hbm>>
    %dma_wait3A_107 = arith.constant 0 : i32
    %dma_wait3A_108 = arith.constant 0 : i32
    %dma_wait3A_109 = tpu.memref_slice %arg11[%dma_wait3A_107, %dma_wait3A_108] : memref<128x128xf32, #tpu.memory_space<vmem>> -> memref<32x128xf32, #tpu.memory_space<vmem>>
    tpu.wait_dma2 semaphore(%arg17 : memref<!tpu.dma_semaphore, #tpu.memory_space<semaphore_mem>>) src(%dma_wait3A_109 : memref<32x128xf32, #tpu.memory_space<vmem>>) dst(%dma_wait3A_106 : memref<32x128xf32, #tpu.memory_space<hbm>>)
    %dma_wait3A_110 = arith.constant 0 : i32
    %dma_wait3A_111 = arith.constant 0 : i32
    %dma_wait3A_112 = tpu.memref_slice %arg11[%dma_wait3A_110, %dma_wait3A_111] : memref<128x128xf32, #tpu.memory_space<vmem>> -> memref<32x128xf32, #tpu.memory_space<vmem>>
    %dma_wait3A_113 = arith.constant 0 : i32
    %dma_wait3A_114 = tpu.memref_slice %arg8[%mul3A_2, %dma_wait3A_113] : memref<12288x128xf32, #tpu.memory_space<hbm>> -> memref<32x128xf32, #tpu.memory_space<hbm>>
    %dma_wait3A_115 = arith.constant 0 : i32
    %dma_wait3A_116 = tpu.memref_slice %arg8[%mul3A_2, %dma_wait3A_115] : memref<12288x128xf32, #tpu.memory_space<hbm>> -> memref<32x128xf32, #tpu.memory_space<hbm>>
    %dma_wait3A_117 = arith.constant 0 : i32
    %dma_wait3A_118 = arith.constant 0 : i32
    %dma_wait3A_119 = tpu.memref_slice %arg11[%dma_wait3A_117, %dma_wait3A_118] : memref<128x128xf32, #tpu.memory_space<vmem>> -> memref<32x128xf32, #tpu.memory_space<vmem>>
    tpu.wait_dma2 semaphore(%arg17 : memref<!tpu.dma_semaphore, #tpu.memory_space<semaphore_mem>>) src(%dma_wait3A_119 : memref<32x128xf32, #tpu.memory_space<vmem>>) dst(%dma_wait3A_116 : memref<32x128xf32, #tpu.memory_space<hbm>>)
    %dma_wait3A_120 = arith.constant 0 : i32
    %dma_wait3A_121 = arith.constant 0 : i32
    %dma_wait3A_122 = tpu.memref_slice %arg11[%dma_wait3A_120, %dma_wait3A_121] : memref<128x128xf32, #tpu.memory_space<vmem>> -> memref<32x128xf32, #tpu.memory_space<vmem>>
    %dma_wait3A_123 = arith.constant 0 : i32
    %dma_wait3A_124 = tpu.memref_slice %arg8[%mul3A_2, %dma_wait3A_123] : memref<12288x128xf32, #tpu.memory_space<hbm>> -> memref<32x128xf32, #tpu.memory_space<hbm>>
    %dma_wait3A_125 = arith.constant 0 : i32
    %dma_wait3A_126 = tpu.memref_slice %arg8[%mul3A_2, %dma_wait3A_125] : memref<12288x128xf32, #tpu.memory_space<hbm>> -> memref<32x128xf32, #tpu.memory_space<hbm>>
    %dma_wait3A_127 = arith.constant 0 : i32
    %dma_wait3A_128 = arith.constant 0 : i32
    %dma_wait3A_129 = tpu.memref_slice %arg11[%dma_wait3A_127, %dma_wait3A_128] : memref<128x128xf32, #tpu.memory_space<vmem>> -> memref<32x128xf32, #tpu.memory_space<vmem>>
    tpu.wait_dma2 semaphore(%arg17 : memref<!tpu.dma_semaphore, #tpu.memory_space<semaphore_mem>>) src(%dma_wait3A_129 : memref<32x128xf32, #tpu.memory_space<vmem>>) dst(%dma_wait3A_126 : memref<32x128xf32, #tpu.memory_space<hbm>>)
    %dma_wait3A_130 = arith.constant 0 : i32
    %dma_wait3A_131 = arith.constant 0 : i32
    %dma_wait3A_132 = tpu.memref_slice %arg11[%dma_wait3A_130, %dma_wait3A_131] : memref<128x128xf32, #tpu.memory_space<vmem>> -> memref<32x128xf32, #tpu.memory_space<vmem>>
    %dma_wait3A_133 = arith.constant 0 : i32
    %dma_wait3A_134 = tpu.memref_slice %arg8[%mul3A_2, %dma_wait3A_133] : memref<12288x128xf32, #tpu.memory_space<hbm>> -> memref<32x128xf32, #tpu.memory_space<hbm>>
    %dma_wait3A_135 = arith.constant 0 : i32
    %dma_wait3A_136 = tpu.memref_slice %arg8[%mul3A_2, %dma_wait3A_135] : memref<12288x128xf32, #tpu.memory_space<hbm>> -> memref<32x128xf32, #tpu.memory_space<hbm>>
    %dma_wait3A_137 = arith.constant 0 : i32
    %dma_wait3A_138 = arith.constant 0 : i32
    %dma_wait3A_139 = tpu.memref_slice %arg11[%dma_wait3A_137, %dma_wait3A_138] : memref<128x128xf32, #tpu.memory_space<vmem>> -> memref<32x128xf32, #tpu.memory_space<vmem>>
    tpu.wait_dma2 semaphore(%arg17 : memref<!tpu.dma_semaphore, #tpu.memory_space<semaphore_mem>>) src(%dma_wait3A_139 : memref<32x128xf32, #tpu.memory_space<vmem>>) dst(%dma_wait3A_136 : memref<32x128xf32, #tpu.memory_space<hbm>>)
    %dma_wait3A_140 = arith.constant 0 : i32
    %dma_wait3A_141 = arith.constant 0 : i32
    %dma_wait3A_142 = tpu.memref_slice %arg11[%dma_wait3A_140, %dma_wait3A_141] : memref<128x128xf32, #tpu.memory_space<vmem>> -> memref<32x128xf32, #tpu.memory_space<vmem>>
    %dma_wait3A_143 = arith.constant 0 : i32
    %dma_wait3A_144 = tpu.memref_slice %arg8[%mul3A_2, %dma_wait3A_143] : memref<12288x128xf32, #tpu.memory_space<hbm>> -> memref<32x128xf32, #tpu.memory_space<hbm>>
    %dma_wait3A_145 = arith.constant 0 : i32
    %dma_wait3A_146 = tpu.memref_slice %arg8[%mul3A_2, %dma_wait3A_145] : memref<12288x128xf32, #tpu.memory_space<hbm>> -> memref<32x128xf32, #tpu.memory_space<hbm>>
    %dma_wait3A_147 = arith.constant 0 : i32
    %dma_wait3A_148 = arith.constant 0 : i32
    %dma_wait3A_149 = tpu.memref_slice %arg11[%dma_wait3A_147, %dma_wait3A_148] : memref<128x128xf32, #tpu.memory_space<vmem>> -> memref<32x128xf32, #tpu.memory_space<vmem>>
    tpu.wait_dma2 semaphore(%arg17 : memref<!tpu.dma_semaphore, #tpu.memory_space<semaphore_mem>>) src(%dma_wait3A_149 : memref<32x128xf32, #tpu.memory_space<vmem>>) dst(%dma_wait3A_146 : memref<32x128xf32, #tpu.memory_space<hbm>>)
    %dma_wait3A_150 = arith.constant 0 : i32
    %dma_wait3A_151 = arith.constant 0 : i32
    %dma_wait3A_152 = tpu.memref_slice %arg11[%dma_wait3A_150, %dma_wait3A_151] : memref<128x128xf32, #tpu.memory_space<vmem>> -> memref<32x128xf32, #tpu.memory_space<vmem>>
    %dma_wait3A_153 = arith.constant 0 : i32
    %dma_wait3A_154 = tpu.memref_slice %arg8[%mul3A_2, %dma_wait3A_153] : memref<12288x128xf32, #tpu.memory_space<hbm>> -> memref<32x128xf32, #tpu.memory_space<hbm>>
    %dma_wait3A_155 = arith.constant 0 : i32
    %dma_wait3A_156 = tpu.memref_slice %arg8[%mul3A_2, %dma_wait3A_155] : memref<12288x128xf32, #tpu.memory_space<hbm>> -> memref<32x128xf32, #tpu.memory_space<hbm>>
    %dma_wait3A_157 = arith.constant 0 : i32
    %dma_wait3A_158 = arith.constant 0 : i32
    %dma_wait3A_159 = tpu.memref_slice %arg11[%dma_wait3A_157, %dma_wait3A_158] : memref<128x128xf32, #tpu.memory_space<vmem>> -> memref<32x128xf32, #tpu.memory_space<vmem>>
    tpu.wait_dma2 semaphore(%arg17 : memref<!tpu.dma_semaphore, #tpu.memory_space<semaphore_mem>>) src(%dma_wait3A_159 : memref<32x128xf32, #tpu.memory_space<vmem>>) dst(%dma_wait3A_156 : memref<32x128xf32, #tpu.memory_space<hbm>>)
    %dma_wait3A_160 = arith.constant 0 : i32
    %dma_wait3A_161 = arith.constant 0 : i32
    %dma_wait3A_162 = tpu.memref_slice %arg11[%dma_wait3A_160, %dma_wait3A_161] : memref<128x128xf32, #tpu.memory_space<vmem>> -> memref<32x128xf32, #tpu.memory_space<vmem>>
    %dma_wait3A_163 = arith.constant 0 : i32
    %dma_wait3A_164 = tpu.memref_slice %arg8[%mul3A_2, %dma_wait3A_163] : memref<12288x128xf32, #tpu.memory_space<hbm>> -> memref<32x128xf32, #tpu.memory_space<hbm>>
    %dma_wait3A_165 = arith.constant 0 : i32
    %dma_wait3A_166 = tpu.memref_slice %arg8[%mul3A_2, %dma_wait3A_165] : memref<12288x128xf32, #tpu.memory_space<hbm>> -> memref<32x128xf32, #tpu.memory_space<hbm>>
    %dma_wait3A_167 = arith.constant 0 : i32
    %dma_wait3A_168 = arith.constant 0 : i32
    %dma_wait3A_169 = tpu.memref_slice %arg11[%dma_wait3A_167, %dma_wait3A_168] : memref<128x128xf32, #tpu.memory_space<vmem>> -> memref<32x128xf32, #tpu.memory_space<vmem>>
    tpu.wait_dma2 semaphore(%arg17 : memref<!tpu.dma_semaphore, #tpu.memory_space<semaphore_mem>>) src(%dma_wait3A_169 : memref<32x128xf32, #tpu.memory_space<vmem>>) dst(%dma_wait3A_166 : memref<32x128xf32, #tpu.memory_space<hbm>>)
    return
  }
}

module attributes {stable_mosaic.version = 14 : i64} {
  func.func @_router_body(%arg0: memref<1xf32, #tpu.memory_space<smem>>, %arg1: memref<4096x1024xf32, #tpu.memory_space<vmem>>, %arg2: memref<8x1024xf32, #tpu.memory_space<vmem>>, %arg3: memref<1x4096xi32, #tpu.memory_space<vmem>>, %arg4: memref<1x4096xi32, #tpu.memory_space<vmem>>, %arg5: memref<1x4096xf32, #tpu.memory_space<vmem>>, %arg6: memref<1x4096xf32, #tpu.memory_space<vmem>>) attributes {dimension_semantics = [], scalar_prefetch = 0 : i64, scratch_operands = 0 : i64, tpu.core_type = #tpu.core_type<tc>} {
    %get3A = arith.constant 0 : index
    %get3A_0 = arith.constant 0 : index
    %get3A_1 = vector.load %arg1[%get3A, %get3A_0] : memref<4096x1024xf32, #tpu.memory_space<vmem>>, vector<4096x1024xf32>
    %get3A_2 = arith.constant 0 : index
    %get3A_3 = arith.constant 0 : index
    %get3A_4 = vector.load %arg2[%get3A_2, %get3A_3] : memref<8x1024xf32, #tpu.memory_space<vmem>>, vector<8x1024xf32>
    %dot_general3A = arith.constant dense<0.000000e+00> : vector<8x4096xf32>
    %dot_general3A_5 = tpu.matmul %get3A_4, %get3A_1, %dot_general3A {dimension_numbers = #tpu.dot_dimension_numbers<[1], [1], [0], [0], [0, 0, 1, 0], [], []>, transpose_lhs_hint = false} : vector<8x1024xf32>, vector<4096x1024xf32>, vector<8x4096xf32> -> vector<8x4096xf32>
    %get3A_6 = arith.constant 0 : index
    %get3A_7 = memref.load %arg0[%get3A_6] : memref<1xf32, #tpu.memory_space<smem>>
    %mul3A = vector.broadcast %get3A_7 : f32 to vector<8x4096xf32>
    %mul3A_8 = arith.mulf %dot_general3A_5, %mul3A : vector<8x4096xf32>
    %iota3A = tpu.iota {dimensions = array<i32: 0>} : vector<8x4096xi32>
    %reduce_max3A = arith.constant dense<0xFF800000> : vector<4096xf32>
    %reduce_max3A_9 = vector.multi_reduction <maximumf>, %mul3A_8, %reduce_max3A [0] : vector<8x4096xf32> to vector<4096xf32>
    %broadcast_in_dim3A = vector.shape_cast %reduce_max3A_9 : vector<4096xf32> to vector<1x4096xf32>
    %eq3A = vector.broadcast %broadcast_in_dim3A : vector<1x4096xf32> to vector<8x4096xf32>
    %eq3A_10 = arith.cmpf oeq, %mul3A_8, %eq3A : vector<8x4096xf32>
    %jit3A = arith.constant 8 : i32
    %broadcast_in_dim3A_11 = vector.broadcast %jit3A : i32 to vector<8x4096xi32>
    %select_n3A = arith.select %eq3A_10, %iota3A, %broadcast_in_dim3A_11 : vector<8x4096xi1>, vector<8x4096xi32>
    %reduce_min3A = arith.constant dense<2147483647> : vector<4096xi32>
    %reduce_min3A_12 = vector.multi_reduction <minsi>, %select_n3A, %reduce_min3A [0] : vector<8x4096xi32> to vector<4096xi32>
    %broadcast_in_dim3A_13 = vector.shape_cast %reduce_min3A_12 : vector<4096xi32> to vector<1x4096xi32>
    %eq3A_14 = vector.broadcast %broadcast_in_dim3A_13 : vector<1x4096xi32> to vector<8x4096xi32>
    %eq3A_15 = arith.cmpi eq, %iota3A, %eq3A_14 : vector<8x4096xi32>
    %jit3A_16 = arith.constant 0xFF800000 : f32
    %broadcast_in_dim3A_17 = vector.broadcast %jit3A_16 : f32 to vector<8x4096xf32>
    %select_n3A_18 = arith.select %eq3A_15, %broadcast_in_dim3A_17, %mul3A_8 : vector<8x4096xi1>, vector<8x4096xf32>
    %reduce_max3A_19 = arith.constant dense<0xFF800000> : vector<4096xf32>
    %reduce_max3A_20 = vector.multi_reduction <maximumf>, %select_n3A_18, %reduce_max3A_19 [0] : vector<8x4096xf32> to vector<4096xf32>
    %broadcast_in_dim3A_21 = vector.shape_cast %reduce_max3A_20 : vector<4096xf32> to vector<1x4096xf32>
    %eq3A_22 = vector.broadcast %broadcast_in_dim3A_21 : vector<1x4096xf32> to vector<8x4096xf32>
    %eq3A_23 = arith.cmpf oeq, %select_n3A_18, %eq3A_22 : vector<8x4096xf32>
    %jit3A_24 = arith.constant 8 : i32
    %broadcast_in_dim3A_25 = vector.broadcast %jit3A_24 : i32 to vector<8x4096xi32>
    %select_n3A_26 = arith.select %eq3A_23, %iota3A, %broadcast_in_dim3A_25 : vector<8x4096xi1>, vector<8x4096xi32>
    %reduce_min3A_27 = arith.constant dense<2147483647> : vector<4096xi32>
    %reduce_min3A_28 = vector.multi_reduction <minsi>, %select_n3A_26, %reduce_min3A_27 [0] : vector<8x4096xi32> to vector<4096xi32>
    %broadcast_in_dim3A_29 = vector.shape_cast %reduce_min3A_28 : vector<4096xi32> to vector<1x4096xi32>
    %sub3A = arith.subf %broadcast_in_dim3A_21, %broadcast_in_dim3A : vector<1x4096xf32>
    %exp3A = math.exp %sub3A : vector<1x4096xf32>
    %add3A = arith.constant 1.000000e+00 : f32
    %add3A_30 = vector.broadcast %add3A : f32 to vector<1x4096xf32>
    %add3A_31 = arith.addf %add3A_30, %exp3A : vector<1x4096xf32>
    %div3A = arith.constant 1.000000e+00 : f32
    %div3A_32 = vector.broadcast %div3A : f32 to vector<1x4096xf32>
    %div3A_33 = arith.divf %div3A_32, %add3A_31 : vector<1x4096xf32>
    %add3A_34 = arith.constant 1.000000e+00 : f32
    %add3A_35 = vector.broadcast %add3A_34 : f32 to vector<1x4096xf32>
    %add3A_36 = arith.addf %add3A_35, %exp3A : vector<1x4096xf32>
    %div3A_37 = arith.divf %exp3A, %add3A_36 : vector<1x4096xf32>
    %swap3A = arith.constant 0 : index
    %swap3A_38 = arith.constant 0 : index
    %swap3A_39 = vector.load %arg3[%swap3A, %swap3A_38] : memref<1x4096xi32, #tpu.memory_space<vmem>>, vector<1x4096xi32>
    tpu.vector_store %arg3[%swap3A, %swap3A_38], %broadcast_in_dim3A_13 {strides = array<i32>} : memref<1x4096xi32, #tpu.memory_space<vmem>>, vector<1x4096xi32>,
    %swap3A_40 = arith.constant 0 : index
    %swap3A_41 = arith.constant 0 : index
    %swap3A_42 = vector.load %arg4[%swap3A_40, %swap3A_41] : memref<1x4096xi32, #tpu.memory_space<vmem>>, vector<1x4096xi32>
    tpu.vector_store %arg4[%swap3A_40, %swap3A_41], %broadcast_in_dim3A_29 {strides = array<i32>} : memref<1x4096xi32, #tpu.memory_space<vmem>>, vector<1x4096xi32>,
    %swap3A_43 = arith.constant 0 : index
    %swap3A_44 = arith.constant 0 : index
    %swap3A_45 = vector.load %arg5[%swap3A_43, %swap3A_44] : memref<1x4096xf32, #tpu.memory_space<vmem>>, vector<1x4096xf32>
    tpu.vector_store %arg5[%swap3A_43, %swap3A_44], %div3A_33 {strides = array<i32>} : memref<1x4096xf32, #tpu.memory_space<vmem>>, vector<1x4096xf32>,
    %swap3A_46 = arith.constant 0 : index
    %swap3A_47 = arith.constant 0 : index
    %swap3A_48 = vector.load %arg6[%swap3A_46, %swap3A_47] : memref<1x4096xf32, #tpu.memory_space<vmem>>, vector<1x4096xf32>
    tpu.vector_store %arg6[%swap3A_46, %swap3A_47], %div3A_37 {strides = array<i32>} : memref<1x4096xf32, #tpu.memory_space<vmem>>, vector<1x4096xf32>,
    return
  }
}

module attributes {stable_mosaic.version = 14 : i64} {
  func.func @_ffn_body(%arg0: i32, %arg1: memref<24xi32, #tpu.memory_space<smem>>, %arg2: memref<1xi32, #tpu.memory_space<smem>>, %arg3: memref<512x1024xf32, #tpu.memory_space<vmem>>, %arg4: memref<1x2048x1024xf32, #tpu.memory_space<vmem>>, %arg5: memref<1x1x2048xf32, #tpu.memory_space<vmem>>, %arg6: memref<1x2048x1024xf32, #tpu.memory_space<vmem>>, %arg7: memref<1x1x2048xf32, #tpu.memory_space<vmem>>, %arg8: memref<1x1024x2048xf32, #tpu.memory_space<vmem>>, %arg9: memref<1x1x1024xf32, #tpu.memory_space<vmem>>, %arg10: memref<512x128xf32, #tpu.memory_space<vmem>>, %arg11: memref<512x1024xf32, #tpu.memory_space<vmem>>) attributes {dimension_semantics = [#tpu.dimension_semantics<arbitrary>], iteration_bounds = array<i64: 24>, scalar_prefetch = 2 : i64, scratch_operands = 0 : i64, tpu.core_type = #tpu.core_type<tc>, window_params = [{transform_indices = @transform_0, window_bounds = array<i64: 512, 1024>}, {transform_indices = @transform_1, window_bounds = array<i64: 1, 2048, 1024>}, {transform_indices = @transform_2, window_bounds = array<i64: 1, 1, 2048>}, {transform_indices = @transform_3, window_bounds = array<i64: 1, 2048, 1024>}, {transform_indices = @transform_4, window_bounds = array<i64: 1, 1, 2048>}, {transform_indices = @transform_5, window_bounds = array<i64: 1, 1024, 2048>}, {transform_indices = @transform_6, window_bounds = array<i64: 1, 1, 1024>}, {transform_indices = @transform_7, window_bounds = array<i64: 512, 128>}, {transform_indices = @transform_8, window_bounds = array<i64: 512, 1024>}]} {
    %get3A = arith.constant 0 : index
    %get3A_0 = memref.load %arg2[%get3A] : memref<1xi32, #tpu.memory_space<smem>>
    %lt3A = arith.cmpi slt, %arg0, %get3A_0 : i32
    %convert_element_type3A = arith.extui %lt3A : i1 to i32
    %cond3A = arith.constant 0 : i32
    %cond3A_1 = arith.cmpi ne, %convert_element_type3A, %cond3A : i32
    scf.if %cond3A_1 {
      %get3A_2 = arith.constant 0 : index
      %get3A_3 = arith.constant 0 : index
      %get3A_4 = vector.load %arg3[%get3A_2, %get3A_3] : memref<512x1024xf32, #tpu.memory_space<vmem>>, vector<512x1024xf32>
      %get3A_5 = arith.constant 0 : index
      %get3A_6 = arith.constant 0 : index
      %get3A_7 = arith.constant 0 : index
      %get3A_8 = vector.load %arg4[%get3A_5, %get3A_6, %get3A_7] : memref<1x2048x1024xf32, #tpu.memory_space<vmem>>, vector<1x2048x1024xf32>
      %get3A_9 = vector.shape_cast %get3A_8 : vector<1x2048x1024xf32> to vector<2048x1024xf32>
      %dot_general3A = arith.constant dense<0.000000e+00> : vector<512x2048xf32>
      %dot_general3A_10 = tpu.matmul %get3A_4, %get3A_9, %dot_general3A {dimension_numbers = #tpu.dot_dimension_numbers<[1], [1], [0], [0], [0, 0, 1, 0], [], []>, transpose_lhs_hint = false} : vector<512x1024xf32>, vector<2048x1024xf32>, vector<512x2048xf32> -> vector<512x2048xf32>
      %get3A_11 = arith.constant 0 : index
      %get3A_12 = arith.constant 0 : index
      %get3A_13 = arith.constant 0 : index
      %get3A_14 = vector.load %arg5[%get3A_11, %get3A_12, %get3A_13] : memref<1x1x2048xf32, #tpu.memory_space<vmem>>, vector<1x1x2048xf32>
      %get3A_15 = vector.shape_cast %get3A_14 : vector<1x1x2048xf32> to vector<1x2048xf32>
      %add3A = vector.broadcast %get3A_15 : vector<1x2048xf32> to vector<512x2048xf32>
      %add3A_16 = arith.addf %dot_general3A_10, %add3A : vector<512x2048xf32>
      %get3A_17 = arith.constant 0 : index
      %get3A_18 = arith.constant 0 : index
      %get3A_19 = arith.constant 0 : index
      %get3A_20 = vector.load %arg6[%get3A_17, %get3A_18, %get3A_19] : memref<1x2048x1024xf32, #tpu.memory_space<vmem>>, vector<1x2048x1024xf32>
      %get3A_21 = vector.shape_cast %get3A_20 : vector<1x2048x1024xf32> to vector<2048x1024xf32>
      %dot_general3A_22 = arith.constant dense<0.000000e+00> : vector<512x2048xf32>
      %dot_general3A_23 = tpu.matmul %get3A_4, %get3A_21, %dot_general3A_22 {dimension_numbers = #tpu.dot_dimension_numbers<[1], [1], [0], [0], [0, 0, 1, 0], [], []>, transpose_lhs_hint = false} : vector<512x1024xf32>, vector<2048x1024xf32>, vector<512x2048xf32> -> vector<512x2048xf32>
      %get3A_24 = arith.constant 0 : index
      %get3A_25 = arith.constant 0 : index
      %get3A_26 = arith.constant 0 : index
      %get3A_27 = vector.load %arg7[%get3A_24, %get3A_25, %get3A_26] : memref<1x1x2048xf32, #tpu.memory_space<vmem>>, vector<1x1x2048xf32>
      %get3A_28 = vector.shape_cast %get3A_27 : vector<1x1x2048xf32> to vector<1x2048xf32>
      %add3A_29 = vector.broadcast %get3A_28 : vector<1x2048xf32> to vector<512x2048xf32>
      %add3A_30 = arith.addf %dot_general3A_23, %add3A_29 : vector<512x2048xf32>
      %logistic3A = arith.negf %add3A_16 : vector<512x2048xf32>
      %logistic3A_31 = math.exp %logistic3A : vector<512x2048xf32>
      %logistic3A_32 = arith.constant 1.000000e+00 : f32
      %logistic3A_33 = vector.broadcast %logistic3A_32 : f32 to vector<512x2048xf32>
      %logistic3A_34 = arith.addf %logistic3A_33, %logistic3A_31 : vector<512x2048xf32>
      %logistic3A_35 = arith.divf %logistic3A_33, %logistic3A_34 : vector<512x2048xf32>
      %mul3A = arith.mulf %add3A_16, %logistic3A_35 : vector<512x2048xf32>
      %mul3A_36 = arith.mulf %mul3A, %add3A_30 : vector<512x2048xf32>
      %get3A_37 = arith.constant 0 : index
      %get3A_38 = arith.constant 0 : index
      %get3A_39 = arith.constant 0 : index
      %get3A_40 = vector.load %arg8[%get3A_37, %get3A_38, %get3A_39] : memref<1x1024x2048xf32, #tpu.memory_space<vmem>>, vector<1x1024x2048xf32>
      %get3A_41 = vector.shape_cast %get3A_40 : vector<1x1024x2048xf32> to vector<1024x2048xf32>
      %dot_general3A_42 = arith.constant dense<0.000000e+00> : vector<512x1024xf32>
      %dot_general3A_43 = tpu.matmul %mul3A_36, %get3A_41, %dot_general3A_42 {dimension_numbers = #tpu.dot_dimension_numbers<[1], [1], [0], [0], [0, 0, 1, 0], [], []>, transpose_lhs_hint = false} : vector<512x2048xf32>, vector<1024x2048xf32>, vector<512x1024xf32> -> vector<512x1024xf32>
      %get3A_44 = arith.constant 0 : index
      %get3A_45 = arith.constant 0 : index
      %get3A_46 = arith.constant 0 : index
      %get3A_47 = vector.load %arg9[%get3A_44, %get3A_45, %get3A_46] : memref<1x1x1024xf32, #tpu.memory_space<vmem>>, vector<1x1x1024xf32>
      %get3A_48 = vector.shape_cast %get3A_47 : vector<1x1x1024xf32> to vector<1x1024xf32>
      %add3A_49 = vector.broadcast %get3A_48 : vector<1x1024xf32> to vector<512x1024xf32>
      %add3A_50 = arith.addf %dot_general3A_43, %add3A_49 : vector<512x1024xf32>
      %get3A_51 = arith.constant 0 : index
      %get3A_52 = arith.constant 0 : index
      %get3A_53 = vector.load %arg10[%get3A_51, %get3A_52] : memref<512x128xf32, #tpu.memory_space<vmem>>, vector<512x1xf32>
      %mul3A_54 = vector.broadcast %get3A_53 : vector<512x1xf32> to vector<512x1024xf32>
      %mul3A_55 = arith.mulf %add3A_50, %mul3A_54 : vector<512x1024xf32>
      %swap3A = arith.constant 0 : index
      %swap3A_56 = arith.constant 0 : index
      %swap3A_57 = vector.load %arg11[%swap3A, %swap3A_56] : memref<512x1024xf32, #tpu.memory_space<vmem>>, vector<512x1024xf32>
      tpu.vector_store %arg11[%swap3A, %swap3A_56], %mul3A_55 {strides = array<i32>} : memref<512x1024xf32, #tpu.memory_space<vmem>>, vector<512x1024xf32>,
    } else {
    }
    return
  }
  func.func @transform_0(%arg0: i32, %arg1: memref<24xi32, #tpu.memory_space<smem>>, %arg2: memref<1xi32, #tpu.memory_space<smem>>) -> (i32, i32) {
    %c0_i32 = arith.constant 0 : i32
    %c0_i32_0 = arith.constant 0 : i32
    return %arg0, %c0_i32 : i32, i32
  }
  func.func @transform_1(%arg0: i32, %arg1: memref<24xi32, #tpu.memory_space<smem>>, %arg2: memref<1xi32, #tpu.memory_space<smem>>) -> (i32, i32, i32) {
    %get3A = arith.index_cast %arg0 : i32 to index
    %get3A_0 = memref.load %arg1[%get3A] : memref<24xi32, #tpu.memory_space<smem>>
    %c0_i32 = arith.constant 0 : i32
    %c0_i32_1 = arith.constant 0 : i32
    %c0_i32_2 = arith.constant 0 : i32
    return %get3A_0, %c0_i32, %c0_i32_1 : i32, i32, i32
  }
  func.func @transform_2(%arg0: i32, %arg1: memref<24xi32, #tpu.memory_space<smem>>, %arg2: memref<1xi32, #tpu.memory_space<smem>>) -> (i32, i32, i32) {
    %get3A = arith.index_cast %arg0 : i32 to index
    %get3A_0 = memref.load %arg1[%get3A] : memref<24xi32, #tpu.memory_space<smem>>
    %c0_i32 = arith.constant 0 : i32
    %c0_i32_1 = arith.constant 0 : i32
    %c0_i32_2 = arith.constant 0 : i32
    return %get3A_0, %c0_i32, %c0_i32_1 : i32, i32, i32
  }
  func.func @transform_3(%arg0: i32, %arg1: memref<24xi32, #tpu.memory_space<smem>>, %arg2: memref<1xi32, #tpu.memory_space<smem>>) -> (i32, i32, i32) {
    %get3A = arith.index_cast %arg0 : i32 to index
    %get3A_0 = memref.load %arg1[%get3A] : memref<24xi32, #tpu.memory_space<smem>>
    %c0_i32 = arith.constant 0 : i32
    %c0_i32_1 = arith.constant 0 : i32
    %c0_i32_2 = arith.constant 0 : i32
    return %get3A_0, %c0_i32, %c0_i32_1 : i32, i32, i32
  }
  func.func @transform_4(%arg0: i32, %arg1: memref<24xi32, #tpu.memory_space<smem>>, %arg2: memref<1xi32, #tpu.memory_space<smem>>) -> (i32, i32, i32) {
    %get3A = arith.index_cast %arg0 : i32 to index
    %get3A_0 = memref.load %arg1[%get3A] : memref<24xi32, #tpu.memory_space<smem>>
    %c0_i32 = arith.constant 0 : i32
    %c0_i32_1 = arith.constant 0 : i32
    %c0_i32_2 = arith.constant 0 : i32
    return %get3A_0, %c0_i32, %c0_i32_1 : i32, i32, i32
  }
  func.func @transform_5(%arg0: i32, %arg1: memref<24xi32, #tpu.memory_space<smem>>, %arg2: memref<1xi32, #tpu.memory_space<smem>>) -> (i32, i32, i32) {
    %get3A = arith.index_cast %arg0 : i32 to index
    %get3A_0 = memref.load %arg1[%get3A] : memref<24xi32, #tpu.memory_space<smem>>
    %c0_i32 = arith.constant 0 : i32
    %c0_i32_1 = arith.constant 0 : i32
    %c0_i32_2 = arith.constant 0 : i32
    return %get3A_0, %c0_i32, %c0_i32_1 : i32, i32, i32
  }
  func.func @transform_6(%arg0: i32, %arg1: memref<24xi32, #tpu.memory_space<smem>>, %arg2: memref<1xi32, #tpu.memory_space<smem>>) -> (i32, i32, i32) {
    %get3A = arith.index_cast %arg0 : i32 to index
    %get3A_0 = memref.load %arg1[%get3A] : memref<24xi32, #tpu.memory_space<smem>>
    %c0_i32 = arith.constant 0 : i32
    %c0_i32_1 = arith.constant 0 : i32
    %c0_i32_2 = arith.constant 0 : i32
    return %get3A_0, %c0_i32, %c0_i32_1 : i32, i32, i32
  }
  func.func @transform_7(%arg0: i32, %arg1: memref<24xi32, #tpu.memory_space<smem>>, %arg2: memref<1xi32, #tpu.memory_space<smem>>) -> (i32, i32) {
    %c0_i32 = arith.constant 0 : i32
    %c0_i32_0 = arith.constant 0 : i32
    return %arg0, %c0_i32 : i32, i32
  }
  func.func @transform_8(%arg0: i32, %arg1: memref<24xi32, #tpu.memory_space<smem>>, %arg2: memref<1xi32, #tpu.memory_space<smem>>) -> (i32, i32) {
    %c0_i32 = arith.constant 0 : i32
    %c0_i32_0 = arith.constant 0 : i32
    return %arg0, %c0_i32 : i32, i32
  }
}

</mosaic_0001>

<sc_bundles>
// kernel: kernel.6.cloned.1.call-start
scs
__scs_entry_jumppad:
0x0: {  	(pc) =	sbr.rel $0x88, $3  }
0x1: {  	(tag) =	ssettag $0x0;
	lr =	simm.s32 $0x1  }
0x2: {  	[smem:$0x3F98] =	sst lr;
	_ =	strace $0xD0000000  }
0x3: {  	_ = 	snop  }
0x4: {  	_ = 	snop  }
0x5: {  	_ = 	snop  }
0x6: {  	_ = 	snop  }
0x7: {  	_ = 	snop  }
__scs_overlays_trampoline_lowered:
0x8: {  	[smem:$0x3FA7] =	sst s0  }
0x9: {  	[smem:$0x3FA8] =	sst s1  }
0xa: {  	[smem:$0x3FA9] =	sst s2  }
0xb: {  	[smem:$0x3FAA] =	sst s3  }
0xc: {  	[smem:$0x3FAB] =	sst s4  }
0xd: {  	[smem:$0x3FAC] =	sst s5  }
0xe: {  	[smem:$0x3FAD] =	sst s6  }
0xf: {  	[smem:$0x3FAE] =	sst s7  }
0x10: {  	[smem:$0x3FAF] =	sst s8  }
0x11: {  	[smem:$0x3FB0] =	sst s9;
	s0 =	simm.s32 @!p0 $0x0  }
0x12: {  	s1 =	sld [smem:$0x3F96];
	s0 =	simm.s32 @p0 $0x1  }
0x13: {  	[smem:$0x3FB1] =	sst s0;
	s0 =	simm.s32 @!p1 $0x0  }
0x14: {  	s2 =	sld [smem:$0x3F95];
	s0 =	simm.s32 @p1 $0x1  }
0x15: {  	[smem:$0x3FB2] =	sst s0;
	s0 =	simm.s32 @!p2 $0x0  }
0x16: {  	s3 =	sld [smem:$0x3FDB];
	s0 =	simm.s32 @p2 $0x1  }
0x17: {  	s4 =	simm.s32 $0x1BF5;
	[smem:$0x3FB4] =	sst s0  }
0x18: {  	s0 =	sld [smem:$0x3F97];
	_ =	swait.ge [sflag:s4], $0x0  }
0x19: {  	s7 =	sld [smem:$0x3F98]  }
0x1a: {  	s8 =	sadd.s32 $0xFFFFE003, lr  }
0x1b: {  	s9 =	sadd.s32 $0xFFFFFEF7, lr;
	s5 =	simm.s32 $0xFFFFFFFF;
	p2 =	slt.u32 s8, $0xFFFFF086  }
0x1c: {  	p1 =	slt.u32 s9, $0xF7A;
	s5 =	simm.s32 @!p2 $0x0  }
0x1d: {  	s5 =	simm.s32 @p1 $0x1;
	p0 =	seq.s32 s7, s2  }
0x1e: {  	s7 =	smul.u32 @!p0 $0xF7A, s2;
	p2 =	seq.s32 @!p0 s5, $0x0  }
0x1f: {  	s9 =	smul.u32 $0xF7A, s1;
	s8 =	simm.s32 @!p0 $0x1BF5;
	p2 =	por !p2, p0  }
0x20: {  	[sflag:s8] =	ssyncset.s32 @!p0 $0xFFFFF086;
	s6 =	sadd.s32 @!p0 s3, s7;
	s7 =	simm.s32 @!p0 $0x108  }
0x21: {  	s3 =	sadd.s32 s3, s9;
	s6 =	sadd.s32 @!p0 $0x88, s6;
	s7 =	simm.s32 @p2 $0x1082  }
0x22: {  	[simem:s7], [sflag:s8] =	dma.local @!p0 [hbm:s6], $0xF7A  }
0x23: {  	s9 =	sor.u32 $0xD0000000, s2;
	s6 =	simm.s32 $0x108;
	_ =	swait.ge @!p0 [sflag:s8], $0x0  }
0x24: {  	s3 =	sadd.s32 $0x88, s3;
	s6 =	simm.s32 @!p1 $0x1082;
	[sflag:s4] =	ssyncset.s32 $0xFFFFF086  }
0x25: {  	[simem:s6], [sflag:s4] =	dma.local [hbm:s3], $0xF7A  }
0x26: {  	[smem:$0x3F98] =	sst s1;
	(tag) =	ssettag s2;
	_ =	strace s9  }
0x27: {  	s1 =	sld [smem:$0x3FA8]  }
0x28: {  	s2 =	sld [smem:$0x3FA9]  }
0x29: {  	s4 =	sld [smem:$0x3FAB]  }
0x2a: {  	p0 =	seq.s32 s5, $0x0;
	s5 =	sld [smem:$0x3FAC]  }
0x2b: {  	s6 =	sld [smem:$0x3FAD]  }
0x2c: {  	s7 =	sld [smem:$0x3FAE]  }
0x2d: {  	s3 =	simm.s32 $0x108;
	s8 =	sld [smem:$0x3FAF]  }
0x2e: {  	s3 =	simm.s32 @!p0 $0x1082;
	s9 =	sld [smem:$0x3FB0]  }
0x2f: {  	lr =	sadd.s32 s0, s3;
	s0 =	sld [smem:$0x3FA7]  }
0x30: {  	s3 =	sld [smem:$0x3FAA]  }
0x31: {  	[smem:$0x3FB3] =	sst s10  }
0x32: {  	s10 =	sld [smem:$0x3FB1];
	_ =	sdelay $0x3  }
0x33: {  	p0 =	seq.s32 s10, $0x1;
	s10 =	sld [smem:$0x3FB3];
	_ =	sdelay $0x3  }
0x34: {  	[smem:$0x3FB3] =	sst s10  }
0x35: {  	s10 =	sld [smem:$0x3FB2];
	_ =	sdelay $0x3  }
0x36: {  	p1 =	seq.s32 s10, $0x1;
	s10 =	sld [smem:$0x3FB3];
	_ =	sdelay $0x3  }
0x37: {  	[smem:$0x3FB3] =	sst s10  }
0x38: {  	s10 =	sld [smem:$0x3FB4]  }
0x39: {  	_ = 	snop;
	(pc) =	sbr.ind lr, $3  }
0x3a: {  	_ = 	snop  }
0x3b: {  	_ = 	snop  }
0x3c: {  	p2 =	seq.s32 s10, $0x1;
	s10 =	sld [smem:$0x3FB3]  }
0x3d: {  	_ =	shalt  }
0x3e: {  	_ =	shalt  }
0x3f: {  	_ =	shalt  }
0x40: {  	_ =	shalt  }
0x41: {  	_ =	shalt  }
0x42: {  	_ =	shalt  }
0x43: {  	_ =	shalt  }
0x44: {  	_ =	shalt  }
0x45: {  	_ =	shalt  }
0x46: {  	_ =	shalt  }
0x47: {  	_ =	shalt  }
0x48: {  	_ =	shalt  }
0x49: {  	_ =	shalt  }
0x4a: {  	_ =	shalt  }
0x4b: {  	_ =	shalt  }
0x4c: {  	_ =	shalt  }
0x4d: {  	_ =	shalt  }
0x4e: {  	_ =	shalt  }
0x4f: {  	_ =	shalt  }
0x50: {  	_ =	shalt  }
0x51: {  	_ =	shalt  }
0x52: {  	_ =	shalt  }
0x53: {  	_ =	shalt  }
0x54: {  	_ =	shalt  }
0x55: {  	_ =	shalt  }
0x56: {  	_ =	shalt  }
0x57: {  	_ =	shalt  }
0x58: {  	_ =	shalt  }
0x59: {  	_ =	shalt  }
0x5a: {  	_ =	shalt  }
0x5b: {  	_ =	shalt  }
0x5c: {  	_ =	shalt  }
0x5d: {  	_ =	shalt  }
0x5e: {  	_ =	shalt  }
0x5f: {  	_ =	shalt  }
0x60: {  	_ =	shalt  }
0x61: {  	_ =	shalt  }
0x62: {  	_ =	shalt  }
0x63: {  	_ =	shalt  }
0x64: {  	_ =	shalt  }
0x65: {  	_ =	shalt  }
0x66: {  	_ =	shalt  }
0x67: {  	_ =	shalt  }
0x68: {  	_ =	shalt  }
0x69: {  	_ =	shalt  }
0x6a: {  	_ =	shalt  }
0x6b: {  	_ =	shalt  }
0x6c: {  	_ =	shalt  }
0x6d: {  	_ =	shalt  }
0x6e: {  	_ =	shalt  }
0x6f: {  	_ =	shalt  }
0x70: {  	_ =	shalt  }
0x71: {  	_ =	shalt  }
0x72: {  	_ =	shalt  }
0x73: {  	_ =	shalt  }
0x74: {  	_ =	shalt  }
0x75: {  	_ =	shalt  }
0x76: {  	_ =	shalt  }
0x77: {  	_ =	shalt  }
0x78: {  	_ =	shalt  }
0x79: {  	_ =	shalt  }
0x7a: {  	_ =	shalt  }
0x7b: {  	_ =	shalt  }
0x7c: {  	_ =	shalt  }
0x7d: {  	_ =	shalt  }
0x7e: {  	_ =	shalt  }
0x7f: {  	_ =	shalt  }
0x80: {  	_ =	shalt  }
0x81: {  	_ =	shalt  }
0x82: {  	_ =	shalt  }
0x83: {  	_ =	shalt  }
0x84: {  	_ =	shalt  }
0x85: {  	_ =	shalt  }
0x86: {  	_ =	shalt  }
0x87: {  	_ =	shalt  }
.Lfunc_end0:
.L_simem_size_0:
called_computation_lowered:
.L_overlay_start_0:
0x88: {  	s2 =	sld [smem:$0x3FD9]  }
0x89: {  	s3 =	sld [smem:$0x3FFE];
	_ =	sdelay $0x1  }
0x8a: {  	s1 =	srdreg.scid  }
0x8b: {  	s0 =	sand.u32 $0x1, s1  }
0x8c: {  	s17 =	sshll.u32 s0, $0xA;
	s2 =	sadd.s32 s3, s2  }
0x8d: {  	s2 =	sadd.s32 s2, s17  }
0x8e: {  	[smem:$0x3FBF] =	sst s2  }
0x8f: {  	_ = 	snop  }
0x90: {  	s2 =	sld [smem:$0x3FC9]  }
0x91: {  	s18 =	sld [smem:$0x3FD0];
	(tm) =	ssettm $0x1  }
0x92: {  	s4 =	sld [smem:$0x3FFB];
	_ =	sdelay $0x3  }
0x93: {  	_ =	strace s4  }
0x94: {  	s4 =	sld [smem:$0x3FFC];
	_ =	sdelay $0x3  }
0x95: {  	_ =	strace s4  }
0x96: {  	s4 =	sld [smem:$0x3FFD];
	_ =	sdelay $0x3  }
0x97: {  	_ =	strace s4  }
0x98: {  	_ =	strace $0x8FFFFFFF  }
0x99: {  	s19 =	sld [smem:$0x3FDB];
	_ =	sdelay $0x1  }
0x9a: {  	s5 =	simm.s32 $_scs_section_size  }
0x9b: {  	s6 =	simm.s32 $_size__tile_overlayer_lowered;
	s7 =	simm.s32 $_tile_overlayer_lowered  }
0x9c: {  	s22 =	simm.s32 $0x1BFF;
	s21 =	sshll.u32 s7, $0x1;
	s4 =	sadd.s32 s5, s19  }
0x9d: {  	s8 =	simm.s32 $0x0;
	s20 =	sshll.u32 s6, $0x1;
	s6 =	sadd.s32 s21, s4  }
0x9e: {  	[timem:s8], [sflag:s22] =	dma.local [hbm:s6], s20  }
0x9f: {  	_ =	swait.ge [sflag:s22], s20  }
0xa0: {  	s5 =	ssub.s32 $0x0, s20;
	[sflag:s22] =	ssyncset.done $0x0  }
0xa1: {  	[sflag:s22] =	ssyncadd.s32 s5;
	_ =	sdelay $0x1  }
0xa2: {  	s23 =	simm.s32 $0x1B8B  }
0xa3: {  	_ =	swait.ge [sflag:s23], $0x1  }
0xa4: {  	[sflag:s23] =	ssyncset.done $0x0  }
0xa5: {  	s25 =	simm.s32 $0x1B8E;
	s24 =	sld [smem:$0x3FFE];
	[sflag:s23] =	ssyncadd.s32 $0xFFFFFFFF  }
0xa6: {  	s26 =	simm.s32 $execute0_lowered;
	[smem:$0x3FD2] =	sst s25  }
0xa7: {  	s6 =	sshll.u32 s26, $0x1;
	_ =	strace $0x80000046;
	[dreg:$0x1] =	wrdreg $0xFFFFFFFF  }
0xa8: {  	s28 =	simm.s32 $_size_execute0_lowered;
	s4 =	sadd.s32 s4, s6;
	[dreg:$0x0] =	wrdreg $0x0  }
0xa9: {  	s6 =	sshll.u32 s28, $0x1;
	[dreg:$0x2] =	wrdreg s4  }
0xaa: {  	[dreg:$0x3] =	wrdreg s6  }
0xab: {  	[dreg:$0x4] =	wrdreg $0xC0  }
0xac: {  	_ =	task [dreg:s8], $0x5FFFF  }
0xad: {  	[dreg:$0x1] =	wrdreg $0xFFFFFFFF  }
0xae: {  	[dreg:$0x0] =	wrdreg $0x60  }
0xaf: {  	[dreg:$0x2] =	wrdreg s2  }
0xb0: {  	[dreg:$0x3] =	wrdreg s24  }
0xb1: {  	[dreg:$0x4] =	wrdreg s18  }
0xb2: {  	[dreg:$0x5] =	wrdreg $0x9  }
0xb3: {  	_ =	task.clear_ibuf [dreg:s8], $0x6FFFF;
	_ =	strace $0x90000046  }
0xb4: {  	s29 =	simm.s32 $0x9;
	_ =	strace $0x80000048  }
0xb5: {  	_ =	swait.ge [sflag:s29], $0x1  }
0xb6: {  	[sflag:s29] =	ssyncadd.s32 $0xFFFFFFFF  }
0xb7: {  	_ =	strace $0x90000048  }
0xb8: {  	_ =	sfence  }
0xb9: {  	s30 =	sld [smem:$0x0];
	_ =	sdelay $0x2  }
0xba: {  	s31 =	sshll.u32 s1, $0xD;
	s1 =	sshrl.u32 s1, $0x2  }
0xbb: {  	s3 =	sand.u32 $0x4000, s31;
	s1 =	sadd.s32 s1, s30  }
0xbc: {  	s0 =	sor.u32 s3, s0;
	s1 =	sshll.u32 s1, $0x11  }
0xbd: {  	s0 =	sor.u32 s1, s0  }
0xbe: {  	s0 =	sadd.s32 $0x8F2B, s0  }
0xbf: {  	[sflag:s0] =	ssyncadd.remote.s32 $0x1  }
0xc0: {  	_ =	sfence.sel $0xFFFF  }
0xc1: {  	[dreg:$0x0] =	wrdreg $0xFFFFFFFF;
	(pc) =	sbr.abs _section_cstart, $3  }
0xc2: {  	[dreg:$0x1] =	wrdreg $0xFFFFFFFF  }
0xc3: {  	_ =	task.clear_ibuf [dreg:s8], $0x2FFFF;
	_ =	strace $0x9FFFFFFF  }
0xc4: {  	(tm) =	ssettm $0x7FFFFFFF  }
0xc5: {  	_ =	shalt  }
tec
execute0_lowered:
.L_overlay_start_1:
0x0: {  	(tag) =	ssettag $0x1  }
0x1: {  	s0 =	rddreg [dreg:$0x0]  }
0x2: {  	s12 =	rddreg [dreg:$0x1]  }
0x3: {  	s2 =	rddreg [dreg:$0x2]  }
0x4: {  	s4 =	srdreg.scid;
	s1 =	stileid.u32;
	s3 =	simm.s32 $0x0  }
0x5: {  	s18 =	simm.s32 $0x20;
	s11 =	sand.u32 $0x1, s4;
	s23 =	sshll.u32 s1, $0x1  }
0x6: {  	[smem:$0x7FF] =	sst s3;
	s7 =	sshll.u32 s1, $0x7;
	s14 =	sshll.u32 s1, $0xF  }
0x7: {  	s6 =	sor.u32 s11, s23;
	_ =	strace $0x80000047;
	s5 =	ssub.s32 $0x2, s11  }
0x8: {  	s8 =	sshll.u32 s11, $0x6;
	s30 =	sshll.u32 s11, $0xE;
	s11 =	sadd.s32 $0x21200, s12  }
0x9: {  	s4 =	sshll.u32 s6, $0xB;
	s10 =	sshrl.u32 s5, $0x1;
	s7 =	sor.u32 s8, s7  }
0xa: {  	s25 =	sshll.u32 s6, $0xE;
	s9 =	sadd.s32 s4, s12;
	s24 =	sadd.s32 s12, s7  }
0xb: {  	s4 =	sadd.s32 $0x21000, s12;
	s29 =	sadd.s32 s0, s25;
	[dreg:$0x4] =	wrdreg s24  }
0xc: {  	s13 =	ssub.s32 s5, s10;
	s5 =	sadd.s32 $0x800, s24;
	[dreg:$0x8] =	wrdreg s29  }
.Ltmp0:
0xd: {  	s26 =	sadd.s32 $0x1000, s9;
	[dreg:$0x5] =	wrdreg s5;
	(pc) =	sbr.rel .LBB2_1-.Ltmp0, $4  }
0xe: {  	s0 =	sadd.s32 s14, s0;
	s28 =	sadd.s32 $0x11000, s9;
	[dreg:$0x6] =	wrdreg s26  }
0xf: {  	v2 =	vlaneseq.u32;
	s0 =	sadd.s32 s30, s0;
	s31 =	smax.u32 s13, $0x1;
	[dreg:$0x7] =	wrdreg s28  }
0x10: {  	vm0 =	vmmov $0xffff;
	v1 =	vshrl.u32 v2, $0x3;
	s10 =	sadd.s32 $0x21100, s12;
	[dreg:$0x9] =	wrdreg s31;
	s0 =	sadd.s32 $0x1000, s0  }
0x11: {  	v0 =	vand.u32 $0x7, v2;
	v2 =	vor.u32 $0x8, v2;
	v1 =	vmul.u32 $0x8, v1;
	s12 =	sadd.s32 $0x21300, s12;
	s5 =	simm.s32 $0x0;
	[dreg:$0xa] =	wrdreg s0  }
.LBB2_7:
0x12: {  	s0 =	simm.s32 $0x3  }
0x13: {  	_ =	swait.ge [sflag:s0], $0x8000  }
0x14: {  	[sflag:s0] =	ssyncset.done $0x0  }
0x15: {  	s28 =	simm.s32 $0x5;
	[sflag:s0] =	ssyncadd.s32 $0xFFFF8000  }
0x16: {  	_ =	swait.ge [sflag:s28], $0x8000  }
0x17: {  	[sflag:s28] =	ssyncset.done $0x0  }
0x18: {  	s29 =	simm.s32 $0x4;
	[sflag:s28] =	ssyncadd.s32 $0xFFFF8000  }
0x19: {  	_ =	swait.ge [sflag:s29], $0x8000  }
0x1a: {  	[sflag:s29] =	ssyncset.done $0x0  }
0x1b: {  	s30 =	simm.s32 $0x6;
	[sflag:s29] =	ssyncadd.s32 $0xFFFF8000  }
0x1c: {  	_ =	swait.ge [sflag:s30], $0x8000  }
0x1d: {  	[sflag:s30] =	ssyncset.done $0x0  }
0x1e: {  	s1 =	simm.s32 $0x7;
	[sflag:s30] =	ssyncadd.s32 $0xFFFF8000  }
0x1f: {  	_ =	swait.ge [sflag:s1], $0x1000  }
0x20: {  	[sflag:s1] =	ssyncset.done $0x0  }
0x21: {  	[sflag:s1] =	ssyncadd.s32 $0xFFFFF000  }
0x22: {  	_ =	swait.ge [sflag:s1], $0x1000  }
0x23: {  	[sflag:s1] =	ssyncset.done $0x0  }
0x24: {  	[sflag:s1] =	ssyncadd.s32 $0xFFFFF000  }
0x25: {  	_ =	swait.ge [sflag:s1], $0x1000  }
0x26: {  	[sflag:s1] =	ssyncset.done $0x0  }
0x27: {  	[sflag:s1] =	ssyncadd.s32 $0xFFFFF000  }
0x28: {  	_ =	swait.ge [sflag:s1], $0x1000  }
0x29: {  	[sflag:s1] =	ssyncset.done $0x0  }
0x2a: {  	[sflag:s1] =	ssyncadd.s32 $0xFFFFF000  }
0x2b: {  	_ =	swait.ge [sflag:s1], $0x1000  }
0x2c: {  	[sflag:s1] =	ssyncset.done $0x0  }
0x2d: {  	[sflag:s1] =	ssyncadd.s32 $0xFFFFF000  }
0x2e: {  	_ =	swait.ge [sflag:s1], $0x1000  }
0x2f: {  	[sflag:s1] =	ssyncset.done $0x0  }
0x30: {  	[sflag:s1] =	ssyncadd.s32 $0xFFFFF000  }
0x31: {  	_ =	swait.ge [sflag:s1], $0x1000  }
0x32: {  	[sflag:s1] =	ssyncset.done $0x0  }
0x33: {  	[sflag:s1] =	ssyncadd.s32 $0xFFFFF000  }
0x34: {  	_ =	swait.ge [sflag:s1], $0x1000  }
0x35: {  	s5 =	rddreg [dreg:$0xb]  }
0x36: {  	s31 =	rddreg [dreg:$0x9];
	s5 =	sadd.s32 $0x1, s5  }
0x37: {  	p0 =	sne.s32 s5, s31  }
.Ltmp1:
0x38: {  	_ = 	snop;
	(pc) =	sbr.rel @!p0 .LBB2_8-.Ltmp1, $3  }
0x39: {  	_ =	sdelay $0x1  }
0x3a: {  	[sflag:s1] =	ssyncset.done $0x0  }
0x3b: {  	[sflag:s1] =	ssyncadd.s32 $0xFFFFF000  }
.LBB2_1:
0x3c: {  	[dreg:$0xb] =	wrdreg s5  }
0x3d: {  	s0 =	rddreg [dreg:$0x4];
	s1 =	simm.s32 $0x8  }
0x3e: {  	[tilespmem:s3], [sflag:$0x8] =	stream.linear.gather [hbm4b:s0+s3], $0x200, $0x38;
	[tilespmem:$0x18400] =	vst v63  }
0x3f: {  	_ =	swait.ge [sflag:s1], $0x200  }
0x40: {  	[sflag:s1] =	ssyncset.done $0x0  }
0x41: {  	s21 =	simm.s32 $0x200;
	s20 =	rddreg [dreg:$0x5];
	[sflag:s1] =	ssyncadd.s32 $0xFFFFFE00  }
0x42: {  	[tilespmem:s21], [sflag:$0x8] =	stream.linear.gather [hbm4b:s20+s3], $0x200, $0x38;
	[tilespmem:$0x18400] =	vst v63  }
0x43: {  	_ =	swait.ge [sflag:s1], $0x200  }
0x44: {  	[sflag:s1] =	ssyncset.done $0x0  }
0x45: {  	s25 =	simm.s32 $0x400;
	s22 =	rddreg [dreg:$0x6];
	[sflag:s1] =	ssyncadd.s32 $0xFFFFFE00  }
0x46: {  	[tilespmem:s25], [sflag:$0x8] =	stream.linear.gather [hbm4b:s22+s3], $0x4000, $0x38;
	[tilespmem:$0x18400] =	vst v63  }
0x47: {  	_ =	swait.ge [sflag:s1], $0x4000  }
0x48: {  	[sflag:s1] =	ssyncset.done $0x0  }
0x49: {  	s26 =	simm.s32 $0x4400;
	s23 =	rddreg [dreg:$0x7];
	[sflag:s1] =	ssyncadd.s32 $0xFFFFC000  }
0x4a: {  	[tilespmem:s26], [sflag:$0x8] =	stream.linear.gather [hbm4b:s23+s3], $0x4000, $0x38;
	[tilespmem:$0x18400] =	vst v63  }
.Ltmp2:
0x4b: {  	_ = 	snop;
	(pc) =	sbr.rel .LBB2_2-.Ltmp2, $4  }
0x4c: {  	s31 =	simm.s32 $0x8400;
	_ =	swait.ge [sflag:s1], $0x4000  }
0x4d: {  	s29 =	simm.s32 $0x0;
	[sflag:s1] =	ssyncset.done $0x0;
	s24 =	rddreg [dreg:$0x8]  }
0x4e: {  	s30 =	simm.s32 $0x0;
	s28 =	rddreg [dreg:$0xa];
	[sflag:s1] =	ssyncadd.s32 $0xFFFFC000  }
0x4f: {  	[tilespmem:s31], [sflag:$0x1] =	stream.linear.gather [hbm4b:s24+s3], $0x8000, $0x38;
	[tilespmem:$0x18400] =	vst v63  }
.LBB2_5:
0x50: {  	s1 =	sshll.u32 s31, $0xF  }
0x51: {  	s24 =	sadd.s32 $0x1, s31;
	s1 =	sadd.s32 $0x8400, s1  }
0x52: {  	[tilespmem:s1], [sflag:s24] =	stream.linear.gather [hbm4b:s28+s3], $0x8000, $0x38;
	[tilespmem:$0x18400] =	vst v63  }
.LBB2_6:
0x53: {  	s1 =	sadd.s32 $0x1, s0  }
0x54: {  	_ =	swait.ge [sflag:s1], $0x8000  }
0x55: {  	[sflag:s1] =	ssyncset.done $0x0  }
0x56: {  	s31 =	sshra.s32 s29, $0x2;
	[sflag:s1] =	ssyncadd.s32 $0xFFFF8000  }
0x57: {  	v3 =	vld [tilespmem:s31+$0x0];
	_ =	sdelay $0x4  }
0x58: {  	v4 =	vshll.u32 v3, $0x3  }
0x59: {  	v3 =	vand.u32 $0x7, v3;
	v4 =	vand.u32 $0xFFFFFFC0, v4  }
0x5a: {  	v3 =	vor.u32 v3, v4  }
0x5b: {  	v4 =	vperm.xlane v3, v0;
	_ =	sdelay $0x1  }
0x5c: {  	v4 =	vadd.s32 v1, v4;
	_ =	sdelay $0x2  }
0x5d: {  	s1 =	sshll.u32 s0, $0xF  }
0x5e: {  	s17 =	sadd.s32 $0x3, s0;
	s16 =	sadd.s32 $0x8400, s1  }
0x5f: {  	[hbm4b:s4+s3] =	stream.indirect_vreg.scatter [tilespmem:s16], [sflag:s17], $0x80, v4, vm0, $0xb8;
	[tilespmem:$0x18400] =	vst v63  }
0x60: {  	s6 =	sadd.s32 $0x8C00, s1;
	v3 =	vperm.xlane v3, v2  }
0x61: {  	[hbm4b:s10+s3] =	stream.indirect_vreg.scatter [tilespmem:s6], [sflag:s17], $0x80, v4, vm0, $0xb8;
	[tilespmem:$0x18400] =	vst v63  }
0x62: {  	s7 =	sadd.s32 $0x9400, s1;
	v3 =	vadd.s32 v1, v3  }
0x63: {  	[hbm4b:s11+s3] =	stream.indirect_vreg.scatter [tilespmem:s7], [sflag:s17], $0x80, v4, vm0, $0xb8;
	[tilespmem:$0x18400] =	vst v63  }
0x64: {  	s8 =	sadd.s32 $0x9C00, s1  }
0x65: {  	[hbm4b:s12+s3] =	stream.indirect_vreg.scatter [tilespmem:s8], [sflag:s17], $0x80, v4, vm0, $0xb8;
	[tilespmem:$0x18400] =	vst v63  }
0x66: {  	s9 =	sadd.s32 $0xA400, s1  }
0x67: {  	[hbm4b:s4+s3] =	stream.indirect_vreg.scatter [tilespmem:s9], [sflag:s17], $0x80, v3, vm0, $0xb8;
	[tilespmem:$0x18400] =	vst v63  }
0x68: {  	s5 =	sadd.s32 $0xAC00, s1  }
0x69: {  	[hbm4b:s10+s3] =	stream.indirect_vreg.scatter [tilespmem:s5], [sflag:s17], $0x80, v3, vm0, $0xb8;
	[tilespmem:$0x18400] =	vst v63  }
0x6a: {  	s13 =	sadd.s32 $0xB400, s1  }
0x6b: {  	[hbm4b:s11+s3] =	stream.indirect_vreg.scatter [tilespmem:s13], [sflag:s17], $0x80, v3, vm0, $0xb8;
	[tilespmem:$0x18400] =	vst v63  }
0x6c: {  	s14 =	sadd.s32 $0xBC00, s1  }
0x6d: {  	[hbm4b:s12+s3] =	stream.indirect_vreg.scatter [tilespmem:s14], [sflag:s17], $0x80, v3, vm0, $0xb8;
	[tilespmem:$0x18400] =	vst v63  }
0x6e: {  	v3 =	vld [tilespmem:s31+$0x10];
	_ =	sdelay $0x4  }
0x6f: {  	v61 =	vshll.u32 v3, $0x3  }
0x70: {  	v3 =	vand.u32 $0x7, v3;
	v4 =	vand.u32 $0xFFFFFFC0, v61  }
0x71: {  	v3 =	vor.u32 v3, v4  }
0x72: {  	v4 =	vperm.xlane v3, v0;
	_ =	sdelay $0x1  }
0x73: {  	v4 =	vadd.s32 v1, v4;
	_ =	sdelay $0x3  }
0x74: {  	s19 =	sadd.s32 $0xC400, s1  }
0x75: {  	[hbm4b:s4+s3] =	stream.indirect_vreg.scatter [tilespmem:s19], [sflag:s17], $0x80, v4, vm0, $0xb8;
	[tilespmem:$0x18400] =	vst v63  }
0x76: {  	s20 =	sadd.s32 $0xCC00, s1;
	v3 =	vperm.xlane v3, v2  }
0x77: {  	[hbm4b:s10+s3] =	stream.indirect_vreg.scatter [tilespmem:s20], [sflag:s17], $0x80, v4, vm0, $0xb8;
	[tilespmem:$0x18400] =	vst v63  }
0x78: {  	s21 =	sadd.s32 $0xD400, s1;
	v3 =	vadd.s32 v1, v3  }
0x79: {  	[hbm4b:s11+s3] =	stream.indirect_vreg.scatter [tilespmem:s21], [sflag:s17], $0x80, v4, vm0, $0xb8;
	[tilespmem:$0x18400] =	vst v63  }
0x7a: {  	s22 =	sadd.s32 $0xDC00, s1  }
0x7b: {  	[hbm4b:s12+s3] =	stream.indirect_vreg.scatter [tilespmem:s22], [sflag:s17], $0x80, v4, vm0, $0xb8;
	[tilespmem:$0x18400] =	vst v63  }
0x7c: {  	s15 =	sadd.s32 $0xE400, s1  }
0x7d: {  	[hbm4b:s4+s3] =	stream.indirect_vreg.scatter [tilespmem:s15], [sflag:s17], $0x80, v3, vm0, $0xb8;
	[tilespmem:$0x18400] =	vst v63  }
0x7e: {  	s24 =	sadd.s32 $0xEC00, s1  }
0x7f: {  	[hbm4b:s10+s3] =	stream.indirect_vreg.scatter [tilespmem:s24], [sflag:s17], $0x80, v3, vm0, $0xb8;
	[tilespmem:$0x18400] =	vst v63  }
0x80: {  	s23 =	sadd.s32 $0xF400, s1  }
0x81: {  	[hbm4b:s11+s3] =	stream.indirect_vreg.scatter [tilespmem:s23], [sflag:s17], $0x80, v3, vm0, $0xb8;
	[tilespmem:$0x18400] =	vst v63  }
0x82: {  	s1 =	sadd.s32 $0xFC00, s1  }
0x83: {  	[hbm4b:s12+s3] =	stream.indirect_vreg.scatter [tilespmem:s1], [sflag:s17], $0x80, v3, vm0, $0xb8;
	[tilespmem:$0x18400] =	vst v63  }
0x84: {  	v3 =	vld [tilespmem:s31+$0x200];
	_ =	sdelay $0x4  }
0x85: {  	v62 =	vshll.u32 v3, $0x3  }
0x86: {  	v3 =	vand.u32 $0x7, v3;
	v4 =	vand.u32 $0xFFFFFFC0, v62  }
0x87: {  	v3 =	vor.u32 v3, v4  }
0x88: {  	v4 =	vperm.xlane v3, v0;
	_ =	sdelay $0x1  }
0x89: {  	v4 =	vadd.s32 v1, v4;
	_ =	sdelay $0x3  }
0x8a: {  	s17 =	sadd.s32 $0x5, s0  }
0x8b: {  	[hbm4b:s4+s3] =	stream.indirect_vreg.scatter [tilespmem:s16], [sflag:s17], $0x80, v4, vm0, $0xb8;
	[tilespmem:$0x18400] =	vst v63  }
0x8c: {  	v3 =	vperm.xlane v3, v2  }
0x8d: {  	[hbm4b:s10+s3] =	stream.indirect_vreg.scatter [tilespmem:s6], [sflag:s17], $0x80, v4, vm0, $0xb8;
	[tilespmem:$0x18400] =	vst v63  }
0x8e: {  	v3 =	vadd.s32 v1, v3  }
0x8f: {  	[hbm4b:s11+s3] =	stream.indirect_vreg.scatter [tilespmem:s7], [sflag:s17], $0x80, v4, vm0, $0xb8;
	[tilespmem:$0x18400] =	vst v63  }
0x90: {  	_ = 	snop  }
0x91: {  	[hbm4b:s12+s3] =	stream.indirect_vreg.scatter [tilespmem:s8], [sflag:s17], $0x80, v4, vm0, $0xb8;
	[tilespmem:$0x18400] =	vst v63  }
0x92: {  	_ = 	snop  }
0x93: {  	[hbm4b:s4+s3] =	stream.indirect_vreg.scatter [tilespmem:s9], [sflag:s17], $0x80, v3, vm0, $0xb8;
	[tilespmem:$0x18400] =	vst v63  }
0x94: {  	_ = 	snop  }
0x95: {  	[hbm4b:s10+s3] =	stream.indirect_vreg.scatter [tilespmem:s5], [sflag:s17], $0x80, v3, vm0, $0xb8;
	[tilespmem:$0x18400] =	vst v63  }
0x96: {  	_ = 	snop  }
0x97: {  	[hbm4b:s11+s3] =	stream.indirect_vreg.scatter [tilespmem:s13], [sflag:s17], $0x80, v3, vm0, $0xb8;
	[tilespmem:$0x18400] =	vst v63  }
0x98: {  	_ = 	snop  }
0x99: {  	[hbm4b:s12+s3] =	stream.indirect_vreg.scatter [tilespmem:s14], [sflag:s17], $0x80, v3, vm0, $0xb8;
	[tilespmem:$0x18400] =	vst v63  }
0x9a: {  	v3 =	vld [tilespmem:s31+$0x210];
	_ =	sdelay $0x4  }
0x9b: {  	v63 =	vshll.u32 v3, $0x3  }
0x9c: {  	v3 =	vand.u32 $0x7, v3;
	v4 =	vand.u32 $0xFFFFFFC0, v63  }
0x9d: {  	v3 =	vor.u32 v3, v4  }
0x9e: {  	v4 =	vperm.xlane v3, v0;
	_ =	sdelay $0x1  }
0x9f: {  	v4 =	vadd.s32 v1, v4;
	_ =	sdelay $0x4  }
0xa0: {  	[hbm4b:s4+s3] =	stream.indirect_vreg.scatter [tilespmem:s19], [sflag:s17], $0x80, v4, vm0, $0xb8;
	[tilespmem:$0x18400] =	vst v63  }
0xa1: {  	v3 =	vperm.xlane v3, v2  }
0xa2: {  	[hbm4b:s10+s3] =	stream.indirect_vreg.scatter [tilespmem:s20], [sflag:s17], $0x80, v4, vm0, $0xb8;
	[tilespmem:$0x18400] =	vst v63  }
0xa3: {  	v3 =	vadd.s32 v1, v3  }
0xa4: {  	[hbm4b:s11+s3] =	stream.indirect_vreg.scatter [tilespmem:s21], [sflag:s17], $0x80, v4, vm0, $0xb8;
	[tilespmem:$0x18400] =	vst v63  }
0xa5: {  	_ = 	snop  }
0xa6: {  	[hbm4b:s12+s3] =	stream.indirect_vreg.scatter [tilespmem:s22], [sflag:s17], $0x80, v4, vm0, $0xb8;
	[tilespmem:$0x18400] =	vst v63  }
0xa7: {  	_ = 	snop  }
0xa8: {  	[hbm4b:s4+s3] =	stream.indirect_vreg.scatter [tilespmem:s15], [sflag:s17], $0x80, v3, vm0, $0xb8;
	[tilespmem:$0x18400] =	vst v63  }
0xa9: {  	_ = 	snop  }
0xaa: {  	[hbm4b:s10+s3] =	stream.indirect_vreg.scatter [tilespmem:s24], [sflag:s17], $0x80, v3, vm0, $0xb8;
	[tilespmem:$0x18400] =	vst v63  }
0xab: {  	s29 =	sadd.s32 $0x200, s29  }
0xac: {  	[hbm4b:s11+s3] =	stream.indirect_vreg.scatter [tilespmem:s23], [sflag:s17], $0x80, v3, vm0, $0xb8;
	[tilespmem:$0x18400] =	vst v63  }
0xad: {  	p0 =	sne.s32 s29, $0x800  }
0xae: {  	[hbm4b:s12+s3] =	stream.indirect_vreg.scatter [tilespmem:s1], [sflag:s17], $0x80, v3, vm0, $0xb8;
	[tilespmem:$0x18400] =	vst v63  }
.Ltmp3:
0xaf: {  	_ = 	snop;
	(pc) =	sbr.rel @!p0 .LBB2_7-.Ltmp3, $4  }
0xb0: {  	[hbm4b:s2+s18] =	stream.indirect.scatter [tilespmem:s25], [sflag:$0x7], $0x80, s31, s18, $0xb8;
	[tilespmem:$0x18400] =	vst v63  }
0xb1: {  	s28 =	sadd.s32 $0x1000, s28;
	s31 =	sadd.s32 $0x200, s31  }
0xb2: {  	[hbm4b:s2+s18] =	stream.indirect.scatter [tilespmem:s26], [sflag:$0x7], $0x80, s31, s18, $0xb8;
	[tilespmem:$0x18400] =	vst v63  }
0xb3: {  	s30 =	sadd.s32 $0x1, s30;
	s25 =	sadd.s32 $0x1000, s25;
	s26 =	sadd.s32 $0x1000, s26  }
.LBB2_2:
0xb4: {  	p0 =	seq.s32 s30, $0x0  }
.Ltmp4:
0xb5: {  	_ = 	snop;
	(pc) =	sbr.rel @p0 .LBB2_5-.Ltmp4, $3  }
0xb6: {  	_ =	sdelay $0x1  }
0xb7: {  	s0 =	sand.u32 $0x1, s30  }
0xb8: {  	s31 =	sxor.u32 $0x1, s0  }
0xb9: {  	p0 =	seq.s32 s30, $0x3  }
.Ltmp5:
0xba: {  	_ = 	snop;
	(pc) =	sbr.rel @p0 .LBB2_6-.Ltmp5, $1  }
0xbb: {  	_ =	sdelay $0x3  }
0xbc: {  	s1 =	sadd.s32 $0x3, s31  }
0xbd: {  	_ =	swait.ge [sflag:s1], $0x8000  }
.Ltmp6:
0xbe: {  	[sflag:s1] =	ssyncset.done $0x0;
	(pc) =	sbr.rel .LBB2_5-.Ltmp6, $4  }
0xbf: {  	s24 =	sadd.s32 $0x5, s31;
	[sflag:s1] =	ssyncadd.s32 $0xFFFF8000  }
0xc0: {  	_ =	swait.ge [sflag:s24], $0x8000  }
0xc1: {  	[sflag:s24] =	ssyncset.done $0x0  }
0xc2: {  	[sflag:s24] =	ssyncadd.s32 $0xFFFF8000  }
.LBB2_8:
0xc3: {  	_ =	sfence.sel $0x180000  }
0xc4: {  	[bflag:$0x0] =	sbarrier.arrive $0xFFFF  }
0xc5: {  	_ =	strace $0x90000047  }
0xc6: {  	s0 =	stileid.u32;
	[bflag:$0x2] =	sbarrier.arrive $0xFFFF  }
0xc7: {  	p0 =	sne.s32 s0, $0x0;
	s0 =	rddreg [dreg:$0x3]  }
0xc8: {  	s0 =	sadd.s32 @!p0 $0x100000, s0  }
0xc9: {  	[sflag:s0] =	ssyncadd.tile.s32 @!p0 $0x1;
	_ =	shalt  }
.Lfunc_end2:
_tile_overlayer_lowered:
.L_overlay_start_2:
0xca: {  	(tag) =	ssettag $0x2  }
0xcb: {  	s0 =	rddreg [dreg:$0x0];
	s2 =	stileid.u32  }
0xcc: {  	s1 =	rddreg [dreg:$0x1];
	p0 =	sne.s32 s2, $0x0  }
0xcd: {  	s3 =	rddreg [dreg:$0x2];
	[bflag:$0x3] =	sbarrier.arrive $0xFFFF;
	s2 =	simm.s32 @!p0 $0x1C08  }
0xce: {  	[timem:s3], [sflag:s2] =	dma.local @!p0 [hbm:s0], s1  }
0xcf: {  	s0 =	simm.s32 @!p0 $0x8  }
0xd0: {  	_ =	swait.ge @!p0 [sflag:s0], s1  }
0xd1: {  	s1 =	ssub.s32 @!p0 $0x0, s1;
	[sflag:s0] =	ssyncset.done @!p0 $0x0  }
0xd2: {  	[sflag:s0] =	ssyncadd.s32 @!p0 s1  }
0xd3: {  	[bflag:$0x3] =	sbarrier.arrive $0xFFFF  }
0xd4: {  	_ =	shalt  }

// kernel: kernel.9.cloned.1.call-start
scs
__scs_entry_jumppad:
0x0: {  	(pc) =	sbr.rel $0x88, $3  }
0x1: {  	(tag) =	ssettag $0x0;
	lr =	simm.s32 $0x1  }
0x2: {  	[smem:$0x3F98] =	sst lr;
	_ =	strace $0xD0000000  }
0x3: {  	_ = 	snop  }
0x4: {  	_ = 	snop  }
0x5: {  	_ = 	snop  }
0x6: {  	_ = 	snop  }
0x7: {  	_ = 	snop  }
__scs_overlays_trampoline_lowered:
0x8: {  	[smem:$0x3FA7] =	sst s0  }
0x9: {  	[smem:$0x3FA8] =	sst s1  }
0xa: {  	[smem:$0x3FA9] =	sst s2  }
0xb: {  	[smem:$0x3FAA] =	sst s3  }
0xc: {  	[smem:$0x3FAB] =	sst s4  }
0xd: {  	[smem:$0x3FAC] =	sst s5  }
0xe: {  	[smem:$0x3FAD] =	sst s6  }
0xf: {  	[smem:$0x3FAE] =	sst s7  }
0x10: {  	[smem:$0x3FAF] =	sst s8  }
0x11: {  	[smem:$0x3FB0] =	sst s9;
	s0 =	simm.s32 @!p0 $0x0  }
0x12: {  	s1 =	sld [smem:$0x3F96];
	s0 =	simm.s32 @p0 $0x1  }
0x13: {  	[smem:$0x3FB1] =	sst s0;
	s0 =	simm.s32 @!p1 $0x0  }
0x14: {  	s2 =	sld [smem:$0x3F95];
	s0 =	simm.s32 @p1 $0x1  }
0x15: {  	[smem:$0x3FB2] =	sst s0;
	s0 =	simm.s32 @!p2 $0x0  }
0x16: {  	s3 =	sld [smem:$0x3FDB];
	s0 =	simm.s32 @p2 $0x1  }
0x17: {  	s4 =	simm.s32 $0x1BF5;
	[smem:$0x3FB4] =	sst s0  }
0x18: {  	s0 =	sld [smem:$0x3F97];
	_ =	swait.ge [sflag:s4], $0x0  }
0x19: {  	s7 =	sld [smem:$0x3F98]  }
0x1a: {  	s8 =	sadd.s32 $0xFFFFE003, lr  }
0x1b: {  	s9 =	sadd.s32 $0xFFFFFEF7, lr;
	s5 =	simm.s32 $0xFFFFFFFF;
	p2 =	slt.u32 s8, $0xFFFFF086  }
0x1c: {  	p1 =	slt.u32 s9, $0xF7A;
	s5 =	simm.s32 @!p2 $0x0  }
0x1d: {  	s5 =	simm.s32 @p1 $0x1;
	p0 =	seq.s32 s7, s2  }
0x1e: {  	s7 =	smul.u32 @!p0 $0xF7A, s2;
	p2 =	seq.s32 @!p0 s5, $0x0  }
0x1f: {  	s9 =	smul.u32 $0xF7A, s1;
	s8 =	simm.s32 @!p0 $0x1BF5;
	p2 =	por !p2, p0  }
0x20: {  	[sflag:s8] =	ssyncset.s32 @!p0 $0xFFFFF086;
	s6 =	sadd.s32 @!p0 s3, s7;
	s7 =	simm.s32 @!p0 $0x108  }
0x21: {  	s3 =	sadd.s32 s3, s9;
	s6 =	sadd.s32 @!p0 $0x88, s6;
	s7 =	simm.s32 @p2 $0x1082  }
0x22: {  	[simem:s7], [sflag:s8] =	dma.local @!p0 [hbm:s6], $0xF7A  }
0x23: {  	s9 =	sor.u32 $0xD0000000, s2;
	s6 =	simm.s32 $0x108;
	_ =	swait.ge @!p0 [sflag:s8], $0x0  }
0x24: {  	s3 =	sadd.s32 $0x88, s3;
	s6 =	simm.s32 @!p1 $0x1082;
	[sflag:s4] =	ssyncset.s32 $0xFFFFF086  }
0x25: {  	[simem:s6], [sflag:s4] =	dma.local [hbm:s3], $0xF7A  }
0x26: {  	[smem:$0x3F98] =	sst s1;
	(tag) =	ssettag s2;
	_ =	strace s9  }
0x27: {  	s1 =	sld [smem:$0x3FA8]  }
0x28: {  	s2 =	sld [smem:$0x3FA9]  }
0x29: {  	s4 =	sld [smem:$0x3FAB]  }
0x2a: {  	p0 =	seq.s32 s5, $0x0;
	s5 =	sld [smem:$0x3FAC]  }
0x2b: {  	s6 =	sld [smem:$0x3FAD]  }
0x2c: {  	s7 =	sld [smem:$0x3FAE]  }
0x2d: {  	s3 =	simm.s32 $0x108;
	s8 =	sld [smem:$0x3FAF]  }
0x2e: {  	s3 =	simm.s32 @!p0 $0x1082;
	s9 =	sld [smem:$0x3FB0]  }
0x2f: {  	lr =	sadd.s32 s0, s3;
	s0 =	sld [smem:$0x3FA7]  }
0x30: {  	s3 =	sld [smem:$0x3FAA]  }
0x31: {  	[smem:$0x3FB3] =	sst s10  }
0x32: {  	s10 =	sld [smem:$0x3FB1];
	_ =	sdelay $0x3  }
0x33: {  	p0 =	seq.s32 s10, $0x1;
	s10 =	sld [smem:$0x3FB3];
	_ =	sdelay $0x3  }
0x34: {  	[smem:$0x3FB3] =	sst s10  }
0x35: {  	s10 =	sld [smem:$0x3FB2];
	_ =	sdelay $0x3  }
0x36: {  	p1 =	seq.s32 s10, $0x1;
	s10 =	sld [smem:$0x3FB3];
	_ =	sdelay $0x3  }
0x37: {  	[smem:$0x3FB3] =	sst s10  }
0x38: {  	s10 =	sld [smem:$0x3FB4]  }
0x39: {  	_ = 	snop;
	(pc) =	sbr.ind lr, $3  }
0x3a: {  	_ = 	snop  }
0x3b: {  	_ = 	snop  }
0x3c: {  	p2 =	seq.s32 s10, $0x1;
	s10 =	sld [smem:$0x3FB3]  }
0x3d: {  	_ =	shalt  }
0x3e: {  	_ =	shalt  }
0x3f: {  	_ =	shalt  }
0x40: {  	_ =	shalt  }
0x41: {  	_ =	shalt  }
0x42: {  	_ =	shalt  }
0x43: {  	_ =	shalt  }
0x44: {  	_ =	shalt  }
0x45: {  	_ =	shalt  }
0x46: {  	_ =	shalt  }
0x47: {  	_ =	shalt  }
0x48: {  	_ =	shalt  }
0x49: {  	_ =	shalt  }
0x4a: {  	_ =	shalt  }
0x4b: {  	_ =	shalt  }
0x4c: {  	_ =	shalt  }
0x4d: {  	_ =	shalt  }
0x4e: {  	_ =	shalt  }
0x4f: {  	_ =	shalt  }
0x50: {  	_ =	shalt  }
0x51: {  	_ =	shalt  }
0x52: {  	_ =	shalt  }
0x53: {  	_ =	shalt  }
0x54: {  	_ =	shalt  }
0x55: {  	_ =	shalt  }
0x56: {  	_ =	shalt  }
0x57: {  	_ =	shalt  }
0x58: {  	_ =	shalt  }
0x59: {  	_ =	shalt  }
0x5a: {  	_ =	shalt  }
0x5b: {  	_ =	shalt  }
0x5c: {  	_ =	shalt  }
0x5d: {  	_ =	shalt  }
0x5e: {  	_ =	shalt  }
0x5f: {  	_ =	shalt  }
0x60: {  	_ =	shalt  }
0x61: {  	_ =	shalt  }
0x62: {  	_ =	shalt  }
0x63: {  	_ =	shalt  }
0x64: {  	_ =	shalt  }
0x65: {  	_ =	shalt  }
0x66: {  	_ =	shalt  }
0x67: {  	_ =	shalt  }
0x68: {  	_ =	shalt  }
0x69: {  	_ =	shalt  }
0x6a: {  	_ =	shalt  }
0x6b: {  	_ =	shalt  }
0x6c: {  	_ =	shalt  }
0x6d: {  	_ =	shalt  }
0x6e: {  	_ =	shalt  }
0x6f: {  	_ =	shalt  }
0x70: {  	_ =	shalt  }
0x71: {  	_ =	shalt  }
0x72: {  	_ =	shalt  }
0x73: {  	_ =	shalt  }
0x74: {  	_ =	shalt  }
0x75: {  	_ =	shalt  }
0x76: {  	_ =	shalt  }
0x77: {  	_ =	shalt  }
0x78: {  	_ =	shalt  }
0x79: {  	_ =	shalt  }
0x7a: {  	_ =	shalt  }
0x7b: {  	_ =	shalt  }
0x7c: {  	_ =	shalt  }
0x7d: {  	_ =	shalt  }
0x7e: {  	_ =	shalt  }
0x7f: {  	_ =	shalt  }
0x80: {  	_ =	shalt  }
0x81: {  	_ =	shalt  }
0x82: {  	_ =	shalt  }
0x83: {  	_ =	shalt  }
0x84: {  	_ =	shalt  }
0x85: {  	_ =	shalt  }
0x86: {  	_ =	shalt  }
0x87: {  	_ =	shalt  }
.Lfunc_end0:
.L_simem_size_0:
called_computation.1_lowered:
.L_overlay_start_0:
0x88: {  	s2 =	sld [smem:$0x3FD9]  }
0x89: {  	s3 =	sld [smem:$0x3FFE];
	_ =	sdelay $0x1  }
0x8a: {  	s1 =	srdreg.scid  }
0x8b: {  	s0 =	sand.u32 $0x1, s1  }
0x8c: {  	s17 =	sshll.u32 s0, $0xA;
	s2 =	sadd.s32 s3, s2  }
0x8d: {  	s2 =	sadd.s32 s2, s17  }
0x8e: {  	[smem:$0x3FBF] =	sst s2  }
0x8f: {  	_ = 	snop  }
0x90: {  	s2 =	sld [smem:$0x3FD0];
	(tm) =	ssettm $0x1  }
0x91: {  	s18 =	sld [smem:$0x3FFB];
	_ =	sdelay $0x3  }
0x92: {  	_ =	strace s18  }
0x93: {  	s3 =	sld [smem:$0x3FFC];
	_ =	sdelay $0x3  }
0x94: {  	_ =	strace s3  }
0x95: {  	s3 =	sld [smem:$0x3FFD];
	_ =	sdelay $0x3  }
0x96: {  	_ =	strace s3  }
0x97: {  	_ =	strace $0x8FFFFFFF  }
0x98: {  	s19 =	sld [smem:$0x3FDB];
	_ =	sdelay $0x1  }
0x99: {  	s4 =	simm.s32 $_scs_section_size  }
0x9a: {  	s5 =	simm.s32 $_size__tile_overlayer_lowered;
	s6 =	simm.s32 $_tile_overlayer_lowered  }
0x9b: {  	s22 =	simm.s32 $0x1BFF;
	s21 =	sshll.u32 s6, $0x1;
	s3 =	sadd.s32 s4, s19  }
0x9c: {  	s7 =	simm.s32 $0x0;
	s20 =	sshll.u32 s5, $0x1;
	s5 =	sadd.s32 s21, s3  }
0x9d: {  	[timem:s7], [sflag:s22] =	dma.local [hbm:s5], s20  }
0x9e: {  	_ =	swait.ge [sflag:s22], s20  }
0x9f: {  	s4 =	ssub.s32 $0x0, s20;
	[sflag:s22] =	ssyncset.done $0x0  }
0xa0: {  	[sflag:s22] =	ssyncadd.s32 s4;
	_ =	sdelay $0x1  }
0xa1: {  	s23 =	simm.s32 $0x1B8B  }
0xa2: {  	_ =	swait.ge [sflag:s23], $0x1  }
0xa3: {  	[sflag:s23] =	ssyncset.done $0x0  }
0xa4: {  	s25 =	simm.s32 $0x1B8E;
	s24 =	sld [smem:$0x3FFE];
	[sflag:s23] =	ssyncadd.s32 $0xFFFFFFFF  }
0xa5: {  	s26 =	simm.s32 $execute0_lowered;
	[smem:$0x3FD2] =	sst s25  }
0xa6: {  	s5 =	sshll.u32 s26, $0x1;
	_ =	strace $0x80000049;
	[dreg:$0x1] =	wrdreg $0xFFFFFFFF  }
0xa7: {  	s28 =	simm.s32 $_size_execute0_lowered;
	s3 =	sadd.s32 s3, s5;
	[dreg:$0x0] =	wrdreg $0x0  }
0xa8: {  	s5 =	sshll.u32 s28, $0x1;
	[dreg:$0x2] =	wrdreg s3  }
0xa9: {  	[dreg:$0x3] =	wrdreg s5  }
0xaa: {  	[dreg:$0x4] =	wrdreg $0xC0  }
0xab: {  	_ =	task [dreg:s7], $0x5FFFF  }
0xac: {  	[dreg:$0x1] =	wrdreg $0xFFFFFFFF  }
0xad: {  	[dreg:$0x0] =	wrdreg $0x60  }
0xae: {  	[dreg:$0x2] =	wrdreg s24  }
0xaf: {  	[dreg:$0x3] =	wrdreg s2  }
0xb0: {  	[dreg:$0x4] =	wrdreg $0x9  }
0xb1: {  	_ =	task.clear_ibuf [dreg:s7], $0x5FFFF;
	_ =	strace $0x90000049  }
0xb2: {  	s29 =	simm.s32 $0x9;
	_ =	strace $0x8000004B  }
0xb3: {  	_ =	swait.ge [sflag:s29], $0x1  }
0xb4: {  	[sflag:s29] =	ssyncadd.s32 $0xFFFFFFFF  }
0xb5: {  	_ =	strace $0x9000004B  }
0xb6: {  	_ =	sfence  }
0xb7: {  	s30 =	sld [smem:$0x0];
	_ =	sdelay $0x2  }
0xb8: {  	s31 =	sshll.u32 s1, $0xD;
	s1 =	sshrl.u32 s1, $0x2  }
0xb9: {  	s3 =	sand.u32 $0x4000, s31;
	s1 =	sadd.s32 s1, s30  }
0xba: {  	s0 =	sor.u32 s3, s0;
	s1 =	sshll.u32 s1, $0x11  }
0xbb: {  	s0 =	sor.u32 s1, s0  }
0xbc: {  	s0 =	sadd.s32 $0x8F2B, s0  }
0xbd: {  	[sflag:s0] =	ssyncadd.remote.s32 $0x1  }
0xbe: {  	_ =	sfence.sel $0xFFFF  }
0xbf: {  	[dreg:$0x0] =	wrdreg $0xFFFFFFFF;
	(pc) =	sbr.abs _section_cstart, $3  }
0xc0: {  	[dreg:$0x1] =	wrdreg $0xFFFFFFFF  }
0xc1: {  	_ =	task.clear_ibuf [dreg:s7], $0x2FFFF;
	_ =	strace $0x9FFFFFFF  }
0xc2: {  	(tm) =	ssettm $0x7FFFFFFF  }
0xc3: {  	_ =	shalt  }
tec
execute0_lowered:
.L_overlay_start_1:
0x0: {  	(tag) =	ssettag $0x1  }
0x1: {  	s0 =	rddreg [dreg:$0x0]  }
0x2: {  	s1 =	rddreg [dreg:$0x1]  }
0x3: {  	s3 =	srdreg.scid;
	s5 =	stileid.u32  }
0x4: {  	s2 =	simm.s32 $0x0;
	s11 =	simm.s32 $0x5;
	s20 =	simm.s32 $0x4000  }
0x5: {  	s21 =	simm.s32 $0x8800;
	s22 =	simm.s32 $0x9000;
	s23 =	simm.s32 $0x9800  }
0x6: {  	s24 =	simm.s32 $0xA000;
	s25 =	simm.s32 $0xA800;
	s28 =	simm.s32 $0xB800  }
0x7: {  	s29 =	simm.s32 $0xC000;
	s30 =	simm.s32 $0x3;
	s31 =	simm.s32 $0x4  }
0x8: {  	s4 =	sand.u32 $0x1, s3;
	s26 =	sshll.u32 s5, $0x1;
	[smem:$0x7FF] =	sst s2  }
0x9: {  	s3 =	sadd.s32 $0x1A4800, s0;
	s5 =	sor.u32 s4, s26;
	_ =	strace $0x8000004A  }
0xa: {  	s7 =	ssub.s32 $0x2, s4;
	s26 =	simm.s32 $0xB000;
	s6 =	sshll.u32 s5, $0x7  }
0xb: {  	v2 =	vlaneseq.u32;
	s9 =	sshll.u32 s5, $0xE;
	s8 =	sshrl.u32 s7, $0x1;
	s6 =	sadd.s32 s6, s0  }
0xc: {  	v0 =	vand.u32 $0x7, v2;
	s10 =	ssub.s32 s7, s8;
	s7 =	sadd.s32 $0x1A4A00, s0;
	s8 =	sadd.s32 $0x1A4B00, s0  }
0xd: {  	v1 =	vshrl.u32 v2, $0x3;
	[tilespmem:$0x1FFE0] =	vst v0;
	v0 =	vor.u32 $0x8, v2;
	s9 =	sadd.s32 s1, s9;
	s4 =	sadd.s32 $0x1A1200, s6;
	s5 =	sadd.s32 $0x1A2200, s6  }
0xe: {  	vm0 =	vmmov $0xffff;
	v1 =	vmul.u32 $0x8, v1;
	[tilespmem:$0x1FFF0] =	vst v0;
	s6 =	sadd.s32 $0x1A4900, s0;
	s10 =	smax.u32 s10, $0x1;
	s0 =	simm.s32 $0x0  }
.LBB2_1:
0xf: {  	[tilespmem:s2], [sflag:$0x5] =	stream.linear.gather [hbm4b:s4+s2], $0x400, $0x38;
	[tilespmem:$0x10800] =	vst v63  }
0x10: {  	_ =	swait.ge [sflag:s11], $0x400  }
0x11: {  	[sflag:s11] =	ssyncset.done $0x0  }
0x12: {  	s1 =	simm.s32 $0x400;
	[sflag:s11] =	ssyncadd.s32 $0xFFFFFC00  }
0x13: {  	[tilespmem:s1], [sflag:$0x5] =	stream.linear.gather [hbm4b:s5+s2], $0x400, $0x38;
	[tilespmem:$0x10800] =	vst v63  }
0x14: {  	_ =	swait.ge [sflag:s11], $0x400  }
0x15: {  	[sflag:s11] =	ssyncset.done $0x0  }
0x16: {  	[sflag:s11] =	ssyncadd.s32 $0xFFFFFC00  }
0x17: {  	v3 =	vld [tilespmem:$0x0];
	_ =	sdelay $0x2  }
0x18: {  	v0 =	vld [tilespmem:$0x1FFE0];
	_ =	sdelay $0x1  }
0x19: {  	v4 =	vshll.u32 v3, $0x3  }
0x1a: {  	v3 =	vand.u32 $0x7, v3;
	v4 =	vand.u32 $0xFFFFFFC0, v4  }
0x1b: {  	v3 =	vor.u32 v3, v4  }
0x1c: {  	v4 =	vperm.xlane v3, v0;
	_ =	sdelay $0x1  }
0x1d: {  	v4 =	vadd.s32 v1, v4  }
0x1e: {  	v2 =	vld [tilespmem:$0x1FFF0];
	_ =	sdelay $0x2  }
0x1f: {  	s13 =	simm.s32 $0x800  }
0x20: {  	[tilespmem:s13], [sflag:$0x1] =	stream.indirect_vreg.gather [hbm4b:s3+s2], $0x80, v4, vm0, $0xb8;
	[tilespmem:$0x10800] =	vst v63  }
0x21: {  	s14 =	simm.s32 $0x1000;
	v3 =	vperm.xlane v3, v2  }
0x22: {  	[tilespmem:s14], [sflag:$0x1] =	stream.indirect_vreg.gather [hbm4b:s6+s2], $0x80, v4, vm0, $0xb8;
	[tilespmem:$0x10800] =	vst v63  }
0x23: {  	s15 =	simm.s32 $0x1800;
	v3 =	vadd.s32 v1, v3  }
0x24: {  	[tilespmem:s15], [sflag:$0x1] =	stream.indirect_vreg.gather [hbm4b:s7+s2], $0x80, v4, vm0, $0xb8;
	[tilespmem:$0x10800] =	vst v63  }
0x25: {  	s16 =	simm.s32 $0x2000  }
0x26: {  	[tilespmem:s16], [sflag:$0x1] =	stream.indirect_vreg.gather [hbm4b:s8+s2], $0x80, v4, vm0, $0xb8;
	[tilespmem:$0x10800] =	vst v63  }
0x27: {  	s17 =	simm.s32 $0x2800  }
0x28: {  	[tilespmem:s17], [sflag:$0x1] =	stream.indirect_vreg.gather [hbm4b:s3+s2], $0x80, v3, vm0, $0xb8;
	[tilespmem:$0x10800] =	vst v63  }
0x29: {  	s18 =	simm.s32 $0x3000  }
0x2a: {  	[tilespmem:s18], [sflag:$0x1] =	stream.indirect_vreg.gather [hbm4b:s6+s2], $0x80, v3, vm0, $0xb8;
	[tilespmem:$0x10800] =	vst v63  }
0x2b: {  	s19 =	simm.s32 $0x3800  }
0x2c: {  	[tilespmem:s19], [sflag:$0x1] =	stream.indirect_vreg.gather [hbm4b:s7+s2], $0x80, v3, vm0, $0xb8;
	[tilespmem:$0x10800] =	vst v63  }
0x2d: {  	_ = 	snop  }
0x2e: {  	[tilespmem:s20], [sflag:$0x1] =	stream.indirect_vreg.gather [hbm4b:s8+s2], $0x80, v3, vm0, $0xb8;
	[tilespmem:$0x10800] =	vst v63  }
0x2f: {  	v3 =	vld [tilespmem:$0x400];
	_ =	sdelay $0x4  }
0x30: {  	v63 =	vshll.u32 v3, $0x3  }
0x31: {  	v3 =	vand.u32 $0x7, v3;
	v4 =	vand.u32 $0xFFFFFFC0, v63  }
0x32: {  	v3 =	vor.u32 v3, v4  }
0x33: {  	v4 =	vperm.xlane v3, v0;
	_ =	sdelay $0x1  }
0x34: {  	v4 =	vadd.s32 v1, v4;
	_ =	sdelay $0x4  }
0x35: {  	[tilespmem:s21], [sflag:$0x1] =	stream.indirect_vreg.gather [hbm4b:s3+s2], $0x80, v4, vm0, $0xb8;
	[tilespmem:$0x10800] =	vst v63  }
0x36: {  	v3 =	vperm.xlane v3, v2  }
0x37: {  	[tilespmem:s22], [sflag:$0x1] =	stream.indirect_vreg.gather [hbm4b:s6+s2], $0x80, v4, vm0, $0xb8;
	[tilespmem:$0x10800] =	vst v63  }
0x38: {  	v3 =	vadd.s32 v1, v3  }
0x39: {  	[tilespmem:s23], [sflag:$0x1] =	stream.indirect_vreg.gather [hbm4b:s7+s2], $0x80, v4, vm0, $0xb8;
	[tilespmem:$0x10800] =	vst v63  }
0x3a: {  	_ = 	snop  }
0x3b: {  	[tilespmem:s24], [sflag:$0x1] =	stream.indirect_vreg.gather [hbm4b:s8+s2], $0x80, v4, vm0, $0xb8;
	[tilespmem:$0x10800] =	vst v63  }
0x3c: {  	_ = 	snop  }
0x3d: {  	[tilespmem:s25], [sflag:$0x1] =	stream.indirect_vreg.gather [hbm4b:s3+s2], $0x80, v3, vm0, $0xb8;
	[tilespmem:$0x10800] =	vst v63  }
0x3e: {  	_ = 	snop  }
0x3f: {  	[tilespmem:s26], [sflag:$0x1] =	stream.indirect_vreg.gather [hbm4b:s6+s2], $0x80, v3, vm0, $0xb8;
	[tilespmem:$0x10800] =	vst v63  }
0x40: {  	_ = 	snop  }
0x41: {  	[tilespmem:s28], [sflag:$0x1] =	stream.indirect_vreg.gather [hbm4b:s7+s2], $0x80, v3, vm0, $0xb8;
	[tilespmem:$0x10800] =	vst v63  }
0x42: {  	s1 =	simm.s32 $0x0  }
0x43: {  	[tilespmem:s29], [sflag:$0x1] =	stream.indirect_vreg.gather [hbm4b:s8+s2], $0x80, v3, vm0, $0xb8;
	[tilespmem:$0x10800] =	vst v63  }
.LBB2_2:
0x44: {  	p0 =	seq.s32 s1, $0x0  }
.Ltmp0:
0x45: {  	_ = 	snop;
	(pc) =	sbr.rel @p0 .LBB2_5-.Ltmp0, $3  }
0x46: {  	_ =	sdelay $0x1  }
0x47: {  	s13 =	sand.u32 $0x1, s1  }
0x48: {  	s12 =	sadd.s32 $0x1, s1;
	s14 =	sxor.u32 $0x1, s13  }
0x49: {  	p0 =	seq.s32 s1, $0x7  }
.Ltmp1:
0x4a: {  	_ = 	snop;
	(pc) =	sbr.rel @p0 .LBB2_6-.Ltmp1, $1  }
0x4b: {  	_ =	sdelay $0x3  }
0x4c: {  	s15 =	sadd.s32 $0x3, s14  }
0x4d: {  	_ =	swait.ge [sflag:s15], $0x4000  }
0x4e: {  	[sflag:s15] =	ssyncset.done $0x0  }
0x4f: {  	[sflag:s15] =	ssyncadd.s32 $0xFFFFC000  }
.LBB2_5:
0x50: {  	s15 =	sshll.u32 s12, $0x7  }
0x51: {  	v3 =	vld [tilespmem:s15+$0x0];
	_ =	sdelay $0x2  }
0x52: {  	v0 =	vld [tilespmem:$0x1FFE0];
	_ =	sdelay $0x1  }
0x53: {  	v4 =	vshll.u32 v3, $0x3  }
0x54: {  	v3 =	vand.u32 $0x7, v3;
	v4 =	vand.u32 $0xFFFFFFC0, v4  }
0x55: {  	v3 =	vor.u32 v3, v4  }
0x56: {  	v4 =	vperm.xlane v3, v0;
	_ =	sdelay $0x1  }
0x57: {  	v4 =	vadd.s32 v1, v4  }
0x58: {  	v2 =	vld [tilespmem:$0x1FFF0];
	_ =	sdelay $0x1  }
0x59: {  	s16 =	sshll.u32 s14, $0xE  }
0x5a: {  	s14 =	sadd.s32 $0x1, s14;
	s17 =	sor.u32 $0x800, s16  }
0x5b: {  	[tilespmem:s17], [sflag:s14] =	stream.indirect_vreg.gather [hbm4b:s3+s2], $0x80, v4, vm0, $0xb8;
	[tilespmem:$0x10800] =	vst v63  }
0x5c: {  	s19 =	sor.u32 $0x1000, s16;
	v3 =	vperm.xlane v3, v2  }
0x5d: {  	[tilespmem:s19], [sflag:s14] =	stream.indirect_vreg.gather [hbm4b:s6+s2], $0x80, v4, vm0, $0xb8;
	[tilespmem:$0x10800] =	vst v63  }
0x5e: {  	s18 =	sor.u32 $0x1800, s16;
	v3 =	vadd.s32 v1, v3  }
0x5f: {  	[tilespmem:s18], [sflag:s14] =	stream.indirect_vreg.gather [hbm4b:s7+s2], $0x80, v4, vm0, $0xb8;
	[tilespmem:$0x10800] =	vst v63  }
0x60: {  	s19 =	sor.u32 $0x2000, s16  }
0x61: {  	[tilespmem:s19], [sflag:s14] =	stream.indirect_vreg.gather [hbm4b:s8+s2], $0x80, v4, vm0, $0xb8;
	[tilespmem:$0x10800] =	vst v63  }
0x62: {  	s18 =	sor.u32 $0x2800, s16  }
0x63: {  	[tilespmem:s18], [sflag:s14] =	stream.indirect_vreg.gather [hbm4b:s3+s2], $0x80, v3, vm0, $0xb8;
	[tilespmem:$0x10800] =	vst v63  }
0x64: {  	s19 =	sor.u32 $0x3000, s16  }
0x65: {  	[tilespmem:s19], [sflag:s14] =	stream.indirect_vreg.gather [hbm4b:s6+s2], $0x80, v3, vm0, $0xb8;
	[tilespmem:$0x10800] =	vst v63  }
0x66: {  	s18 =	sor.u32 $0x3800, s16  }
0x67: {  	[tilespmem:s18], [sflag:s14] =	stream.indirect_vreg.gather [hbm4b:s7+s2], $0x80, v3, vm0, $0xb8;
	[tilespmem:$0x10800] =	vst v63  }
0x68: {  	s19 =	sadd.s32 $0x4000, s16  }
0x69: {  	[tilespmem:s19], [sflag:s14] =	stream.indirect_vreg.gather [hbm4b:s8+s2], $0x80, v3, vm0, $0xb8;
	[tilespmem:$0x10800] =	vst v63  }
0x6a: {  	v3 =	vld [tilespmem:s15+$0x400];
	_ =	sdelay $0x4  }
0x6b: {  	v63 =	vshll.u32 v3, $0x3  }
0x6c: {  	v3 =	vand.u32 $0x7, v3;
	v4 =	vand.u32 $0xFFFFFFC0, v63  }
0x6d: {  	v3 =	vor.u32 v3, v4  }
0x6e: {  	v4 =	vperm.xlane v3, v0;
	_ =	sdelay $0x1  }
0x6f: {  	v4 =	vadd.s32 v1, v4;
	_ =	sdelay $0x3  }
0x70: {  	s18 =	sor.u32 $0x8800, s16  }
0x71: {  	[tilespmem:s18], [sflag:s14] =	stream.indirect_vreg.gather [hbm4b:s3+s2], $0x80, v4, vm0, $0xb8;
	[tilespmem:$0x10800] =	vst v63  }
0x72: {  	s19 =	sor.u32 $0x9000, s16;
	v3 =	vperm.xlane v3, v2  }
0x73: {  	[tilespmem:s19], [sflag:s14] =	stream.indirect_vreg.gather [hbm4b:s6+s2], $0x80, v4, vm0, $0xb8;
	[tilespmem:$0x10800] =	vst v63  }
0x74: {  	s17 =	sor.u32 $0x9800, s16;
	v3 =	vadd.s32 v1, v3  }
0x75: {  	[tilespmem:s17], [sflag:s14] =	stream.indirect_vreg.gather [hbm4b:s7+s2], $0x80, v4, vm0, $0xb8;
	[tilespmem:$0x10800] =	vst v63  }
0x76: {  	s18 =	sor.u32 $0xA000, s16  }
0x77: {  	[tilespmem:s18], [sflag:s14] =	stream.indirect_vreg.gather [hbm4b:s8+s2], $0x80, v4, vm0, $0xb8;
	[tilespmem:$0x10800] =	vst v63  }
0x78: {  	s19 =	sor.u32 $0xA800, s16  }
0x79: {  	[tilespmem:s19], [sflag:s14] =	stream.indirect_vreg.gather [hbm4b:s3+s2], $0x80, v3, vm0, $0xb8;
	[tilespmem:$0x10800] =	vst v63  }
0x7a: {  	s17 =	sor.u32 $0xB000, s16  }
0x7b: {  	[tilespmem:s17], [sflag:s14] =	stream.indirect_vreg.gather [hbm4b:s6+s2], $0x80, v3, vm0, $0xb8;
	[tilespmem:$0x10800] =	vst v63  }
0x7c: {  	s18 =	sor.u32 $0xB800, s16  }
0x7d: {  	[tilespmem:s18], [sflag:s14] =	stream.indirect_vreg.gather [hbm4b:s7+s2], $0x80, v3, vm0, $0xb8;
	[tilespmem:$0x10800] =	vst v63  }
0x7e: {  	s19 =	sadd.s32 $0xC000, s16  }
0x7f: {  	[tilespmem:s19], [sflag:s14] =	stream.indirect_vreg.gather [hbm4b:s8+s2], $0x80, v3, vm0, $0xb8;
	[tilespmem:$0x10800] =	vst v63  }
.LBB2_6:
0x80: {  	s15 =	sadd.s32 $0x1, s13  }
0x81: {  	_ =	swait.ge [sflag:s15], $0x4000  }
0x82: {  	[sflag:s15] =	ssyncset.done $0x0  }
0x83: {  	s14 =	simm.s32 $0x0;
	[sflag:s15] =	ssyncadd.s32 $0xFFFFC000  }
0x84: {  	s16 =	sand.u32 $0x2000, s14;
	s17 =	sand.u32 $0x380, s14;
	_ =	swait.ge [sflag:s15], $0x4000  }
0x85: {  	s14 =	sshll.u32 s13, $0xE;
	s16 =	sor.u32 s16, s17;
	[sflag:s15] =	ssyncset.done $0x0  }
0x86: {  	[sflag:s15] =	ssyncadd.s32 $0xFFFFC000;
	s15 =	sor.u32 s14, s16  }
0x87: {  	v3 =	vld [tilespmem:s15+$0xA470]  }
0x88: {  	v5 =	vld [tilespmem:s15+$0x8800]  }
0x89: {  	v6 =	vld [tilespmem:s15+$0x8810]  }
0x8a: {  	v7 =	vld [tilespmem:s15+$0x8820]  }
0x8b: {  	v8 =	vld [tilespmem:s15+$0x8830]  }
0x8c: {  	v9 =	vld [tilespmem:s15+$0x8840]  }
0x8d: {  	v10 =	vld [tilespmem:s15+$0x8850]  }
0x8e: {  	v11 =	vld [tilespmem:s15+$0x8860]  }
0x8f: {  	v12 =	vld [tilespmem:s15+$0x8870]  }
0x90: {  	v13 =	vld [tilespmem:s15+$0x8C00]  }
0x91: {  	v14 =	vld [tilespmem:s15+$0x8C10]  }
0x92: {  	v15 =	vld [tilespmem:s15+$0x8C20]  }
0x93: {  	v16 =	vld [tilespmem:s15+$0x8C30]  }
0x94: {  	v17 =	vld [tilespmem:s15+$0x8C40]  }
0x95: {  	v18 =	vld [tilespmem:s15+$0x8C50]  }
0x96: {  	v19 =	vld [tilespmem:s15+$0x8C60]  }
0x97: {  	v20 =	vld [tilespmem:s15+$0x8C70]  }
0x98: {  	v21 =	vld [tilespmem:s15+$0x9000]  }
0x99: {  	v22 =	vld [tilespmem:s15+$0x9010]  }
0x9a: {  	v23 =	vld [tilespmem:s15+$0x9020]  }
0x9b: {  	v24 =	vld [tilespmem:s15+$0x9030]  }
0x9c: {  	v25 =	vld [tilespmem:s15+$0x9040]  }
0x9d: {  	v26 =	vld [tilespmem:s15+$0x9050]  }
0x9e: {  	v27 =	vld [tilespmem:s15+$0x9060]  }
0x9f: {  	v28 =	vld [tilespmem:s15+$0x9070]  }
0xa0: {  	v29 =	vld [tilespmem:s15+$0x9400]  }
0xa1: {  	v30 =	vld [tilespmem:s15+$0x9410]  }
0xa2: {  	v31 =	vld [tilespmem:s15+$0x9420]  }
0xa3: {  	v32 =	vld [tilespmem:s15+$0x9430]  }
0xa4: {  	v33 =	vld [tilespmem:s15+$0x9440]  }
0xa5: {  	v34 =	vld [tilespmem:s15+$0x9450]  }
0xa6: {  	v35 =	vld [tilespmem:s15+$0x9460]  }
0xa7: {  	v36 =	vld [tilespmem:s15+$0x9470]  }
0xa8: {  	v37 =	vld [tilespmem:s15+$0x9800]  }
0xa9: {  	v38 =	vld [tilespmem:s15+$0x9810]  }
0xaa: {  	v39 =	vld [tilespmem:s15+$0x9820]  }
0xab: {  	v40 =	vld [tilespmem:s15+$0x9830]  }
0xac: {  	v41 =	vld [tilespmem:s15+$0x9840]  }
0xad: {  	v42 =	vld [tilespmem:s15+$0x9850]  }
0xae: {  	v43 =	vld [tilespmem:s15+$0x9860]  }
0xaf: {  	v44 =	vld [tilespmem:s15+$0x9870]  }
0xb0: {  	v45 =	vld [tilespmem:s15+$0x9C00]  }
0xb1: {  	v46 =	vld [tilespmem:s15+$0x9C10]  }
0xb2: {  	v47 =	vld [tilespmem:s15+$0x9C20]  }
0xb3: {  	v48 =	vld [tilespmem:s15+$0x9C30]  }
0xb4: {  	v49 =	vld [tilespmem:s15+$0x9C40]  }
0xb5: {  	v50 =	vld [tilespmem:s15+$0x9C50]  }
0xb6: {  	v51 =	vld [tilespmem:s15+$0x9C60]  }
0xb7: {  	v52 =	vld [tilespmem:s15+$0x9C70]  }
0xb8: {  	v53 =	vld [tilespmem:s15+$0xA000]  }
0xb9: {  	v54 =	vld [tilespmem:s15+$0xA010]  }
0xba: {  	v55 =	vld [tilespmem:s15+$0xA020]  }
0xbb: {  	v56 =	vld [tilespmem:s15+$0xA030]  }
0xbc: {  	v57 =	vld [tilespmem:s15+$0xA040]  }
0xbd: {  	v58 =	vld [tilespmem:s15+$0xA050]  }
0xbe: {  	v59 =	vld [tilespmem:s15+$0xA060]  }
0xbf: {  	v60 =	vld [tilespmem:s15+$0xA070]  }
0xc0: {  	v61 =	vld [tilespmem:s15+$0xA400]  }
0xc1: {  	v62 =	vld [tilespmem:s15+$0xA410]  }
0xc2: {  	v63 =	vld [tilespmem:s15+$0xA420]  }
0xc3: {  	v0 =	vld [tilespmem:s15+$0xA430]  }
0xc4: {  	v2 =	vld [tilespmem:s15+$0xA440]  }
0xc5: {  	v4 =	vld [tilespmem:s15+$0xA450]  }
0xc6: {  	[tilespmem:s15+$0x2470] =	vst.add.f32.msk $0xffff, v3  }
0xc7: {  	v3 =	vld [tilespmem:s15+$0xA460]  }
0xc8: {  	[tilespmem:s15+$0x800] =	vst.add.f32.msk $0xffff, v5  }
0xc9: {  	[tilespmem:s15+$0x810] =	vst.add.f32.msk $0xffff, v6  }
0xca: {  	[tilespmem:s15+$0x820] =	vst.add.f32.msk $0xffff, v7  }
0xcb: {  	[tilespmem:s15+$0x830] =	vst.add.f32.msk $0xffff, v8  }
0xcc: {  	[tilespmem:s15+$0x840] =	vst.add.f32.msk $0xffff, v9  }
0xcd: {  	[tilespmem:s15+$0x850] =	vst.add.f32.msk $0xffff, v10  }
0xce: {  	[tilespmem:s15+$0x860] =	vst.add.f32.msk $0xffff, v11  }
0xcf: {  	[tilespmem:s15+$0x870] =	vst.add.f32.msk $0xffff, v12  }
0xd0: {  	[tilespmem:s15+$0xC00] =	vst.add.f32.msk $0xffff, v13  }
0xd1: {  	[tilespmem:s15+$0xC10] =	vst.add.f32.msk $0xffff, v14  }
0xd2: {  	[tilespmem:s15+$0xC20] =	vst.add.f32.msk $0xffff, v15  }
0xd3: {  	[tilespmem:s15+$0xC30] =	vst.add.f32.msk $0xffff, v16  }
0xd4: {  	[tilespmem:s15+$0xC40] =	vst.add.f32.msk $0xffff, v17  }
0xd5: {  	[tilespmem:s15+$0xC50] =	vst.add.f32.msk $0xffff, v18  }
0xd6: {  	[tilespmem:s15+$0xC60] =	vst.add.f32.msk $0xffff, v19  }
0xd7: {  	[tilespmem:s15+$0xC70] =	vst.add.f32.msk $0xffff, v20  }
0xd8: {  	[tilespmem:s15+$0x1000] =	vst.add.f32.msk $0xffff, v21  }
0xd9: {  	[tilespmem:s15+$0x1010] =	vst.add.f32.msk $0xffff, v22  }
0xda: {  	[tilespmem:s15+$0x1020] =	vst.add.f32.msk $0xffff, v23  }
0xdb: {  	[tilespmem:s15+$0x1030] =	vst.add.f32.msk $0xffff, v24  }
0xdc: {  	[tilespmem:s15+$0x1040] =	vst.add.f32.msk $0xffff, v25  }
0xdd: {  	[tilespmem:s15+$0x1050] =	vst.add.f32.msk $0xffff, v26  }
0xde: {  	[tilespmem:s15+$0x1060] =	vst.add.f32.msk $0xffff, v27  }
0xdf: {  	[tilespmem:s15+$0x1070] =	vst.add.f32.msk $0xffff, v28  }
0xe0: {  	[tilespmem:s15+$0x1400] =	vst.add.f32.msk $0xffff, v29  }
0xe1: {  	[tilespmem:s15+$0x1410] =	vst.add.f32.msk $0xffff, v30  }
0xe2: {  	[tilespmem:s15+$0x1420] =	vst.add.f32.msk $0xffff, v31  }
0xe3: {  	[tilespmem:s15+$0x1430] =	vst.add.f32.msk $0xffff, v32  }
0xe4: {  	[tilespmem:s15+$0x1440] =	vst.add.f32.msk $0xffff, v33  }
0xe5: {  	[tilespmem:s15+$0x1450] =	vst.add.f32.msk $0xffff, v34  }
0xe6: {  	[tilespmem:s15+$0x1460] =	vst.add.f32.msk $0xffff, v35  }
0xe7: {  	[tilespmem:s15+$0x1470] =	vst.add.f32.msk $0xffff, v36  }
0xe8: {  	[tilespmem:s15+$0x1800] =	vst.add.f32.msk $0xffff, v37  }
0xe9: {  	[tilespmem:s15+$0x1810] =	vst.add.f32.msk $0xffff, v38  }
0xea: {  	[tilespmem:s15+$0x1820] =	vst.add.f32.msk $0xffff, v39  }
0xeb: {  	[tilespmem:s15+$0x1830] =	vst.add.f32.msk $0xffff, v40  }
0xec: {  	[tilespmem:s15+$0x1840] =	vst.add.f32.msk $0xffff, v41  }
0xed: {  	[tilespmem:s15+$0x1850] =	vst.add.f32.msk $0xffff, v42  }
0xee: {  	[tilespmem:s15+$0x1860] =	vst.add.f32.msk $0xffff, v43  }
0xef: {  	[tilespmem:s15+$0x1870] =	vst.add.f32.msk $0xffff, v44  }
0xf0: {  	[tilespmem:s15+$0x1C00] =	vst.add.f32.msk $0xffff, v45  }
0xf1: {  	[tilespmem:s15+$0x1C10] =	vst.add.f32.msk $0xffff, v46  }
0xf2: {  	[tilespmem:s15+$0x1C20] =	vst.add.f32.msk $0xffff, v47  }
0xf3: {  	[tilespmem:s15+$0x1C30] =	vst.add.f32.msk $0xffff, v48  }
0xf4: {  	[tilespmem:s15+$0x1C40] =	vst.add.f32.msk $0xffff, v49  }
0xf5: {  	[tilespmem:s15+$0x1C50] =	vst.add.f32.msk $0xffff, v50  }
0xf6: {  	[tilespmem:s15+$0x1C60] =	vst.add.f32.msk $0xffff, v51  }
0xf7: {  	[tilespmem:s15+$0x1C70] =	vst.add.f32.msk $0xffff, v52  }
0xf8: {  	[tilespmem:s15+$0x2000] =	vst.add.f32.msk $0xffff, v53  }
0xf9: {  	[tilespmem:s15+$0x2010] =	vst.add.f32.msk $0xffff, v54  }
0xfa: {  	[tilespmem:s15+$0x2020] =	vst.add.f32.msk $0xffff, v55  }
0xfb: {  	[tilespmem:s15+$0x2030] =	vst.add.f32.msk $0xffff, v56  }
0xfc: {  	[tilespmem:s15+$0x2040] =	vst.add.f32.msk $0xffff, v57  }
0xfd: {  	[tilespmem:s15+$0x2050] =	vst.add.f32.msk $0xffff, v58  }
0xfe: {  	[tilespmem:s15+$0x2060] =	vst.add.f32.msk $0xffff, v59  }
0xff: {  	[tilespmem:s15+$0x2070] =	vst.add.f32.msk $0xffff, v60  }
0x100: {  	[tilespmem:s15+$0x2400] =	vst.add.f32.msk $0xffff, v61  }
0x101: {  	[tilespmem:s15+$0x2410] =	vst.add.f32.msk $0xffff, v62  }
0x102: {  	[tilespmem:s15+$0x2420] =	vst.add.f32.msk $0xffff, v63  }
0x103: {  	s19 =	simm.s32 $0x400;
	s16 =	simm.s32 $0x80;
	[tilespmem:s15+$0x2430] =	vst.add.f32.msk $0xffff, v0  }
0x104: {  	s18 =	sand.u32 $0x2000, s19;
	s17 =	simm.s32 $0x800;
	s19 =	sand.u32 $0x380, s16;
	[tilespmem:s15+$0x2440] =	vst.add.f32.msk $0xffff, v2  }
.LBB2_7:
0x105: {  	p0 =	sne.s32 s17, $0x3C00;
	s18 =	sor.u32 s18, s19;
	[tilespmem:s15+$0x2450] =	vst.add.f32.msk $0xffff, v4  }
0x106: {  	[tilespmem:s15+$0x2460] =	vst.add.f32.msk $0xffff, v3;
	s15 =	sor.u32 s14, s18  }
0x107: {  	v0 =	vld [tilespmem:s15+$0xA470]  }
0x108: {  	v2 =	vld [tilespmem:s15+$0x8800]  }
0x109: {  	v6 =	vld [tilespmem:s15+$0x8810]  }
0x10a: {  	v7 =	vld [tilespmem:s15+$0x8820]  }
0x10b: {  	v8 =	vld [tilespmem:s15+$0x8830]  }
0x10c: {  	[tilespmem:s15+$0x2470] =	vst.add.f32.msk $0xffff, v0  }
0x10d: {  	v0 =	vld [tilespmem:s15+$0x8840]  }
0x10e: {  	v9 =	vld [tilespmem:s15+$0x8850]  }
0x10f: {  	v10 =	vld [tilespmem:s15+$0x8860]  }
0x110: {  	v11 =	vld [tilespmem:s15+$0x8870]  }
0x111: {  	v12 =	vld [tilespmem:s15+$0x8C00]  }
0x112: {  	v13 =	vld [tilespmem:s15+$0x8C10]  }
0x113: {  	v14 =	vld [tilespmem:s15+$0x8C20]  }
0x114: {  	v15 =	vld [tilespmem:s15+$0x8C30]  }
0x115: {  	v16 =	vld [tilespmem:s15+$0x8C40]  }
0x116: {  	v17 =	vld [tilespmem:s15+$0x8C50]  }
0x117: {  	v18 =	vld [tilespmem:s15+$0x8C60]  }
0x118: {  	v19 =	vld [tilespmem:s15+$0x8C70]  }
0x119: {  	v20 =	vld [tilespmem:s15+$0x9000]  }
0x11a: {  	v21 =	vld [tilespmem:s15+$0x9010]  }
0x11b: {  	v22 =	vld [tilespmem:s15+$0x9020]  }
0x11c: {  	v23 =	vld [tilespmem:s15+$0x9030]  }
0x11d: {  	v24 =	vld [tilespmem:s15+$0x9040]  }
0x11e: {  	v25 =	vld [tilespmem:s15+$0x9050]  }
0x11f: {  	v26 =	vld [tilespmem:s15+$0x9060]  }
0x120: {  	v27 =	vld [tilespmem:s15+$0x9070]  }
0x121: {  	v28 =	vld [tilespmem:s15+$0x9400]  }
0x122: {  	v29 =	vld [tilespmem:s15+$0x9410]  }
0x123: {  	v30 =	vld [tilespmem:s15+$0x9420]  }
0x124: {  	v31 =	vld [tilespmem:s15+$0x9430]  }
0x125: {  	v32 =	vld [tilespmem:s15+$0x9440]  }
0x126: {  	v33 =	vld [tilespmem:s15+$0x9450]  }
0x127: {  	v34 =	vld [tilespmem:s15+$0x9460]  }
0x128: {  	v35 =	vld [tilespmem:s15+$0x9470]  }
0x129: {  	v36 =	vld [tilespmem:s15+$0x9800]  }
0x12a: {  	v37 =	vld [tilespmem:s15+$0x9810]  }
0x12b: {  	v38 =	vld [tilespmem:s15+$0x9820]  }
0x12c: {  	v39 =	vld [tilespmem:s15+$0x9830]  }
0x12d: {  	v40 =	vld [tilespmem:s15+$0x9840]  }
0x12e: {  	v41 =	vld [tilespmem:s15+$0x9850]  }
0x12f: {  	v42 =	vld [tilespmem:s15+$0x9860]  }
0x130: {  	v43 =	vld [tilespmem:s15+$0x9870]  }
0x131: {  	v44 =	vld [tilespmem:s15+$0x9C00]  }
0x132: {  	v45 =	vld [tilespmem:s15+$0x9C10]  }
0x133: {  	v46 =	vld [tilespmem:s15+$0x9C20]  }
0x134: {  	v47 =	vld [tilespmem:s15+$0x9C30]  }
0x135: {  	v48 =	vld [tilespmem:s15+$0x9C40]  }
0x136: {  	v49 =	vld [tilespmem:s15+$0x9C50]  }
0x137: {  	v50 =	vld [tilespmem:s15+$0x9C60]  }
0x138: {  	v51 =	vld [tilespmem:s15+$0x9C70]  }
0x139: {  	v52 =	vld [tilespmem:s15+$0xA000]  }
0x13a: {  	v53 =	vld [tilespmem:s15+$0xA010]  }
0x13b: {  	v54 =	vld [tilespmem:s15+$0xA020]  }
0x13c: {  	v55 =	vld [tilespmem:s15+$0xA030]  }
0x13d: {  	v56 =	vld [tilespmem:s15+$0xA040]  }
0x13e: {  	v57 =	vld [tilespmem:s15+$0xA050]  }
0x13f: {  	v58 =	vld [tilespmem:s15+$0xA060]  }
0x140: {  	v59 =	vld [tilespmem:s15+$0xA070]  }
0x141: {  	v60 =	vld [tilespmem:s15+$0xA400]  }
0x142: {  	v61 =	vld [tilespmem:s15+$0xA410]  }
0x143: {  	v62 =	vld [tilespmem:s15+$0xA420]  }
0x144: {  	v63 =	vld [tilespmem:s15+$0xA430]  }
0x145: {  	v5 =	vld [tilespmem:s15+$0xA440]  }
0x146: {  	v4 =	vld [tilespmem:s15+$0xA450]  }
0x147: {  	v3 =	vld [tilespmem:s15+$0xA460]  }
0x148: {  	[tilespmem:s15+$0x800] =	vst.add.f32.msk $0xffff, v2  }
0x149: {  	[tilespmem:s15+$0x810] =	vst.add.f32.msk $0xffff, v6  }
0x14a: {  	[tilespmem:s15+$0x820] =	vst.add.f32.msk $0xffff, v7  }
0x14b: {  	[tilespmem:s15+$0x830] =	vst.add.f32.msk $0xffff, v8  }
0x14c: {  	[tilespmem:s15+$0x840] =	vst.add.f32.msk $0xffff, v0  }
0x14d: {  	[tilespmem:s15+$0x850] =	vst.add.f32.msk $0xffff, v9  }
0x14e: {  	[tilespmem:s15+$0x860] =	vst.add.f32.msk $0xffff, v10  }
0x14f: {  	[tilespmem:s15+$0x870] =	vst.add.f32.msk $0xffff, v11  }
0x150: {  	[tilespmem:s15+$0xC00] =	vst.add.f32.msk $0xffff, v12  }
0x151: {  	[tilespmem:s15+$0xC10] =	vst.add.f32.msk $0xffff, v13  }
0x152: {  	[tilespmem:s15+$0xC20] =	vst.add.f32.msk $0xffff, v14  }
0x153: {  	[tilespmem:s15+$0xC30] =	vst.add.f32.msk $0xffff, v15  }
0x154: {  	[tilespmem:s15+$0xC40] =	vst.add.f32.msk $0xffff, v16  }
0x155: {  	[tilespmem:s15+$0xC50] =	vst.add.f32.msk $0xffff, v17  }
0x156: {  	[tilespmem:s15+$0xC60] =	vst.add.f32.msk $0xffff, v18  }
0x157: {  	[tilespmem:s15+$0xC70] =	vst.add.f32.msk $0xffff, v19  }
0x158: {  	[tilespmem:s15+$0x1000] =	vst.add.f32.msk $0xffff, v20  }
0x159: {  	[tilespmem:s15+$0x1010] =	vst.add.f32.msk $0xffff, v21  }
0x15a: {  	[tilespmem:s15+$0x1020] =	vst.add.f32.msk $0xffff, v22  }
0x15b: {  	[tilespmem:s15+$0x1030] =	vst.add.f32.msk $0xffff, v23  }
0x15c: {  	[tilespmem:s15+$0x1040] =	vst.add.f32.msk $0xffff, v24  }
0x15d: {  	[tilespmem:s15+$0x1050] =	vst.add.f32.msk $0xffff, v25  }
0x15e: {  	[tilespmem:s15+$0x1060] =	vst.add.f32.msk $0xffff, v26  }
0x15f: {  	[tilespmem:s15+$0x1070] =	vst.add.f32.msk $0xffff, v27  }
0x160: {  	[tilespmem:s15+$0x1400] =	vst.add.f32.msk $0xffff, v28  }
0x161: {  	[tilespmem:s15+$0x1410] =	vst.add.f32.msk $0xffff, v29  }
0x162: {  	[tilespmem:s15+$0x1420] =	vst.add.f32.msk $0xffff, v30  }
0x163: {  	[tilespmem:s15+$0x1430] =	vst.add.f32.msk $0xffff, v31  }
0x164: {  	[tilespmem:s15+$0x1440] =	vst.add.f32.msk $0xffff, v32  }
0x165: {  	[tilespmem:s15+$0x1450] =	vst.add.f32.msk $0xffff, v33  }
0x166: {  	[tilespmem:s15+$0x1460] =	vst.add.f32.msk $0xffff, v34  }
0x167: {  	[tilespmem:s15+$0x1470] =	vst.add.f32.msk $0xffff, v35  }
0x168: {  	[tilespmem:s15+$0x1800] =	vst.add.f32.msk $0xffff, v36  }
0x169: {  	[tilespmem:s15+$0x1810] =	vst.add.f32.msk $0xffff, v37  }
0x16a: {  	[tilespmem:s15+$0x1820] =	vst.add.f32.msk $0xffff, v38  }
0x16b: {  	[tilespmem:s15+$0x1830] =	vst.add.f32.msk $0xffff, v39  }
0x16c: {  	[tilespmem:s15+$0x1840] =	vst.add.f32.msk $0xffff, v40  }
0x16d: {  	[tilespmem:s15+$0x1850] =	vst.add.f32.msk $0xffff, v41  }
0x16e: {  	[tilespmem:s15+$0x1860] =	vst.add.f32.msk $0xffff, v42  }
0x16f: {  	[tilespmem:s15+$0x1870] =	vst.add.f32.msk $0xffff, v43  }
0x170: {  	[tilespmem:s15+$0x1C00] =	vst.add.f32.msk $0xffff, v44  }
0x171: {  	[tilespmem:s15+$0x1C10] =	vst.add.f32.msk $0xffff, v45  }
0x172: {  	[tilespmem:s15+$0x1C20] =	vst.add.f32.msk $0xffff, v46  }
0x173: {  	[tilespmem:s15+$0x1C30] =	vst.add.f32.msk $0xffff, v47  }
0x174: {  	[tilespmem:s15+$0x1C40] =	vst.add.f32.msk $0xffff, v48  }
0x175: {  	[tilespmem:s15+$0x1C50] =	vst.add.f32.msk $0xffff, v49  }
0x176: {  	[tilespmem:s15+$0x1C60] =	vst.add.f32.msk $0xffff, v50  }
0x177: {  	[tilespmem:s15+$0x1C70] =	vst.add.f32.msk $0xffff, v51  }
0x178: {  	[tilespmem:s15+$0x2000] =	vst.add.f32.msk $0xffff, v52  }
0x179: {  	[tilespmem:s15+$0x2010] =	vst.add.f32.msk $0xffff, v53  }
0x17a: {  	[tilespmem:s15+$0x2020] =	vst.add.f32.msk $0xffff, v54  }
0x17b: {  	[tilespmem:s15+$0x2030] =	vst.add.f32.msk $0xffff, v55  }
0x17c: {  	[tilespmem:s15+$0x2040] =	vst.add.f32.msk $0xffff, v56  }
0x17d: {  	[tilespmem:s15+$0x2050] =	vst.add.f32.msk $0xffff, v57  }
0x17e: {  	[tilespmem:s15+$0x2060] =	vst.add.f32.msk $0xffff, v58  }
0x17f: {  	[tilespmem:s15+$0x2070] =	vst.add.f32.msk $0xffff, v59  }
.Ltmp2:
0x180: {  	[tilespmem:s15+$0x2400] =	vst.add.f32.msk $0xffff, v60;
	(pc) =	sbr.rel @p0 .LBB2_7-.Ltmp2, $4  }
0x181: {  	[tilespmem:s15+$0x2410] =	vst.add.f32.msk $0xffff, v61  }
0x182: {  	[tilespmem:s15+$0x2420] =	vst.add.f32.msk $0xffff, v62  }
0x183: {  	s16 =	sadd.s32 $0x80, s16;
	[tilespmem:s15+$0x2430] =	vst.add.f32.msk $0xffff, v63  }
0x184: {  	s18 =	sand.u32 $0x2000, s17;
	s19 =	sand.u32 $0x380, s16;
	s17 =	sadd.s32 $0x400, s17;
	[tilespmem:s15+$0x2440] =	vst.add.f32.msk $0xffff, v5  }
0x185: {  	s16 =	sor.u32 s18, s19;
	[tilespmem:s15+$0x2450] =	vst.add.f32.msk $0xffff, v4  }
0x186: {  	[tilespmem:s15+$0x2460] =	vst.add.f32.msk $0xffff, v3;
	s16 =	sor.u32 s14, s16  }
0x187: {  	v0 =	vld [tilespmem:s16+$0xA470]  }
0x188: {  	v2 =	vld [tilespmem:s16+$0x8800]  }
0x189: {  	v3 =	vld [tilespmem:s16+$0x8810]  }
0x18a: {  	v4 =	vld [tilespmem:s16+$0x8820]  }
0x18b: {  	v5 =	vld [tilespmem:s16+$0x8830]  }
0x18c: {  	v6 =	vld [tilespmem:s16+$0x8850]  }
0x18d: {  	v7 =	vld [tilespmem:s16+$0x8860]  }
0x18e: {  	v8 =	vld [tilespmem:s16+$0x8870]  }
0x18f: {  	v9 =	vld [tilespmem:s16+$0x8C00]  }
0x190: {  	v10 =	vld [tilespmem:s16+$0x8C10]  }
0x191: {  	v11 =	vld [tilespmem:s16+$0x8C20]  }
0x192: {  	v12 =	vld [tilespmem:s16+$0x8C30]  }
0x193: {  	v13 =	vld [tilespmem:s16+$0x8C40]  }
0x194: {  	v14 =	vld [tilespmem:s16+$0x8C50]  }
0x195: {  	v15 =	vld [tilespmem:s16+$0x8C60]  }
0x196: {  	v16 =	vld [tilespmem:s16+$0x8C70]  }
0x197: {  	v17 =	vld [tilespmem:s16+$0x9000]  }
0x198: {  	v18 =	vld [tilespmem:s16+$0x9010]  }
0x199: {  	v19 =	vld [tilespmem:s16+$0x9020]  }
0x19a: {  	v20 =	vld [tilespmem:s16+$0x9030]  }
0x19b: {  	v21 =	vld [tilespmem:s16+$0x9040]  }
0x19c: {  	v22 =	vld [tilespmem:s16+$0x9050]  }
0x19d: {  	v23 =	vld [tilespmem:s16+$0x9060]  }
0x19e: {  	v24 =	vld [tilespmem:s16+$0x9070]  }
0x19f: {  	v25 =	vld [tilespmem:s16+$0x9400]  }
0x1a0: {  	v26 =	vld [tilespmem:s16+$0x9410]  }
0x1a1: {  	v27 =	vld [tilespmem:s16+$0x9420]  }
0x1a2: {  	v28 =	vld [tilespmem:s16+$0x9430]  }
0x1a3: {  	v29 =	vld [tilespmem:s16+$0x9440]  }
0x1a4: {  	v30 =	vld [tilespmem:s16+$0x9450]  }
0x1a5: {  	v31 =	vld [tilespmem:s16+$0x9460]  }
0x1a6: {  	v32 =	vld [tilespmem:s16+$0x9470]  }
0x1a7: {  	v33 =	vld [tilespmem:s16+$0x9800]  }
0x1a8: {  	v34 =	vld [tilespmem:s16+$0x9810]  }
0x1a9: {  	v35 =	vld [tilespmem:s16+$0x9820]  }
0x1aa: {  	v36 =	vld [tilespmem:s16+$0x9830]  }
0x1ab: {  	v37 =	vld [tilespmem:s16+$0x9840]  }
0x1ac: {  	v38 =	vld [tilespmem:s16+$0x9850]  }
0x1ad: {  	v39 =	vld [tilespmem:s16+$0x9860]  }
0x1ae: {  	v40 =	vld [tilespmem:s16+$0x9870]  }
0x1af: {  	v41 =	vld [tilespmem:s16+$0x9C00]  }
0x1b0: {  	v42 =	vld [tilespmem:s16+$0x9C10]  }
0x1b1: {  	v43 =	vld [tilespmem:s16+$0x9C20]  }
0x1b2: {  	v44 =	vld [tilespmem:s16+$0x9C30]  }
0x1b3: {  	v45 =	vld [tilespmem:s16+$0x9C40]  }
0x1b4: {  	v46 =	vld [tilespmem:s16+$0x9C50]  }
0x1b5: {  	v47 =	vld [tilespmem:s16+$0x9C60]  }
0x1b6: {  	v48 =	vld [tilespmem:s16+$0x9C70]  }
0x1b7: {  	v49 =	vld [tilespmem:s16+$0xA000]  }
0x1b8: {  	v50 =	vld [tilespmem:s16+$0xA010]  }
0x1b9: {  	v51 =	vld [tilespmem:s16+$0xA020]  }
0x1ba: {  	v52 =	vld [tilespmem:s16+$0xA030]  }
0x1bb: {  	v53 =	vld [tilespmem:s16+$0xA040]  }
0x1bc: {  	v54 =	vld [tilespmem:s16+$0xA050]  }
0x1bd: {  	v55 =	vld [tilespmem:s16+$0xA060]  }
0x1be: {  	v56 =	vld [tilespmem:s16+$0xA070]  }
0x1bf: {  	v57 =	vld [tilespmem:s16+$0xA400]  }
0x1c0: {  	v58 =	vld [tilespmem:s16+$0xA410]  }
0x1c1: {  	v59 =	vld [tilespmem:s16+$0xA420]  }
0x1c2: {  	v60 =	vld [tilespmem:s16+$0xA430]  }
0x1c3: {  	v61 =	vld [tilespmem:s16+$0xA440]  }
0x1c4: {  	v62 =	vld [tilespmem:s16+$0xA450]  }
0x1c5: {  	v63 =	vld [tilespmem:s16+$0xA460]  }
0x1c6: {  	[tilespmem:s16+$0x2470] =	vst.add.f32.msk $0xffff, v0  }
0x1c7: {  	v0 =	vld [tilespmem:s16+$0x8840]  }
0x1c8: {  	[tilespmem:s16+$0x800] =	vst.add.f32.msk $0xffff, v2  }
0x1c9: {  	[tilespmem:s16+$0x810] =	vst.add.f32.msk $0xffff, v3  }
0x1ca: {  	[tilespmem:s16+$0x820] =	vst.add.f32.msk $0xffff, v4  }
0x1cb: {  	[tilespmem:s16+$0x830] =	vst.add.f32.msk $0xffff, v5  }
0x1cc: {  	[tilespmem:s16+$0x850] =	vst.add.f32.msk $0xffff, v6  }
0x1cd: {  	[tilespmem:s16+$0x860] =	vst.add.f32.msk $0xffff, v7  }
0x1ce: {  	[tilespmem:s16+$0x870] =	vst.add.f32.msk $0xffff, v8  }
0x1cf: {  	[tilespmem:s16+$0xC00] =	vst.add.f32.msk $0xffff, v9  }
0x1d0: {  	[tilespmem:s16+$0xC10] =	vst.add.f32.msk $0xffff, v10  }
0x1d1: {  	[tilespmem:s16+$0xC20] =	vst.add.f32.msk $0xffff, v11  }
0x1d2: {  	[tilespmem:s16+$0xC30] =	vst.add.f32.msk $0xffff, v12  }
0x1d3: {  	[tilespmem:s16+$0xC40] =	vst.add.f32.msk $0xffff, v13  }
0x1d4: {  	[tilespmem:s16+$0xC50] =	vst.add.f32.msk $0xffff, v14  }
0x1d5: {  	[tilespmem:s16+$0xC60] =	vst.add.f32.msk $0xffff, v15  }
0x1d6: {  	[tilespmem:s16+$0xC70] =	vst.add.f32.msk $0xffff, v16  }
0x1d7: {  	[tilespmem:s16+$0x1000] =	vst.add.f32.msk $0xffff, v17  }
0x1d8: {  	[tilespmem:s16+$0x1010] =	vst.add.f32.msk $0xffff, v18  }
0x1d9: {  	[tilespmem:s16+$0x1020] =	vst.add.f32.msk $0xffff, v19  }
0x1da: {  	[tilespmem:s16+$0x1030] =	vst.add.f32.msk $0xffff, v20  }
0x1db: {  	[tilespmem:s16+$0x1040] =	vst.add.f32.msk $0xffff, v21  }
0x1dc: {  	[tilespmem:s16+$0x1050] =	vst.add.f32.msk $0xffff, v22  }
0x1dd: {  	[tilespmem:s16+$0x1060] =	vst.add.f32.msk $0xffff, v23  }
0x1de: {  	[tilespmem:s16+$0x1070] =	vst.add.f32.msk $0xffff, v24  }
0x1df: {  	[tilespmem:s16+$0x1400] =	vst.add.f32.msk $0xffff, v25  }
0x1e0: {  	[tilespmem:s16+$0x1410] =	vst.add.f32.msk $0xffff, v26  }
0x1e1: {  	[tilespmem:s16+$0x1420] =	vst.add.f32.msk $0xffff, v27  }
0x1e2: {  	[tilespmem:s16+$0x1430] =	vst.add.f32.msk $0xffff, v28  }
0x1e3: {  	[tilespmem:s16+$0x1440] =	vst.add.f32.msk $0xffff, v29  }
0x1e4: {  	[tilespmem:s16+$0x1450] =	vst.add.f32.msk $0xffff, v30  }
0x1e5: {  	[tilespmem:s16+$0x1460] =	vst.add.f32.msk $0xffff, v31  }
0x1e6: {  	[tilespmem:s16+$0x1470] =	vst.add.f32.msk $0xffff, v32  }
0x1e7: {  	[tilespmem:s16+$0x1800] =	vst.add.f32.msk $0xffff, v33  }
0x1e8: {  	[tilespmem:s16+$0x1810] =	vst.add.f32.msk $0xffff, v34  }
0x1e9: {  	[tilespmem:s16+$0x1820] =	vst.add.f32.msk $0xffff, v35  }
0x1ea: {  	[tilespmem:s16+$0x1830] =	vst.add.f32.msk $0xffff, v36  }
0x1eb: {  	[tilespmem:s16+$0x1840] =	vst.add.f32.msk $0xffff, v37  }
0x1ec: {  	[tilespmem:s16+$0x1850] =	vst.add.f32.msk $0xffff, v38  }
0x1ed: {  	[tilespmem:s16+$0x1860] =	vst.add.f32.msk $0xffff, v39  }
0x1ee: {  	[tilespmem:s16+$0x1870] =	vst.add.f32.msk $0xffff, v40  }
0x1ef: {  	[tilespmem:s16+$0x1C00] =	vst.add.f32.msk $0xffff, v41  }
0x1f0: {  	[tilespmem:s16+$0x1C10] =	vst.add.f32.msk $0xffff, v42  }
0x1f1: {  	[tilespmem:s16+$0x1C20] =	vst.add.f32.msk $0xffff, v43  }
0x1f2: {  	[tilespmem:s16+$0x1C30] =	vst.add.f32.msk $0xffff, v44  }
0x1f3: {  	[tilespmem:s16+$0x1C40] =	vst.add.f32.msk $0xffff, v45  }
0x1f4: {  	[tilespmem:s16+$0x1C50] =	vst.add.f32.msk $0xffff, v46  }
0x1f5: {  	[tilespmem:s16+$0x1C60] =	vst.add.f32.msk $0xffff, v47  }
0x1f6: {  	[tilespmem:s16+$0x1C70] =	vst.add.f32.msk $0xffff, v48  }
0x1f7: {  	[tilespmem:s16+$0x2000] =	vst.add.f32.msk $0xffff, v49  }
0x1f8: {  	[tilespmem:s16+$0x2010] =	vst.add.f32.msk $0xffff, v50  }
0x1f9: {  	[tilespmem:s16+$0x2020] =	vst.add.f32.msk $0xffff, v51  }
0x1fa: {  	[tilespmem:s16+$0x2030] =	vst.add.f32.msk $0xffff, v52  }
0x1fb: {  	[tilespmem:s16+$0x2040] =	vst.add.f32.msk $0xffff, v53  }
0x1fc: {  	[tilespmem:s16+$0x2050] =	vst.add.f32.msk $0xffff, v54  }
0x1fd: {  	[tilespmem:s16+$0x2060] =	vst.add.f32.msk $0xffff, v55  }
0x1fe: {  	[tilespmem:s16+$0x2070] =	vst.add.f32.msk $0xffff, v56  }
0x1ff: {  	[tilespmem:s16+$0x2400] =	vst.add.f32.msk $0xffff, v57  }
0x200: {  	[tilespmem:s16+$0x2410] =	vst.add.f32.msk $0xffff, v58  }
0x201: {  	[tilespmem:s16+$0x2420] =	vst.add.f32.msk $0xffff, v59  }
0x202: {  	[tilespmem:s16+$0x2430] =	vst.add.f32.msk $0xffff, v60  }
0x203: {  	p0 =	sne.s32 s12, $0x8;
	[tilespmem:s16+$0x2440] =	vst.add.f32.msk $0xffff, v61  }
.Ltmp3:
0x204: {  	[tilespmem:s16+$0x2450] =	vst.add.f32.msk $0xffff, v62;
	(pc) =	sbr.rel @p0 .LBB2_2-.Ltmp3, $4  }
0x205: {  	s1 =	sshll.u32 s1, $0xB;
	[tilespmem:s16+$0x2460] =	vst.add.f32.msk $0xffff, v63  }
0x206: {  	s19 =	sadd.s32 $0x800, s14;
	s13 =	sadd.s32 $0x3, s13;
	s1 =	sadd.s32 s1, s9;
	[tilespmem:s16+$0x840] =	vst.add.f32.msk $0xffff, v0  }
0x207: {  	[hbm4b:s1+s2] =	stream.linear.scatter [tilespmem:s19], [sflag:s13], $0x4000, $0x38;
	[tilespmem:$0x10800] =	vst v63  }
0x208: {  	s1 =	smov.u32 s12  }
0x209: {  	s0 =	sadd.s32 $0x1, s0  }
0x20a: {  	_ =	swait.ge [sflag:s30], $0x4000;
	p0 =	sne.s32 s0, s10  }
.Ltmp4:
0x20b: {  	[sflag:s30] =	ssyncset.done $0x0;
	(pc) =	sbr.rel @p0 .LBB2_1-.Ltmp4, $4  }
0x20c: {  	[sflag:s30] =	ssyncadd.s32 $0xFFFFC000  }
0x20d: {  	_ =	swait.ge [sflag:s31], $0x4000  }
0x20e: {  	[sflag:s31] =	ssyncset.done $0x0  }
0x20f: {  	[sflag:s31] =	ssyncadd.s32 $0xFFFFC000  }
0x210: {  	_ =	sfence.sel $0x180000  }
0x211: {  	[bflag:$0x0] =	sbarrier.arrive $0xFFFF  }
0x212: {  	_ =	strace $0x9000004A  }
0x213: {  	s0 =	stileid.u32;
	[bflag:$0x2] =	sbarrier.arrive $0xFFFF  }
0x214: {  	p0 =	sne.s32 s0, $0x0;
	s0 =	rddreg [dreg:$0x2]  }
0x215: {  	s0 =	sadd.s32 @!p0 $0x100000, s0  }
0x216: {  	[sflag:s0] =	ssyncadd.tile.s32 @!p0 $0x1;
	_ =	shalt  }
.Lfunc_end2:
_tile_overlayer_lowered:
.L_overlay_start_2:
0x217: {  	(tag) =	ssettag $0x2  }
0x218: {  	s0 =	rddreg [dreg:$0x0];
	s2 =	stileid.u32  }
0x219: {  	s1 =	rddreg [dreg:$0x1];
	p0 =	sne.s32 s2, $0x0  }
0x21a: {  	s3 =	rddreg [dreg:$0x2];
	[bflag:$0x3] =	sbarrier.arrive $0xFFFF;
	s2 =	simm.s32 @!p0 $0x1C05  }
0x21b: {  	[timem:s3], [sflag:s2] =	dma.local @!p0 [hbm:s0], s1  }
0x21c: {  	s0 =	simm.s32 @!p0 $0x5  }
0x21d: {  	_ =	swait.ge @!p0 [sflag:s0], s1  }
0x21e: {  	s1 =	ssub.s32 @!p0 $0x0, s1;
	[sflag:s0] =	ssyncset.done @!p0 $0x0  }
0x21f: {  	[sflag:s0] =	ssyncadd.s32 @!p0 s1  }
0x220: {  	[bflag:$0x3] =	sbarrier.arrive $0xFFFF  }
0x221: {  	_ =	shalt  }

</sc_bundles>
